<compile_context>
chip_gen: v7x
topology: tpu7x:2x2x1
jax: 0.10.2.dev20260603
libtpu: 0.0.44.dev20260713+nightly
codegen_flags: <defaults>
</compile_context>

<pallas_src>
import functools

import jax
import jax.numpy as jnp
from jax import lax
from jax.experimental import pallas as pl
from jax.experimental.pallas import tpu as pltpu
from jax.experimental.pallas import tpu_sc as plsc

N, C, K = 200000, 16, 27
EPS = 1e-5

NW = 32
PER_W = 6272
N2 = NW * PER_W
CH = 128
CHUNKS = PER_W // CH
ROWS = CH * K
STRIPS = ROWS // 128

BLK = 1024
FBLK = 800


def _embed_sum_body(table_hbm, cidx_hbm, h_hbm, stats_hbm,
                    idx_v, rows_v, out_v, stats_v, isem, gsem):
    wid = lax.axis_index("s") * 2 + lax.axis_index("c")
    base = wid * PER_W

    def chunk_body(j, carry):
        s_acc, q_acc = carry
        cbase = base + j * CH
        ioff = pl.multiple_of(cbase * K, 8)
        pltpu.async_copy(cidx_hbm.at[pl.ds(ioff, ROWS)], idx_v, isem).wait()
        copies = []
        for s in range(STRIPS):
            copies.append(pltpu.async_copy(
                table_hbm.at[idx_v.at[pl.ds(s * 128, 128)]],
                rows_v.at[pl.ds(s * 128, 128)], gsem))
        for cp in copies:
            cp.wait()

        def voxel_body(v, carry2):
            s2, q2 = carry2
            r0 = v * K
            acc = rows_v[r0, :]
            for k in range(1, K):
                acc = acc + rows_v[r0 + k, :]
            out_v[v, :] = acc
            m = jnp.where(cbase + v < N, 1.0, 0.0)
            return (s2 + acc * m, q2 + acc * acc * m)

        s_acc, q_acc = lax.fori_loop(0, CH, voxel_body, (s_acc, q_acc))
        pltpu.sync_copy(out_v, h_hbm.at[pl.ds(cbase, CH)])
        return (s_acc, q_acc)

    zero = jnp.zeros((C,), jnp.float32)
    s_acc, q_acc = lax.fori_loop(0, CHUNKS, chunk_body, (zero, zero))
    stats_v[0, :] = s_acc
    stats_v[1, :] = q_acc
    pltpu.sync_copy(stats_v, stats_hbm.at[wid])


_embed_sum = functools.partial(
    pl.kernel,
    mesh=plsc.VectorSubcoreMesh(core_axis_name="c", subcore_axis_name="s"),
    out_type=[jax.ShapeDtypeStruct((N2, C), jnp.float32),
              jax.ShapeDtypeStruct((NW, 2, C), jnp.float32)],
    scratch_types=[
        pltpu.VMEM((ROWS,), jnp.int32),
        pltpu.VMEM((ROWS, C), jnp.float32),
        pltpu.VMEM((CH, C), jnp.float32),
        pltpu.VMEM((2, C), jnp.float32),
        pltpu.SemaphoreType.DMA,
        pltpu.SemaphoreType.DMA,
    ],
    compiler_params=pltpu.CompilerParams(use_tc_tiling_on_sc=False),
)(_embed_sum_body)


def _pmat_plain_body(x_ref, w_ref, o_ref):
    o_ref[...] = jnp.dot(x_ref[...], w_ref[...],
                         preferred_element_type=jnp.float32)


def _bn_coeffs(st_ref, g_ref, b_ref):
    st = st_ref[...]
    mu = jnp.sum(st[:, 0, :], axis=0) * (1.0 / N)
    msq = jnp.sum(st[:, 1, :], axis=0) * (1.0 / N)
    var = msq - mu * mu
    a = g_ref[0, :] * lax.rsqrt(var + EPS)
    b = b_ref[0, :] - mu * a
    return a, b


def _pmat_bn_body(x_ref, st_ref, g_ref, b_ref, w_ref, o_ref):
    a, b = _bn_coeffs(st_ref, g_ref, b_ref)
    act = jnp.maximum(x_ref[...] * a[None, :] + b[None, :], 0.0)
    o_ref[...] = jnp.dot(act, w_ref[...], preferred_element_type=jnp.float32)


def _final_body(x_ref, st_ref, g_ref, b_ref, f_ref, o_ref):
    a, b = _bn_coeffs(st_ref, g_ref, b_ref)
    o_ref[...] = jnp.maximum(
        x_ref[...] * a[None, :] + b[None, :] + f_ref[...], 0.0)


def _pmat_plain(x, wcat):
    return pl.pallas_call(
        _pmat_plain_body,
        grid=(N2 // BLK,),
        in_specs=[pl.BlockSpec((BLK, C), lambda i: (i, 0)),
                  pl.BlockSpec((C, K * C), lambda i: (0, 0))],
        out_specs=pl.BlockSpec((BLK, K * C), lambda i: (i, 0)),
        out_shape=jax.ShapeDtypeStruct((N2, K * C), jnp.float32),
    )(x, wcat)


def _pmat_bn(x, st, g, b, wcat):
    return pl.pallas_call(
        _pmat_bn_body,
        grid=(N2 // BLK,),
        in_specs=[pl.BlockSpec((BLK, C), lambda i: (i, 0)),
                  pl.BlockSpec((NW, 2, C), lambda i: (0, 0, 0)),
                  pl.BlockSpec((1, C), lambda i: (0, 0)),
                  pl.BlockSpec((1, C), lambda i: (0, 0)),
                  pl.BlockSpec((C, K * C), lambda i: (0, 0))],
        out_specs=pl.BlockSpec((BLK, K * C), lambda i: (i, 0)),
        out_shape=jax.ShapeDtypeStruct((N2, K * C), jnp.float32),
    )(x, st, g, b, wcat)


def _final(x, st, g, b, feat):
    return pl.pallas_call(
        _final_body,
        grid=(N // FBLK,),
        in_specs=[pl.BlockSpec((FBLK, C), lambda i: (i, 0)),
                  pl.BlockSpec((NW, 2, C), lambda i: (0, 0, 0)),
                  pl.BlockSpec((1, C), lambda i: (0, 0)),
                  pl.BlockSpec((1, C), lambda i: (0, 0)),
                  pl.BlockSpec((FBLK, C), lambda i: (i, 0))],
        out_specs=pl.BlockSpec((FBLK, C), lambda i: (i, 0)),
        out_shape=jax.ShapeDtypeStruct((N, C), jnp.float32),
    )(x, st, g, b, feat)


def kernel(features, neighbor_idx, W1, gamma1, beta1, W2, gamma2, beta2):
    feat_p = jnp.pad(features, ((0, N2 - N), (0, 0)))
    nidx_p = jnp.pad(neighbor_idx, ((0, N2 - N), (0, 0)))
    cidx = (nidx_p * K
            + jnp.arange(K, dtype=jnp.int32)[None, :]).reshape(N2 * K)
    w1cat = W1.transpose(1, 0, 2).reshape(C, K * C)
    w2cat = W2.transpose(1, 0, 2).reshape(C, K * C)
    g1 = gamma1.reshape(1, C)
    b1 = beta1.reshape(1, C)
    g2 = gamma2.reshape(1, C)
    b2 = beta2.reshape(1, C)

    t1 = _pmat_plain(feat_p, w1cat)
    h1, st1 = _embed_sum(t1.reshape(N2 * K, C), cidx)
    t2 = _pmat_bn(h1, st1, g1, b1, w2cat)
    h2, st2 = _embed_sum(t2.reshape(N2 * K, C), cidx)
    return _final(h2, st2, g2, b2, features)

# --- scband reference (transcript-rebuilt; emitter-appended) ---
"""Pipeline reference for scband-sparse-residual-block-61993557951056 (READ-ONLY COPY).

The authoritative reference and input builder live on the scoring server;
editing this copy changes nothing except your own understanding.
"""

import jax, jax.numpy as jnp
import numpy as np

N, C, K = 200000, 16, 27
EPS = 1e-5


def setup_inputs(seed: int = 0) -> dict:
    key = jax.random.key(seed)
    ks = jax.random.split(key, 6)
    features = jax.random.normal(ks[0], (N, C), dtype=jnp.float32)
    neighbor_idx = jax.random.randint(ks[1], (N, K), 0, N, dtype=jnp.int32)
    scale = 1.0 / np.sqrt(K * C)
    W1 = jax.random.normal(ks[2], (K, C, C), dtype=jnp.float32) * scale
    W2 = jax.random.normal(ks[3], (K, C, C), dtype=jnp.float32) * scale
    gamma1 = jnp.ones((C,), dtype=jnp.float32)
    beta1 = jnp.zeros((C,), dtype=jnp.float32)
    gamma2 = jnp.ones((C,), dtype=jnp.float32)
    beta2 = jnp.zeros((C,), dtype=jnp.float32)
    return {"features": features, "neighbor_idx": neighbor_idx, "W1": W1,
            "gamma1": gamma1, "beta1": beta1, "W2": W2, "gamma2": gamma2,
            "beta2": beta2}


def _subm_conv(feat, neighbor_idx, W):
    # Submanifold 3x3x3 conv: gather 27 neighbors per active voxel, then
    # per-kernel-offset matmul and sum. gathered: [N, 27, C]
    gathered = jnp.take(feat, neighbor_idx, axis=0)
    return jnp.einsum('nkc,kcd->nd', gathered, W)


def _batchnorm(x, gamma, beta):
    # BatchNorm1d in training mode: batch statistics over the voxel axis
    mu = jnp.mean(x, axis=0)
    var = jnp.var(x, axis=0)
    return gamma * (x - mu) / jnp.sqrt(var + EPS) + beta


def reference(features, neighbor_idx, W1, gamma1, beta1, W2, gamma2, beta2):
    identity = features
    out = _subm_conv(features, neighbor_idx, W1)
    out = jax.nn.relu(_batchnorm(out, gamma1, beta1))
    out = _subm_conv(out, neighbor_idx, W2)
    out = _batchnorm(out, gamma2, beta2)
    out = out + identity
    out = jax.nn.relu(out)
    return out

if __name__ == "__main__":
    import jax
    _d = setup_inputs()
    print(jax.jit(kernel)(*tuple(_d.values())))

</pallas_src>

<mosaic_0001>
#map = affine_map<(d0, d1) -> (0, 0)>
#map1 = affine_map<(d0, d1) -> (0)>
#map2 = affine_map<(d0, d1) -> (0, 0, 0)>
module attributes {stable_mosaic.version = 14 : i64} {
  func.func @_embed_sum_body(%arg0: i32, %arg1: i32, %arg2: memref<5419008x16xf32, #tpu.memory_space<hbm>>, %arg3: memref<5419008xi32, #tpu.memory_space<hbm>>, %arg4: memref<200704x16xf32, #tpu.memory_space<hbm>>, %arg5: memref<32x2x16xf32, #tpu.memory_space<hbm>>, %arg6: memref<3456xi32, #tpu.memory_space<vmem>>, %arg7: memref<3456x16xf32, #tpu.memory_space<vmem>>, %arg8: memref<128x16xf32, #tpu.memory_space<vmem>>, %arg9: memref<2x16xf32, #tpu.memory_space<vmem>>, %arg10: memref<!tpu.dma_semaphore, #tpu.memory_space<semaphore_mem>>, %arg11: memref<!tpu.dma_semaphore, #tpu.memory_space<semaphore_mem>>) attributes {dimension_semantics = [#tpu.dimension_semantics<core_parallel>, #tpu.dimension_semantics<subcore_parallel>], iteration_bounds = array<i64: 2, 16>, scalar_prefetch = 0 : i64, scratch_operands = 6 : i64, tpu.core_type = #tpu.core_type<sc_vector_subcore>, window_params = [{transform_indices = #map}, {transform_indices = #map1}, {transform_indices = #map}, {transform_indices = #map2}]} {
    %mul3A = arith.constant 2 : i32
    %mul3A_0 = arith.muli %arg1, %mul3A : i32
    %add3A = arith.addi %mul3A_0, %arg0 : i32
    %mul3A_1 = arith.constant 6272 : i32
    %mul3A_2 = arith.muli %add3A, %mul3A_1 : i32
    %broadcast_in_dim3A = arith.constant 0.000000e+00 : f32
    %broadcast_in_dim3A_3 = vector.broadcast %broadcast_in_dim3A : f32 to vector<16xf32>
    %scan3A = arith.constant 0 : i32
    %scan3A_4 = arith.constant 49 : i32
    %scan3A_5 = arith.addi %scan3A, %scan3A_4 : i32
    %scan3A_6 = arith.constant 1 : i32
    %scan3A_7:2 = scf.for %scan3A_20 = %scan3A to %scan3A_5 step %scan3A_6 iter_args(%scan3A_21 = %broadcast_in_dim3A_3, %scan3A_22 = %broadcast_in_dim3A_3) -> (vector<16xf32>, vector<16xf32>)  : i32 {
      %mul3A_23 = arith.constant 128 : i32
      %mul3A_24 = arith.muli %scan3A_20, %mul3A_23 : i32
      %add3A_25 = arith.addi %mul3A_2, %mul3A_24 : i32
      %mul3A_26 = arith.constant 27 : i32
      %mul3A_27 = arith.muli %add3A_25, %mul3A_26 : i32
      %multiple_of3A = tpu.assume_multiple %mul3A_27, 8 : i32
      %dma_start3A = tpu.memref_slice %arg3[%multiple_of3A] : memref<5419008xi32, #tpu.memory_space<hbm>> -> memref<3456xi32, #tpu.memory_space<hbm>>
      %dma_start3A_28 = tpu.memref_slice %arg3[%multiple_of3A] : memref<5419008xi32, #tpu.memory_space<hbm>> -> memref<3456xi32, #tpu.memory_space<hbm>>
      tpu.enqueue_dma source(%dma_start3A_28 : memref<3456xi32, #tpu.memory_space<hbm>>) target(%arg6 : memref<3456xi32, #tpu.memory_space<vmem>>) target_semaphore(%arg10 : memref<!tpu.dma_semaphore, #tpu.memory_space<semaphore_mem>>)
      %dma_wait3A = tpu.memref_slice %arg3[%multiple_of3A] : memref<5419008xi32, #tpu.memory_space<hbm>> -> memref<3456xi32, #tpu.memory_space<hbm>>
      %dma_wait3A_29 = tpu.memref_slice %arg3[%multiple_of3A] : memref<5419008xi32, #tpu.memory_space<hbm>> -> memref<3456xi32, #tpu.memory_space<hbm>>
      tpu.wait_dma2 semaphore(%arg10 : memref<!tpu.dma_semaphore, #tpu.memory_space<semaphore_mem>>) src(%dma_wait3A_29 : memref<3456xi32, #tpu.memory_space<hbm>>) dst(%arg6 : memref<3456xi32, #tpu.memory_space<vmem>>)
      %dma_start3A_30 = arith.constant 0 : i32
      %dma_start3A_31 = arith.constant 0 : i32
      %dma_start3A_32 = tpu.memref_slice %arg7[%dma_start3A_30, %dma_start3A_31] : memref<3456x16xf32, #tpu.memory_space<vmem>> -> memref<128x16xf32, #tpu.memory_space<vmem>>
      %dma_start3A_33 = arith.constant 0 : i32
      %dma_start3A_34 = tpu.memref_slice %arg6[%dma_start3A_33] : memref<3456xi32, #tpu.memory_space<vmem>> -> memref<128xi32, #tpu.memory_space<vmem>>
      %dma_start3A_35 = arith.constant 0 : i32
      %dma_start3A_36 = arith.constant 0 : i32
      %dma_start3A_37 = tpu.memref_slice %arg2[%dma_start3A_35, %dma_start3A_36] : memref<5419008x16xf32, #tpu.memory_space<hbm>> -> memref<5419008x16xf32, #tpu.memory_space<hbm>>
      tpu.enqueue_indirect_dma source(%dma_start3A_37 : memref<5419008x16xf32, #tpu.memory_space<hbm>>) target(%dma_start3A_32 : memref<128x16xf32, #tpu.memory_space<vmem>>) offsets(%dma_start3A_34 : memref<128xi32, #tpu.memory_space<vmem>>) semaphore(%arg11 : memref<!tpu.dma_semaphore, #tpu.memory_space<semaphore_mem>>)
      %dma_start3A_38 = arith.constant 128 : i32
      %dma_start3A_39 = arith.constant 0 : i32
      %dma_start3A_40 = tpu.memref_slice %arg7[%dma_start3A_38, %dma_start3A_39] : memref<3456x16xf32, #tpu.memory_space<vmem>> -> memref<128x16xf32, #tpu.memory_space<vmem>>
      %dma_start3A_41 = arith.constant 128 : i32
      %dma_start3A_42 = tpu.memref_slice %arg6[%dma_start3A_41] : memref<3456xi32, #tpu.memory_space<vmem>> -> memref<128xi32, #tpu.memory_space<vmem>>
      %dma_start3A_43 = arith.constant 0 : i32
      %dma_start3A_44 = arith.constant 0 : i32
      %dma_start3A_45 = tpu.memref_slice %arg2[%dma_start3A_43, %dma_start3A_44] : memref<5419008x16xf32, #tpu.memory_space<hbm>> -> memref<5419008x16xf32, #tpu.memory_space<hbm>>
      tpu.enqueue_indirect_dma source(%dma_start3A_45 : memref<5419008x16xf32, #tpu.memory_space<hbm>>) target(%dma_start3A_40 : memref<128x16xf32, #tpu.memory_space<vmem>>) offsets(%dma_start3A_42 : memref<128xi32, #tpu.memory_space<vmem>>) semaphore(%arg11 : memref<!tpu.dma_semaphore, #tpu.memory_space<semaphore_mem>>)
      %dma_start3A_46 = arith.constant 256 : i32
      %dma_start3A_47 = arith.constant 0 : i32
      %dma_start3A_48 = tpu.memref_slice %arg7[%dma_start3A_46, %dma_start3A_47] : memref<3456x16xf32, #tpu.memory_space<vmem>> -> memref<128x16xf32, #tpu.memory_space<vmem>>
      %dma_start3A_49 = arith.constant 256 : i32
      %dma_start3A_50 = tpu.memref_slice %arg6[%dma_start3A_49] : memref<3456xi32, #tpu.memory_space<vmem>> -> memref<128xi32, #tpu.memory_space<vmem>>
      %dma_start3A_51 = arith.constant 0 : i32
      %dma_start3A_52 = arith.constant 0 : i32
      %dma_start3A_53 = tpu.memref_slice %arg2[%dma_start3A_51, %dma_start3A_52] : memref<5419008x16xf32, #tpu.memory_space<hbm>> -> memref<5419008x16xf32, #tpu.memory_space<hbm>>
      tpu.enqueue_indirect_dma source(%dma_start3A_53 : memref<5419008x16xf32, #tpu.memory_space<hbm>>) target(%dma_start3A_48 : memref<128x16xf32, #tpu.memory_space<vmem>>) offsets(%dma_start3A_50 : memref<128xi32, #tpu.memory_space<vmem>>) semaphore(%arg11 : memref<!tpu.dma_semaphore, #tpu.memory_space<semaphore_mem>>)
      %dma_start3A_54 = arith.constant 384 : i32
      %dma_start3A_55 = arith.constant 0 : i32
      %dma_start3A_56 = tpu.memref_slice %arg7[%dma_start3A_54, %dma_start3A_55] : memref<3456x16xf32, #tpu.memory_space<vmem>> -> memref<128x16xf32, #tpu.memory_space<vmem>>
      %dma_start3A_57 = arith.constant 384 : i32
      %dma_start3A_58 = tpu.memref_slice %arg6[%dma_start3A_57] : memref<3456xi32, #tpu.memory_space<vmem>> -> memref<128xi32, #tpu.memory_space<vmem>>
      %dma_start3A_59 = arith.constant 0 : i32
      %dma_start3A_60 = arith.constant 0 : i32
      %dma_start3A_61 = tpu.memref_slice %arg2[%dma_start3A_59, %dma_start3A_60] : memref<5419008x16xf32, #tpu.memory_space<hbm>> -> memref<5419008x16xf32, #tpu.memory_space<hbm>>
      tpu.enqueue_indirect_dma source(%dma_start3A_61 : memref<5419008x16xf32, #tpu.memory_space<hbm>>) target(%dma_start3A_56 : memref<128x16xf32, #tpu.memory_space<vmem>>) offsets(%dma_start3A_58 : memref<128xi32, #tpu.memory_space<vmem>>) semaphore(%arg11 : memref<!tpu.dma_semaphore, #tpu.memory_space<semaphore_mem>>)
      %dma_start3A_62 = arith.constant 512 : i32
      %dma_start3A_63 = arith.constant 0 : i32
      %dma_start3A_64 = tpu.memref_slice %arg7[%dma_start3A_62, %dma_start3A_63] : memref<3456x16xf32, #tpu.memory_space<vmem>> -> memref<128x16xf32, #tpu.memory_space<vmem>>
      %dma_start3A_65 = arith.constant 512 : i32
      %dma_start3A_66 = tpu.memref_slice %arg6[%dma_start3A_65] : memref<3456xi32, #tpu.memory_space<vmem>> -> memref<128xi32, #tpu.memory_space<vmem>>
      %dma_start3A_67 = arith.constant 0 : i32
      %dma_start3A_68 = arith.constant 0 : i32
      %dma_start3A_69 = tpu.memref_slice %arg2[%dma_start3A_67, %dma_start3A_68] : memref<5419008x16xf32, #tpu.memory_space<hbm>> -> memref<5419008x16xf32, #tpu.memory_space<hbm>>
      tpu.enqueue_indirect_dma source(%dma_start3A_69 : memref<5419008x16xf32, #tpu.memory_space<hbm>>) target(%dma_start3A_64 : memref<128x16xf32, #tpu.memory_space<vmem>>) offsets(%dma_start3A_66 : memref<128xi32, #tpu.memory_space<vmem>>) semaphore(%arg11 : memref<!tpu.dma_semaphore, #tpu.memory_space<semaphore_mem>>)
      %dma_start3A_70 = arith.constant 640 : i32
      %dma_start3A_71 = arith.constant 0 : i32
      %dma_start3A_72 = tpu.memref_slice %arg7[%dma_start3A_70, %dma_start3A_71] : memref<3456x16xf32, #tpu.memory_space<vmem>> -> memref<128x16xf32, #tpu.memory_space<vmem>>
      %dma_start3A_73 = arith.constant 640 : i32
      %dma_start3A_74 = tpu.memref_slice %arg6[%dma_start3A_73] : memref<3456xi32, #tpu.memory_space<vmem>> -> memref<128xi32, #tpu.memory_space<vmem>>
      %dma_start3A_75 = arith.constant 0 : i32
      %dma_start3A_76 = arith.constant 0 : i32
      %dma_start3A_77 = tpu.memref_slice %arg2[%dma_start3A_75, %dma_start3A_76] : memref<5419008x16xf32, #tpu.memory_space<hbm>> -> memref<5419008x16xf32, #tpu.memory_space<hbm>>
      tpu.enqueue_indirect_dma source(%dma_start3A_77 : memref<5419008x16xf32, #tpu.memory_space<hbm>>) target(%dma_start3A_72 : memref<128x16xf32, #tpu.memory_space<vmem>>) offsets(%dma_start3A_74 : memref<128xi32, #tpu.memory_space<vmem>>) semaphore(%arg11 : memref<!tpu.dma_semaphore, #tpu.memory_space<semaphore_mem>>)
      %dma_start3A_78 = arith.constant 768 : i32
      %dma_start3A_79 = arith.constant 0 : i32
      %dma_start3A_80 = tpu.memref_slice %arg7[%dma_start3A_78, %dma_start3A_79] : memref<3456x16xf32, #tpu.memory_space<vmem>> -> memref<128x16xf32, #tpu.memory_space<vmem>>
      %dma_start3A_81 = arith.constant 768 : i32
      %dma_start3A_82 = tpu.memref_slice %arg6[%dma_start3A_81] : memref<3456xi32, #tpu.memory_space<vmem>> -> memref<128xi32, #tpu.memory_space<vmem>>
      %dma_start3A_83 = arith.constant 0 : i32
      %dma_start3A_84 = arith.constant 0 : i32
      %dma_start3A_85 = tpu.memref_slice %arg2[%dma_start3A_83, %dma_start3A_84] : memref<5419008x16xf32, #tpu.memory_space<hbm>> -> memref<5419008x16xf32, #tpu.memory_space<hbm>>
      tpu.enqueue_indirect_dma source(%dma_start3A_85 : memref<5419008x16xf32, #tpu.memory_space<hbm>>) target(%dma_start3A_80 : memref<128x16xf32, #tpu.memory_space<vmem>>) offsets(%dma_start3A_82 : memref<128xi32, #tpu.memory_space<vmem>>) semaphore(%arg11 : memref<!tpu.dma_semaphore, #tpu.memory_space<semaphore_mem>>)
      %dma_start3A_86 = arith.constant 896 : i32
      %dma_start3A_87 = arith.constant 0 : i32
      %dma_start3A_88 = tpu.memref_slice %arg7[%dma_start3A_86, %dma_start3A_87] : memref<3456x16xf32, #tpu.memory_space<vmem>> -> memref<128x16xf32, #tpu.memory_space<vmem>>
      %dma_start3A_89 = arith.constant 896 : i32
      %dma_start3A_90 = tpu.memref_slice %arg6[%dma_start3A_89] : memref<3456xi32, #tpu.memory_space<vmem>> -> memref<128xi32, #tpu.memory_space<vmem>>
      %dma_start3A_91 = arith.constant 0 : i32
      %dma_start3A_92 = arith.constant 0 : i32
      %dma_start3A_93 = tpu.memref_slice %arg2[%dma_start3A_91, %dma_start3A_92] : memref<5419008x16xf32, #tpu.memory_space<hbm>> -> memref<5419008x16xf32, #tpu.memory_space<hbm>>
      tpu.enqueue_indirect_dma source(%dma_start3A_93 : memref<5419008x16xf32, #tpu.memory_space<hbm>>) target(%dma_start3A_88 : memref<128x16xf32, #tpu.memory_space<vmem>>) offsets(%dma_start3A_90 : memref<128xi32, #tpu.memory_space<vmem>>) semaphore(%arg11 : memref<!tpu.dma_semaphore, #tpu.memory_space<semaphore_mem>>)
      %dma_start3A_94 = arith.constant 1024 : i32
      %dma_start3A_95 = arith.constant 0 : i32
      %dma_start3A_96 = tpu.memref_slice %arg7[%dma_start3A_94, %dma_start3A_95] : memref<3456x16xf32, #tpu.memory_space<vmem>> -> memref<128x16xf32, #tpu.memory_space<vmem>>
      %dma_start3A_97 = arith.constant 1024 : i32
      %dma_start3A_98 = tpu.memref_slice %arg6[%dma_start3A_97] : memref<3456xi32, #tpu.memory_space<vmem>> -> memref<128xi32, #tpu.memory_space<vmem>>
      %dma_start3A_99 = arith.constant 0 : i32
      %dma_start3A_100 = arith.constant 0 : i32
      %dma_start3A_101 = tpu.memref_slice %arg2[%dma_start3A_99, %dma_start3A_100] : memref<5419008x16xf32, #tpu.memory_space<hbm>> -> memref<5419008x16xf32, #tpu.memory_space<hbm>>
      tpu.enqueue_indirect_dma source(%dma_start3A_101 : memref<5419008x16xf32, #tpu.memory_space<hbm>>) target(%dma_start3A_96 : memref<128x16xf32, #tpu.memory_space<vmem>>) offsets(%dma_start3A_98 : memref<128xi32, #tpu.memory_space<vmem>>) semaphore(%arg11 : memref<!tpu.dma_semaphore, #tpu.memory_space<semaphore_mem>>)
      %dma_start3A_102 = arith.constant 1152 : i32
      %dma_start3A_103 = arith.constant 0 : i32
      %dma_start3A_104 = tpu.memref_slice %arg7[%dma_start3A_102, %dma_start3A_103] : memref<3456x16xf32, #tpu.memory_space<vmem>> -> memref<128x16xf32, #tpu.memory_space<vmem>>
      %dma_start3A_105 = arith.constant 1152 : i32
      %dma_start3A_106 = tpu.memref_slice %arg6[%dma_start3A_105] : memref<3456xi32, #tpu.memory_space<vmem>> -> memref<128xi32, #tpu.memory_space<vmem>>
      %dma_start3A_107 = arith.constant 0 : i32
      %dma_start3A_108 = arith.constant 0 : i32
      %dma_start3A_109 = tpu.memref_slice %arg2[%dma_start3A_107, %dma_start3A_108] : memref<5419008x16xf32, #tpu.memory_space<hbm>> -> memref<5419008x16xf32, #tpu.memory_space<hbm>>
      tpu.enqueue_indirect_dma source(%dma_start3A_109 : memref<5419008x16xf32, #tpu.memory_space<hbm>>) target(%dma_start3A_104 : memref<128x16xf32, #tpu.memory_space<vmem>>) offsets(%dma_start3A_106 : memref<128xi32, #tpu.memory_space<vmem>>) semaphore(%arg11 : memref<!tpu.dma_semaphore, #tpu.memory_space<semaphore_mem>>)
      %dma_start3A_110 = arith.constant 1280 : i32
      %dma_start3A_111 = arith.constant 0 : i32
      %dma_start3A_112 = tpu.memref_slice %arg7[%dma_start3A_110, %dma_start3A_111] : memref<3456x16xf32, #tpu.memory_space<vmem>> -> memref<128x16xf32, #tpu.memory_space<vmem>>
      %dma_start3A_113 = arith.constant 1280 : i32
      %dma_start3A_114 = tpu.memref_slice %arg6[%dma_start3A_113] : memref<3456xi32, #tpu.memory_space<vmem>> -> memref<128xi32, #tpu.memory_space<vmem>>
      %dma_start3A_115 = arith.constant 0 : i32
      %dma_start3A_116 = arith.constant 0 : i32
      %dma_start3A_117 = tpu.memref_slice %arg2[%dma_start3A_115, %dma_start3A_116] : memref<5419008x16xf32, #tpu.memory_space<hbm>> -> memref<5419008x16xf32, #tpu.memory_space<hbm>>
      tpu.enqueue_indirect_dma source(%dma_start3A_117 : memref<5419008x16xf32, #tpu.memory_space<hbm>>) target(%dma_start3A_112 : memref<128x16xf32, #tpu.memory_space<vmem>>) offsets(%dma_start3A_114 : memref<128xi32, #tpu.memory_space<vmem>>) semaphore(%arg11 : memref<!tpu.dma_semaphore, #tpu.memory_space<semaphore_mem>>)
      %dma_start3A_118 = arith.constant 1408 : i32
      %dma_start3A_119 = arith.constant 0 : i32
      %dma_start3A_120 = tpu.memref_slice %arg7[%dma_start3A_118, %dma_start3A_119] : memref<3456x16xf32, #tpu.memory_space<vmem>> -> memref<128x16xf32, #tpu.memory_space<vmem>>
      %dma_start3A_121 = arith.constant 1408 : i32
      %dma_start3A_122 = tpu.memref_slice %arg6[%dma_start3A_121] : memref<3456xi32, #tpu.memory_space<vmem>> -> memref<128xi32, #tpu.memory_space<vmem>>
      %dma_start3A_123 = arith.constant 0 : i32
      %dma_start3A_124 = arith.constant 0 : i32
      %dma_start3A_125 = tpu.memref_slice %arg2[%dma_start3A_123, %dma_start3A_124] : memref<5419008x16xf32, #tpu.memory_space<hbm>> -> memref<5419008x16xf32, #tpu.memory_space<hbm>>
      tpu.enqueue_indirect_dma source(%dma_start3A_125 : memref<5419008x16xf32, #tpu.memory_space<hbm>>) target(%dma_start3A_120 : memref<128x16xf32, #tpu.memory_space<vmem>>) offsets(%dma_start3A_122 : memref<128xi32, #tpu.memory_space<vmem>>) semaphore(%arg11 : memref<!tpu.dma_semaphore, #tpu.memory_space<semaphore_mem>>)
      %dma_start3A_126 = arith.constant 1536 : i32
      %dma_start3A_127 = arith.constant 0 : i32
      %dma_start3A_128 = tpu.memref_slice %arg7[%dma_start3A_126, %dma_start3A_127] : memref<3456x16xf32, #tpu.memory_space<vmem>> -> memref<128x16xf32, #tpu.memory_space<vmem>>
      %dma_start3A_129 = arith.constant 1536 : i32
      %dma_start3A_130 = tpu.memref_slice %arg6[%dma_start3A_129] : memref<3456xi32, #tpu.memory_space<vmem>> -> memref<128xi32, #tpu.memory_space<vmem>>
      %dma_start3A_131 = arith.constant 0 : i32
      %dma_start3A_132 = arith.constant 0 : i32
      %dma_start3A_133 = tpu.memref_slice %arg2[%dma_start3A_131, %dma_start3A_132] : memref<5419008x16xf32, #tpu.memory_space<hbm>> -> memref<5419008x16xf32, #tpu.memory_space<hbm>>
      tpu.enqueue_indirect_dma source(%dma_start3A_133 : memref<5419008x16xf32, #tpu.memory_space<hbm>>) target(%dma_start3A_128 : memref<128x16xf32, #tpu.memory_space<vmem>>) offsets(%dma_start3A_130 : memref<128xi32, #tpu.memory_space<vmem>>) semaphore(%arg11 : memref<!tpu.dma_semaphore, #tpu.memory_space<semaphore_mem>>)
      %dma_start3A_134 = arith.constant 1664 : i32
      %dma_start3A_135 = arith.constant 0 : i32
      %dma_start3A_136 = tpu.memref_slice %arg7[%dma_start3A_134, %dma_start3A_135] : memref<3456x16xf32, #tpu.memory_space<vmem>> -> memref<128x16xf32, #tpu.memory_space<vmem>>
      %dma_start3A_137 = arith.constant 1664 : i32
      %dma_start3A_138 = tpu.memref_slice %arg6[%dma_start3A_137] : memref<3456xi32, #tpu.memory_space<vmem>> -> memref<128xi32, #tpu.memory_space<vmem>>
      %dma_start3A_139 = arith.constant 0 : i32
      %dma_start3A_140 = arith.constant 0 : i32
      %dma_start3A_141 = tpu.memref_slice %arg2[%dma_start3A_139, %dma_start3A_140] : memref<5419008x16xf32, #tpu.memory_space<hbm>> -> memref<5419008x16xf32, #tpu.memory_space<hbm>>
      tpu.enqueue_indirect_dma source(%dma_start3A_141 : memref<5419008x16xf32, #tpu.memory_space<hbm>>) target(%dma_start3A_136 : memref<128x16xf32, #tpu.memory_space<vmem>>) offsets(%dma_start3A_138 : memref<128xi32, #tpu.memory_space<vmem>>) semaphore(%arg11 : memref<!tpu.dma_semaphore, #tpu.memory_space<semaphore_mem>>)
      %dma_start3A_142 = arith.constant 1792 : i32
      %dma_start3A_143 = arith.constant 0 : i32
      %dma_start3A_144 = tpu.memref_slice %arg7[%dma_start3A_142, %dma_start3A_143] : memref<3456x16xf32, #tpu.memory_space<vmem>> -> memref<128x16xf32, #tpu.memory_space<vmem>>
      %dma_start3A_145 = arith.constant 1792 : i32
      %dma_start3A_146 = tpu.memref_slice %arg6[%dma_start3A_145] : memref<3456xi32, #tpu.memory_space<vmem>> -> memref<128xi32, #tpu.memory_space<vmem>>
      %dma_start3A_147 = arith.constant 0 : i32
      %dma_start3A_148 = arith.constant 0 : i32
      %dma_start3A_149 = tpu.memref_slice %arg2[%dma_start3A_147, %dma_start3A_148] : memref<5419008x16xf32, #tpu.memory_space<hbm>> -> memref<5419008x16xf32, #tpu.memory_space<hbm>>
      tpu.enqueue_indirect_dma source(%dma_start3A_149 : memref<5419008x16xf32, #tpu.memory_space<hbm>>) target(%dma_start3A_144 : memref<128x16xf32, #tpu.memory_space<vmem>>) offsets(%dma_start3A_146 : memref<128xi32, #tpu.memory_space<vmem>>) semaphore(%arg11 : memref<!tpu.dma_semaphore, #tpu.memory_space<semaphore_mem>>)
      %dma_start3A_150 = arith.constant 1920 : i32
      %dma_start3A_151 = arith.constant 0 : i32
      %dma_start3A_152 = tpu.memref_slice %arg7[%dma_start3A_150, %dma_start3A_151] : memref<3456x16xf32, #tpu.memory_space<vmem>> -> memref<128x16xf32, #tpu.memory_space<vmem>>
      %dma_start3A_153 = arith.constant 1920 : i32
      %dma_start3A_154 = tpu.memref_slice %arg6[%dma_start3A_153] : memref<3456xi32, #tpu.memory_space<vmem>> -> memref<128xi32, #tpu.memory_space<vmem>>
      %dma_start3A_155 = arith.constant 0 : i32
      %dma_start3A_156 = arith.constant 0 : i32
      %dma_start3A_157 = tpu.memref_slice %arg2[%dma_start3A_155, %dma_start3A_156] : memref<5419008x16xf32, #tpu.memory_space<hbm>> -> memref<5419008x16xf32, #tpu.memory_space<hbm>>
      tpu.enqueue_indirect_dma source(%dma_start3A_157 : memref<5419008x16xf32, #tpu.memory_space<hbm>>) target(%dma_start3A_152 : memref<128x16xf32, #tpu.memory_space<vmem>>) offsets(%dma_start3A_154 : memref<128xi32, #tpu.memory_space<vmem>>) semaphore(%arg11 : memref<!tpu.dma_semaphore, #tpu.memory_space<semaphore_mem>>)
      %dma_start3A_158 = arith.constant 2048 : i32
      %dma_start3A_159 = arith.constant 0 : i32
      %dma_start3A_160 = tpu.memref_slice %arg7[%dma_start3A_158, %dma_start3A_159] : memref<3456x16xf32, #tpu.memory_space<vmem>> -> memref<128x16xf32, #tpu.memory_space<vmem>>
      %dma_start3A_161 = arith.constant 2048 : i32
      %dma_start3A_162 = tpu.memref_slice %arg6[%dma_start3A_161] : memref<3456xi32, #tpu.memory_space<vmem>> -> memref<128xi32, #tpu.memory_space<vmem>>
      %dma_start3A_163 = arith.constant 0 : i32
      %dma_start3A_164 = arith.constant 0 : i32
      %dma_start3A_165 = tpu.memref_slice %arg2[%dma_start3A_163, %dma_start3A_164] : memref<5419008x16xf32, #tpu.memory_space<hbm>> -> memref<5419008x16xf32, #tpu.memory_space<hbm>>
      tpu.enqueue_indirect_dma source(%dma_start3A_165 : memref<5419008x16xf32, #tpu.memory_space<hbm>>) target(%dma_start3A_160 : memref<128x16xf32, #tpu.memory_space<vmem>>) offsets(%dma_start3A_162 : memref<128xi32, #tpu.memory_space<vmem>>) semaphore(%arg11 : memref<!tpu.dma_semaphore, #tpu.memory_space<semaphore_mem>>)
      %dma_start3A_166 = arith.constant 2176 : i32
      %dma_start3A_167 = arith.constant 0 : i32
      %dma_start3A_168 = tpu.memref_slice %arg7[%dma_start3A_166, %dma_start3A_167] : memref<3456x16xf32, #tpu.memory_space<vmem>> -> memref<128x16xf32, #tpu.memory_space<vmem>>
      %dma_start3A_169 = arith.constant 2176 : i32
      %dma_start3A_170 = tpu.memref_slice %arg6[%dma_start3A_169] : memref<3456xi32, #tpu.memory_space<vmem>> -> memref<128xi32, #tpu.memory_space<vmem>>
      %dma_start3A_171 = arith.constant 0 : i32
      %dma_start3A_172 = arith.constant 0 : i32
      %dma_start3A_173 = tpu.memref_slice %arg2[%dma_start3A_171, %dma_start3A_172] : memref<5419008x16xf32, #tpu.memory_space<hbm>> -> memref<5419008x16xf32, #tpu.memory_space<hbm>>
      tpu.enqueue_indirect_dma source(%dma_start3A_173 : memref<5419008x16xf32, #tpu.memory_space<hbm>>) target(%dma_start3A_168 : memref<128x16xf32, #tpu.memory_space<vmem>>) offsets(%dma_start3A_170 : memref<128xi32, #tpu.memory_space<vmem>>) semaphore(%arg11 : memref<!tpu.dma_semaphore, #tpu.memory_space<semaphore_mem>>)
      %dma_start3A_174 = arith.constant 2304 : i32
      %dma_start3A_175 = arith.constant 0 : i32
      %dma_start3A_176 = tpu.memref_slice %arg7[%dma_start3A_174, %dma_start3A_175] : memref<3456x16xf32, #tpu.memory_space<vmem>> -> memref<128x16xf32, #tpu.memory_space<vmem>>
      %dma_start3A_177 = arith.constant 2304 : i32
      %dma_start3A_178 = tpu.memref_slice %arg6[%dma_start3A_177] : memref<3456xi32, #tpu.memory_space<vmem>> -> memref<128xi32, #tpu.memory_space<vmem>>
      %dma_start3A_179 = arith.constant 0 : i32
      %dma_start3A_180 = arith.constant 0 : i32
      %dma_start3A_181 = tpu.memref_slice %arg2[%dma_start3A_179, %dma_start3A_180] : memref<5419008x16xf32, #tpu.memory_space<hbm>> -> memref<5419008x16xf32, #tpu.memory_space<hbm>>
      tpu.enqueue_indirect_dma source(%dma_start3A_181 : memref<5419008x16xf32, #tpu.memory_space<hbm>>) target(%dma_start3A_176 : memref<128x16xf32, #tpu.memory_space<vmem>>) offsets(%dma_start3A_178 : memref<128xi32, #tpu.memory_space<vmem>>) semaphore(%arg11 : memref<!tpu.dma_semaphore, #tpu.memory_space<semaphore_mem>>)
      %dma_start3A_182 = arith.constant 2432 : i32
      %dma_start3A_183 = arith.constant 0 : i32
      %dma_start3A_184 = tpu.memref_slice %arg7[%dma_start3A_182, %dma_start3A_183] : memref<3456x16xf32, #tpu.memory_space<vmem>> -> memref<128x16xf32, #tpu.memory_space<vmem>>
      %dma_start3A_185 = arith.constant 2432 : i32
      %dma_start3A_186 = tpu.memref_slice %arg6[%dma_start3A_185] : memref<3456xi32, #tpu.memory_space<vmem>> -> memref<128xi32, #tpu.memory_space<vmem>>
      %dma_start3A_187 = arith.constant 0 : i32
      %dma_start3A_188 = arith.constant 0 : i32
      %dma_start3A_189 = tpu.memref_slice %arg2[%dma_start3A_187, %dma_start3A_188] : memref<5419008x16xf32, #tpu.memory_space<hbm>> -> memref<5419008x16xf32, #tpu.memory_space<hbm>>
      tpu.enqueue_indirect_dma source(%dma_start3A_189 : memref<5419008x16xf32, #tpu.memory_space<hbm>>) target(%dma_start3A_184 : memref<128x16xf32, #tpu.memory_space<vmem>>) offsets(%dma_start3A_186 : memref<128xi32, #tpu.memory_space<vmem>>) semaphore(%arg11 : memref<!tpu.dma_semaphore, #tpu.memory_space<semaphore_mem>>)
      %dma_start3A_190 = arith.constant 2560 : i32
      %dma_start3A_191 = arith.constant 0 : i32
      %dma_start3A_192 = tpu.memref_slice %arg7[%dma_start3A_190, %dma_start3A_191] : memref<3456x16xf32, #tpu.memory_space<vmem>> -> memref<128x16xf32, #tpu.memory_space<vmem>>
      %dma_start3A_193 = arith.constant 2560 : i32
      %dma_start3A_194 = tpu.memref_slice %arg6[%dma_start3A_193] : memref<3456xi32, #tpu.memory_space<vmem>> -> memref<128xi32, #tpu.memory_space<vmem>>
      %dma_start3A_195 = arith.constant 0 : i32
      %dma_start3A_196 = arith.constant 0 : i32
      %dma_start3A_197 = tpu.memref_slice %arg2[%dma_start3A_195, %dma_start3A_196] : memref<5419008x16xf32, #tpu.memory_space<hbm>> -> memref<5419008x16xf32, #tpu.memory_space<hbm>>
      tpu.enqueue_indirect_dma source(%dma_start3A_197 : memref<5419008x16xf32, #tpu.memory_space<hbm>>) target(%dma_start3A_192 : memref<128x16xf32, #tpu.memory_space<vmem>>) offsets(%dma_start3A_194 : memref<128xi32, #tpu.memory_space<vmem>>) semaphore(%arg11 : memref<!tpu.dma_semaphore, #tpu.memory_space<semaphore_mem>>)
      %dma_start3A_198 = arith.constant 2688 : i32
      %dma_start3A_199 = arith.constant 0 : i32
      %dma_start3A_200 = tpu.memref_slice %arg7[%dma_start3A_198, %dma_start3A_199] : memref<3456x16xf32, #tpu.memory_space<vmem>> -> memref<128x16xf32, #tpu.memory_space<vmem>>
      %dma_start3A_201 = arith.constant 2688 : i32
      %dma_start3A_202 = tpu.memref_slice %arg6[%dma_start3A_201] : memref<3456xi32, #tpu.memory_space<vmem>> -> memref<128xi32, #tpu.memory_space<vmem>>
      %dma_start3A_203 = arith.constant 0 : i32
      %dma_start3A_204 = arith.constant 0 : i32
      %dma_start3A_205 = tpu.memref_slice %arg2[%dma_start3A_203, %dma_start3A_204] : memref<5419008x16xf32, #tpu.memory_space<hbm>> -> memref<5419008x16xf32, #tpu.memory_space<hbm>>
      tpu.enqueue_indirect_dma source(%dma_start3A_205 : memref<5419008x16xf32, #tpu.memory_space<hbm>>) target(%dma_start3A_200 : memref<128x16xf32, #tpu.memory_space<vmem>>) offsets(%dma_start3A_202 : memref<128xi32, #tpu.memory_space<vmem>>) semaphore(%arg11 : memref<!tpu.dma_semaphore, #tpu.memory_space<semaphore_mem>>)
      %dma_start3A_206 = arith.constant 2816 : i32
      %dma_start3A_207 = arith.constant 0 : i32
      %dma_start3A_208 = tpu.memref_slice %arg7[%dma_start3A_206, %dma_start3A_207] : memref<3456x16xf32, #tpu.memory_space<vmem>> -> memref<128x16xf32, #tpu.memory_space<vmem>>
      %dma_start3A_209 = arith.constant 2816 : i32
      %dma_start3A_210 = tpu.memref_slice %arg6[%dma_start3A_209] : memref<3456xi32, #tpu.memory_space<vmem>> -> memref<128xi32, #tpu.memory_space<vmem>>
      %dma_start3A_211 = arith.constant 0 : i32
      %dma_start3A_212 = arith.constant 0 : i32
      %dma_start3A_213 = tpu.memref_slice %arg2[%dma_start3A_211, %dma_start3A_212] : memref<5419008x16xf32, #tpu.memory_space<hbm>> -> memref<5419008x16xf32, #tpu.memory_space<hbm>>
      tpu.enqueue_indirect_dma source(%dma_start3A_213 : memref<5419008x16xf32, #tpu.memory_space<hbm>>) target(%dma_start3A_208 : memref<128x16xf32, #tpu.memory_space<vmem>>) offsets(%dma_start3A_210 : memref<128xi32, #tpu.memory_space<vmem>>) semaphore(%arg11 : memref<!tpu.dma_semaphore, #tpu.memory_space<semaphore_mem>>)
      %dma_start3A_214 = arith.constant 2944 : i32
      %dma_start3A_215 = arith.constant 0 : i32
      %dma_start3A_216 = tpu.memref_slice %arg7[%dma_start3A_214, %dma_start3A_215] : memref<3456x16xf32, #tpu.memory_space<vmem>> -> memref<128x16xf32, #tpu.memory_space<vmem>>
      %dma_start3A_217 = arith.constant 2944 : i32
      %dma_start3A_218 = tpu.memref_slice %arg6[%dma_start3A_217] : memref<3456xi32, #tpu.memory_space<vmem>> -> memref<128xi32, #tpu.memory_space<vmem>>
      %dma_start3A_219 = arith.constant 0 : i32
      %dma_start3A_220 = arith.constant 0 : i32
      %dma_start3A_221 = tpu.memref_slice %arg2[%dma_start3A_219, %dma_start3A_220] : memref<5419008x16xf32, #tpu.memory_space<hbm>> -> memref<5419008x16xf32, #tpu.memory_space<hbm>>
      tpu.enqueue_indirect_dma source(%dma_start3A_221 : memref<5419008x16xf32, #tpu.memory_space<hbm>>) target(%dma_start3A_216 : memref<128x16xf32, #tpu.memory_space<vmem>>) offsets(%dma_start3A_218 : memref<128xi32, #tpu.memory_space<vmem>>) semaphore(%arg11 : memref<!tpu.dma_semaphore, #tpu.memory_space<semaphore_mem>>)
      %dma_start3A_222 = arith.constant 3072 : i32
      %dma_start3A_223 = arith.constant 0 : i32
      %dma_start3A_224 = tpu.memref_slice %arg7[%dma_start3A_222, %dma_start3A_223] : memref<3456x16xf32, #tpu.memory_space<vmem>> -> memref<128x16xf32, #tpu.memory_space<vmem>>
      %dma_start3A_225 = arith.constant 3072 : i32
      %dma_start3A_226 = tpu.memref_slice %arg6[%dma_start3A_225] : memref<3456xi32, #tpu.memory_space<vmem>> -> memref<128xi32, #tpu.memory_space<vmem>>
      %dma_start3A_227 = arith.constant 0 : i32
      %dma_start3A_228 = arith.constant 0 : i32
      %dma_start3A_229 = tpu.memref_slice %arg2[%dma_start3A_227, %dma_start3A_228] : memref<5419008x16xf32, #tpu.memory_space<hbm>> -> memref<5419008x16xf32, #tpu.memory_space<hbm>>
      tpu.enqueue_indirect_dma source(%dma_start3A_229 : memref<5419008x16xf32, #tpu.memory_space<hbm>>) target(%dma_start3A_224 : memref<128x16xf32, #tpu.memory_space<vmem>>) offsets(%dma_start3A_226 : memref<128xi32, #tpu.memory_space<vmem>>) semaphore(%arg11 : memref<!tpu.dma_semaphore, #tpu.memory_space<semaphore_mem>>)
      %dma_start3A_230 = arith.constant 3200 : i32
      %dma_start3A_231 = arith.constant 0 : i32
      %dma_start3A_232 = tpu.memref_slice %arg7[%dma_start3A_230, %dma_start3A_231] : memref<3456x16xf32, #tpu.memory_space<vmem>> -> memref<128x16xf32, #tpu.memory_space<vmem>>
      %dma_start3A_233 = arith.constant 3200 : i32
      %dma_start3A_234 = tpu.memref_slice %arg6[%dma_start3A_233] : memref<3456xi32, #tpu.memory_space<vmem>> -> memref<128xi32, #tpu.memory_space<vmem>>
      %dma_start3A_235 = arith.constant 0 : i32
      %dma_start3A_236 = arith.constant 0 : i32
      %dma_start3A_237 = tpu.memref_slice %arg2[%dma_start3A_235, %dma_start3A_236] : memref<5419008x16xf32, #tpu.memory_space<hbm>> -> memref<5419008x16xf32, #tpu.memory_space<hbm>>
      tpu.enqueue_indirect_dma source(%dma_start3A_237 : memref<5419008x16xf32, #tpu.memory_space<hbm>>) target(%dma_start3A_232 : memref<128x16xf32, #tpu.memory_space<vmem>>) offsets(%dma_start3A_234 : memref<128xi32, #tpu.memory_space<vmem>>) semaphore(%arg11 : memref<!tpu.dma_semaphore, #tpu.memory_space<semaphore_mem>>)
      %dma_start3A_238 = arith.constant 3328 : i32
      %dma_start3A_239 = arith.constant 0 : i32
      %dma_start3A_240 = tpu.memref_slice %arg7[%dma_start3A_238, %dma_start3A_239] : memref<3456x16xf32, #tpu.memory_space<vmem>> -> memref<128x16xf32, #tpu.memory_space<vmem>>
      %dma_start3A_241 = arith.constant 3328 : i32
      %dma_start3A_242 = tpu.memref_slice %arg6[%dma_start3A_241] : memref<3456xi32, #tpu.memory_space<vmem>> -> memref<128xi32, #tpu.memory_space<vmem>>
      %dma_start3A_243 = arith.constant 0 : i32
      %dma_start3A_244 = arith.constant 0 : i32
      %dma_start3A_245 = tpu.memref_slice %arg2[%dma_start3A_243, %dma_start3A_244] : memref<5419008x16xf32, #tpu.memory_space<hbm>> -> memref<5419008x16xf32, #tpu.memory_space<hbm>>
      tpu.enqueue_indirect_dma source(%dma_start3A_245 : memref<5419008x16xf32, #tpu.memory_space<hbm>>) target(%dma_start3A_240 : memref<128x16xf32, #tpu.memory_space<vmem>>) offsets(%dma_start3A_242 : memref<128xi32, #tpu.memory_space<vmem>>) semaphore(%arg11 : memref<!tpu.dma_semaphore, #tpu.memory_space<semaphore_mem>>)
      %dma_wait3A_246 = arith.constant 0 : i32
      %dma_wait3A_247 = arith.constant 0 : i32
      %dma_wait3A_248 = tpu.memref_slice %arg7[%dma_wait3A_246, %dma_wait3A_247] : memref<3456x16xf32, #tpu.memory_space<vmem>> -> memref<128x16xf32, #tpu.memory_space<vmem>>
      %dma_wait3A_249 = arith.constant 0 : i32
      %dma_wait3A_250 = tpu.memref_slice %arg6[%dma_wait3A_249] : memref<3456xi32, #tpu.memory_space<vmem>> -> memref<128xi32, #tpu.memory_space<vmem>>
      %dma_wait3A_251 = arith.constant 0 : i32
      %dma_wait3A_252 = arith.constant 0 : i32
      %dma_wait3A_253 = tpu.memref_slice %arg2[%dma_wait3A_251, %dma_wait3A_252] : memref<5419008x16xf32, #tpu.memory_space<hbm>> -> memref<5419008x16xf32, #tpu.memory_space<hbm>>
      tpu.wait_indirect_dma semaphore(%arg11 : memref<!tpu.dma_semaphore, #tpu.memory_space<semaphore_mem>>) src(%dma_wait3A_253 : memref<5419008x16xf32, #tpu.memory_space<hbm>>) dst(%dma_wait3A_248 : memref<128x16xf32, #tpu.memory_space<vmem>>)
      %dma_wait3A_254 = arith.constant 128 : i32
      %dma_wait3A_255 = arith.constant 0 : i32
      %dma_wait3A_256 = tpu.memref_slice %arg7[%dma_wait3A_254, %dma_wait3A_255] : memref<3456x16xf32, #tpu.memory_space<vmem>> -> memref<128x16xf32, #tpu.memory_space<vmem>>
      %dma_wait3A_257 = arith.constant 128 : i32
      %dma_wait3A_258 = tpu.memref_slice %arg6[%dma_wait3A_257] : memref<3456xi32, #tpu.memory_space<vmem>> -> memref<128xi32, #tpu.memory_space<vmem>>
      %dma_wait3A_259 = arith.constant 0 : i32
      %dma_wait3A_260 = arith.constant 0 : i32
      %dma_wait3A_261 = tpu.memref_slice %arg2[%dma_wait3A_259, %dma_wait3A_260] : memref<5419008x16xf32, #tpu.memory_space<hbm>> -> memref<5419008x16xf32, #tpu.memory_space<hbm>>
      tpu.wait_indirect_dma semaphore(%arg11 : memref<!tpu.dma_semaphore, #tpu.memory_space<semaphore_mem>>) src(%dma_wait3A_261 : memref<5419008x16xf32, #tpu.memory_space<hbm>>) dst(%dma_wait3A_256 : memref<128x16xf32, #tpu.memory_space<vmem>>)
      %dma_wait3A_262 = arith.constant 256 : i32
      %dma_wait3A_263 = arith.constant 0 : i32
      %dma_wait3A_264 = tpu.memref_slice %arg7[%dma_wait3A_262, %dma_wait3A_263] : memref<3456x16xf32, #tpu.memory_space<vmem>> -> memref<128x16xf32, #tpu.memory_space<vmem>>
      %dma_wait3A_265 = arith.constant 256 : i32
      %dma_wait3A_266 = tpu.memref_slice %arg6[%dma_wait3A_265] : memref<3456xi32, #tpu.memory_space<vmem>> -> memref<128xi32, #tpu.memory_space<vmem>>
      %dma_wait3A_267 = arith.constant 0 : i32
      %dma_wait3A_268 = arith.constant 0 : i32
      %dma_wait3A_269 = tpu.memref_slice %arg2[%dma_wait3A_267, %dma_wait3A_268] : memref<5419008x16xf32, #tpu.memory_space<hbm>> -> memref<5419008x16xf32, #tpu.memory_space<hbm>>
      tpu.wait_indirect_dma semaphore(%arg11 : memref<!tpu.dma_semaphore, #tpu.memory_space<semaphore_mem>>) src(%dma_wait3A_269 : memref<5419008x16xf32, #tpu.memory_space<hbm>>) dst(%dma_wait3A_264 : memref<128x16xf32, #tpu.memory_space<vmem>>)
      %dma_wait3A_270 = arith.constant 384 : i32
      %dma_wait3A_271 = arith.constant 0 : i32
      %dma_wait3A_272 = tpu.memref_slice %arg7[%dma_wait3A_270, %dma_wait3A_271] : memref<3456x16xf32, #tpu.memory_space<vmem>> -> memref<128x16xf32, #tpu.memory_space<vmem>>
      %dma_wait3A_273 = arith.constant 384 : i32
      %dma_wait3A_274 = tpu.memref_slice %arg6[%dma_wait3A_273] : memref<3456xi32, #tpu.memory_space<vmem>> -> memref<128xi32, #tpu.memory_space<vmem>>
      %dma_wait3A_275 = arith.constant 0 : i32
      %dma_wait3A_276 = arith.constant 0 : i32
      %dma_wait3A_277 = tpu.memref_slice %arg2[%dma_wait3A_275, %dma_wait3A_276] : memref<5419008x16xf32, #tpu.memory_space<hbm>> -> memref<5419008x16xf32, #tpu.memory_space<hbm>>
      tpu.wait_indirect_dma semaphore(%arg11 : memref<!tpu.dma_semaphore, #tpu.memory_space<semaphore_mem>>) src(%dma_wait3A_277 : memref<5419008x16xf32, #tpu.memory_space<hbm>>) dst(%dma_wait3A_272 : memref<128x16xf32, #tpu.memory_space<vmem>>)
      %dma_wait3A_278 = arith.constant 512 : i32
      %dma_wait3A_279 = arith.constant 0 : i32
      %dma_wait3A_280 = tpu.memref_slice %arg7[%dma_wait3A_278, %dma_wait3A_279] : memref<3456x16xf32, #tpu.memory_space<vmem>> -> memref<128x16xf32, #tpu.memory_space<vmem>>
      %dma_wait3A_281 = arith.constant 512 : i32
      %dma_wait3A_282 = tpu.memref_slice %arg6[%dma_wait3A_281] : memref<3456xi32, #tpu.memory_space<vmem>> -> memref<128xi32, #tpu.memory_space<vmem>>
      %dma_wait3A_283 = arith.constant 0 : i32
      %dma_wait3A_284 = arith.constant 0 : i32
      %dma_wait3A_285 = tpu.memref_slice %arg2[%dma_wait3A_283, %dma_wait3A_284] : memref<5419008x16xf32, #tpu.memory_space<hbm>> -> memref<5419008x16xf32, #tpu.memory_space<hbm>>
      tpu.wait_indirect_dma semaphore(%arg11 : memref<!tpu.dma_semaphore, #tpu.memory_space<semaphore_mem>>) src(%dma_wait3A_285 : memref<5419008x16xf32, #tpu.memory_space<hbm>>) dst(%dma_wait3A_280 : memref<128x16xf32, #tpu.memory_space<vmem>>)
      %dma_wait3A_286 = arith.constant 640 : i32
      %dma_wait3A_287 = arith.constant 0 : i32
      %dma_wait3A_288 = tpu.memref_slice %arg7[%dma_wait3A_286, %dma_wait3A_287] : memref<3456x16xf32, #tpu.memory_space<vmem>> -> memref<128x16xf32, #tpu.memory_space<vmem>>
      %dma_wait3A_289 = arith.constant 640 : i32
      %dma_wait3A_290 = tpu.memref_slice %arg6[%dma_wait3A_289] : memref<3456xi32, #tpu.memory_space<vmem>> -> memref<128xi32, #tpu.memory_space<vmem>>
      %dma_wait3A_291 = arith.constant 0 : i32
      %dma_wait3A_292 = arith.constant 0 : i32
      %dma_wait3A_293 = tpu.memref_slice %arg2[%dma_wait3A_291, %dma_wait3A_292] : memref<5419008x16xf32, #tpu.memory_space<hbm>> -> memref<5419008x16xf32, #tpu.memory_space<hbm>>
      tpu.wait_indirect_dma semaphore(%arg11 : memref<!tpu.dma_semaphore, #tpu.memory_space<semaphore_mem>>) src(%dma_wait3A_293 : memref<5419008x16xf32, #tpu.memory_space<hbm>>) dst(%dma_wait3A_288 : memref<128x16xf32, #tpu.memory_space<vmem>>)
      %dma_wait3A_294 = arith.constant 768 : i32
      %dma_wait3A_295 = arith.constant 0 : i32
      %dma_wait3A_296 = tpu.memref_slice %arg7[%dma_wait3A_294, %dma_wait3A_295] : memref<3456x16xf32, #tpu.memory_space<vmem>> -> memref<128x16xf32, #tpu.memory_space<vmem>>
      %dma_wait3A_297 = arith.constant 768 : i32
      %dma_wait3A_298 = tpu.memref_slice %arg6[%dma_wait3A_297] : memref<3456xi32, #tpu.memory_space<vmem>> -> memref<128xi32, #tpu.memory_space<vmem>>
      %dma_wait3A_299 = arith.constant 0 : i32
      %dma_wait3A_300 = arith.constant 0 : i32
      %dma_wait3A_301 = tpu.memref_slice %arg2[%dma_wait3A_299, %dma_wait3A_300] : memref<5419008x16xf32, #tpu.memory_space<hbm>> -> memref<5419008x16xf32, #tpu.memory_space<hbm>>
      tpu.wait_indirect_dma semaphore(%arg11 : memref<!tpu.dma_semaphore, #tpu.memory_space<semaphore_mem>>) src(%dma_wait3A_301 : memref<5419008x16xf32, #tpu.memory_space<hbm>>) dst(%dma_wait3A_296 : memref<128x16xf32, #tpu.memory_space<vmem>>)
      %dma_wait3A_302 = arith.constant 896 : i32
      %dma_wait3A_303 = arith.constant 0 : i32
      %dma_wait3A_304 = tpu.memref_slice %arg7[%dma_wait3A_302, %dma_wait3A_303] : memref<3456x16xf32, #tpu.memory_space<vmem>> -> memref<128x16xf32, #tpu.memory_space<vmem>>
      %dma_wait3A_305 = arith.constant 896 : i32
      %dma_wait3A_306 = tpu.memref_slice %arg6[%dma_wait3A_305] : memref<3456xi32, #tpu.memory_space<vmem>> -> memref<128xi32, #tpu.memory_space<vmem>>
      %dma_wait3A_307 = arith.constant 0 : i32
      %dma_wait3A_308 = arith.constant 0 : i32
      %dma_wait3A_309 = tpu.memref_slice %arg2[%dma_wait3A_307, %dma_wait3A_308] : memref<5419008x16xf32, #tpu.memory_space<hbm>> -> memref<5419008x16xf32, #tpu.memory_space<hbm>>
      tpu.wait_indirect_dma semaphore(%arg11 : memref<!tpu.dma_semaphore, #tpu.memory_space<semaphore_mem>>) src(%dma_wait3A_309 : memref<5419008x16xf32, #tpu.memory_space<hbm>>) dst(%dma_wait3A_304 : memref<128x16xf32, #tpu.memory_space<vmem>>)
      %dma_wait3A_310 = arith.constant 1024 : i32
      %dma_wait3A_311 = arith.constant 0 : i32
      %dma_wait3A_312 = tpu.memref_slice %arg7[%dma_wait3A_310, %dma_wait3A_311] : memref<3456x16xf32, #tpu.memory_space<vmem>> -> memref<128x16xf32, #tpu.memory_space<vmem>>
      %dma_wait3A_313 = arith.constant 1024 : i32
      %dma_wait3A_314 = tpu.memref_slice %arg6[%dma_wait3A_313] : memref<3456xi32, #tpu.memory_space<vmem>> -> memref<128xi32, #tpu.memory_space<vmem>>
      %dma_wait3A_315 = arith.constant 0 : i32
      %dma_wait3A_316 = arith.constant 0 : i32
      %dma_wait3A_317 = tpu.memref_slice %arg2[%dma_wait3A_315, %dma_wait3A_316] : memref<5419008x16xf32, #tpu.memory_space<hbm>> -> memref<5419008x16xf32, #tpu.memory_space<hbm>>
      tpu.wait_indirect_dma semaphore(%arg11 : memref<!tpu.dma_semaphore, #tpu.memory_space<semaphore_mem>>) src(%dma_wait3A_317 : memref<5419008x16xf32, #tpu.memory_space<hbm>>) dst(%dma_wait3A_312 : memref<128x16xf32, #tpu.memory_space<vmem>>)
      %dma_wait3A_318 = arith.constant 1152 : i32
      %dma_wait3A_319 = arith.constant 0 : i32
      %dma_wait3A_320 = tpu.memref_slice %arg7[%dma_wait3A_318, %dma_wait3A_319] : memref<3456x16xf32, #tpu.memory_space<vmem>> -> memref<128x16xf32, #tpu.memory_space<vmem>>
      %dma_wait3A_321 = arith.constant 1152 : i32
      %dma_wait3A_322 = tpu.memref_slice %arg6[%dma_wait3A_321] : memref<3456xi32, #tpu.memory_space<vmem>> -> memref<128xi32, #tpu.memory_space<vmem>>
      %dma_wait3A_323 = arith.constant 0 : i32
      %dma_wait3A_324 = arith.constant 0 : i32
      %dma_wait3A_325 = tpu.memref_slice %arg2[%dma_wait3A_323, %dma_wait3A_324] : memref<5419008x16xf32, #tpu.memory_space<hbm>> -> memref<5419008x16xf32, #tpu.memory_space<hbm>>
      tpu.wait_indirect_dma semaphore(%arg11 : memref<!tpu.dma_semaphore, #tpu.memory_space<semaphore_mem>>) src(%dma_wait3A_325 : memref<5419008x16xf32, #tpu.memory_space<hbm>>) dst(%dma_wait3A_320 : memref<128x16xf32, #tpu.memory_space<vmem>>)
      %dma_wait3A_326 = arith.constant 1280 : i32
      %dma_wait3A_327 = arith.constant 0 : i32
      %dma_wait3A_328 = tpu.memref_slice %arg7[%dma_wait3A_326, %dma_wait3A_327] : memref<3456x16xf32, #tpu.memory_space<vmem>> -> memref<128x16xf32, #tpu.memory_space<vmem>>
      %dma_wait3A_329 = arith.constant 1280 : i32
      %dma_wait3A_330 = tpu.memref_slice %arg6[%dma_wait3A_329] : memref<3456xi32, #tpu.memory_space<vmem>> -> memref<128xi32, #tpu.memory_space<vmem>>
      %dma_wait3A_331 = arith.constant 0 : i32
      %dma_wait3A_332 = arith.constant 0 : i32
      %dma_wait3A_333 = tpu.memref_slice %arg2[%dma_wait3A_331, %dma_wait3A_332] : memref<5419008x16xf32, #tpu.memory_space<hbm>> -> memref<5419008x16xf32, #tpu.memory_space<hbm>>
      tpu.wait_indirect_dma semaphore(%arg11 : memref<!tpu.dma_semaphore, #tpu.memory_space<semaphore_mem>>) src(%dma_wait3A_333 : memref<5419008x16xf32, #tpu.memory_space<hbm>>) dst(%dma_wait3A_328 : memref<128x16xf32, #tpu.memory_space<vmem>>)
      %dma_wait3A_334 = arith.constant 1408 : i32
      %dma_wait3A_335 = arith.constant 0 : i32
      %dma_wait3A_336 = tpu.memref_slice %arg7[%dma_wait3A_334, %dma_wait3A_335] : memref<3456x16xf32, #tpu.memory_space<vmem>> -> memref<128x16xf32, #tpu.memory_space<vmem>>
      %dma_wait3A_337 = arith.constant 1408 : i32
      %dma_wait3A_338 = tpu.memref_slice %arg6[%dma_wait3A_337] : memref<3456xi32, #tpu.memory_space<vmem>> -> memref<128xi32, #tpu.memory_space<vmem>>
      %dma_wait3A_339 = arith.constant 0 : i32
      %dma_wait3A_340 = arith.constant 0 : i32
      %dma_wait3A_341 = tpu.memref_slice %arg2[%dma_wait3A_339, %dma_wait3A_340] : memref<5419008x16xf32, #tpu.memory_space<hbm>> -> memref<5419008x16xf32, #tpu.memory_space<hbm>>
      tpu.wait_indirect_dma semaphore(%arg11 : memref<!tpu.dma_semaphore, #tpu.memory_space<semaphore_mem>>) src(%dma_wait3A_341 : memref<5419008x16xf32, #tpu.memory_space<hbm>>) dst(%dma_wait3A_336 : memref<128x16xf32, #tpu.memory_space<vmem>>)
      %dma_wait3A_342 = arith.constant 1536 : i32
      %dma_wait3A_343 = arith.constant 0 : i32
      %dma_wait3A_344 = tpu.memref_slice %arg7[%dma_wait3A_342, %dma_wait3A_343] : memref<3456x16xf32, #tpu.memory_space<vmem>> -> memref<128x16xf32, #tpu.memory_space<vmem>>
      %dma_wait3A_345 = arith.constant 1536 : i32
      %dma_wait3A_346 = tpu.memref_slice %arg6[%dma_wait3A_345] : memref<3456xi32, #tpu.memory_space<vmem>> -> memref<128xi32, #tpu.memory_space<vmem>>
      %dma_wait3A_347 = arith.constant 0 : i32
      %dma_wait3A_348 = arith.constant 0 : i32
      %dma_wait3A_349 = tpu.memref_slice %arg2[%dma_wait3A_347, %dma_wait3A_348] : memref<5419008x16xf32, #tpu.memory_space<hbm>> -> memref<5419008x16xf32, #tpu.memory_space<hbm>>
      tpu.wait_indirect_dma semaphore(%arg11 : memref<!tpu.dma_semaphore, #tpu.memory_space<semaphore_mem>>) src(%dma_wait3A_349 : memref<5419008x16xf32, #tpu.memory_space<hbm>>) dst(%dma_wait3A_344 : memref<128x16xf32, #tpu.memory_space<vmem>>)
      %dma_wait3A_350 = arith.constant 1664 : i32
      %dma_wait3A_351 = arith.constant 0 : i32
      %dma_wait3A_352 = tpu.memref_slice %arg7[%dma_wait3A_350, %dma_wait3A_351] : memref<3456x16xf32, #tpu.memory_space<vmem>> -> memref<128x16xf32, #tpu.memory_space<vmem>>
      %dma_wait3A_353 = arith.constant 1664 : i32
      %dma_wait3A_354 = tpu.memref_slice %arg6[%dma_wait3A_353] : memref<3456xi32, #tpu.memory_space<vmem>> -> memref<128xi32, #tpu.memory_space<vmem>>
      %dma_wait3A_355 = arith.constant 0 : i32
      %dma_wait3A_356 = arith.constant 0 : i32
      %dma_wait3A_357 = tpu.memref_slice %arg2[%dma_wait3A_355, %dma_wait3A_356] : memref<5419008x16xf32, #tpu.memory_space<hbm>> -> memref<5419008x16xf32, #tpu.memory_space<hbm>>
      tpu.wait_indirect_dma semaphore(%arg11 : memref<!tpu.dma_semaphore, #tpu.memory_space<semaphore_mem>>) src(%dma_wait3A_357 : memref<5419008x16xf32, #tpu.memory_space<hbm>>) dst(%dma_wait3A_352 : memref<128x16xf32, #tpu.memory_space<vmem>>)
      %dma_wait3A_358 = arith.constant 1792 : i32
      %dma_wait3A_359 = arith.constant 0 : i32
      %dma_wait3A_360 = tpu.memref_slice %arg7[%dma_wait3A_358, %dma_wait3A_359] : memref<3456x16xf32, #tpu.memory_space<vmem>> -> memref<128x16xf32, #tpu.memory_space<vmem>>
      %dma_wait3A_361 = arith.constant 1792 : i32
      %dma_wait3A_362 = tpu.memref_slice %arg6[%dma_wait3A_361] : memref<3456xi32, #tpu.memory_space<vmem>> -> memref<128xi32, #tpu.memory_space<vmem>>
      %dma_wait3A_363 = arith.constant 0 : i32
      %dma_wait3A_364 = arith.constant 0 : i32
      %dma_wait3A_365 = tpu.memref_slice %arg2[%dma_wait3A_363, %dma_wait3A_364] : memref<5419008x16xf32, #tpu.memory_space<hbm>> -> memref<5419008x16xf32, #tpu.memory_space<hbm>>
      tpu.wait_indirect_dma semaphore(%arg11 : memref<!tpu.dma_semaphore, #tpu.memory_space<semaphore_mem>>) src(%dma_wait3A_365 : memref<5419008x16xf32, #tpu.memory_space<hbm>>) dst(%dma_wait3A_360 : memref<128x16xf32, #tpu.memory_space<vmem>>)
      %dma_wait3A_366 = arith.constant 1920 : i32
      %dma_wait3A_367 = arith.constant 0 : i32
      %dma_wait3A_368 = tpu.memref_slice %arg7[%dma_wait3A_366, %dma_wait3A_367] : memref<3456x16xf32, #tpu.memory_space<vmem>> -> memref<128x16xf32, #tpu.memory_space<vmem>>
      %dma_wait3A_369 = arith.constant 1920 : i32
      %dma_wait3A_370 = tpu.memref_slice %arg6[%dma_wait3A_369] : memref<3456xi32, #tpu.memory_space<vmem>> -> memref<128xi32, #tpu.memory_space<vmem>>
      %dma_wait3A_371 = arith.constant 0 : i32
      %dma_wait3A_372 = arith.constant 0 : i32
      %dma_wait3A_373 = tpu.memref_slice %arg2[%dma_wait3A_371, %dma_wait3A_372] : memref<5419008x16xf32, #tpu.memory_space<hbm>> -> memref<5419008x16xf32, #tpu.memory_space<hbm>>
      tpu.wait_indirect_dma semaphore(%arg11 : memref<!tpu.dma_semaphore, #tpu.memory_space<semaphore_mem>>) src(%dma_wait3A_373 : memref<5419008x16xf32, #tpu.memory_space<hbm>>) dst(%dma_wait3A_368 : memref<128x16xf32, #tpu.memory_space<vmem>>)
      %dma_wait3A_374 = arith.constant 2048 : i32
      %dma_wait3A_375 = arith.constant 0 : i32
      %dma_wait3A_376 = tpu.memref_slice %arg7[%dma_wait3A_374, %dma_wait3A_375] : memref<3456x16xf32, #tpu.memory_space<vmem>> -> memref<128x16xf32, #tpu.memory_space<vmem>>
      %dma_wait3A_377 = arith.constant 2048 : i32
      %dma_wait3A_378 = tpu.memref_slice %arg6[%dma_wait3A_377] : memref<3456xi32, #tpu.memory_space<vmem>> -> memref<128xi32, #tpu.memory_space<vmem>>
      %dma_wait3A_379 = arith.constant 0 : i32
      %dma_wait3A_380 = arith.constant 0 : i32
      %dma_wait3A_381 = tpu.memref_slice %arg2[%dma_wait3A_379, %dma_wait3A_380] : memref<5419008x16xf32, #tpu.memory_space<hbm>> -> memref<5419008x16xf32, #tpu.memory_space<hbm>>
      tpu.wait_indirect_dma semaphore(%arg11 : memref<!tpu.dma_semaphore, #tpu.memory_space<semaphore_mem>>) src(%dma_wait3A_381 : memref<5419008x16xf32, #tpu.memory_space<hbm>>) dst(%dma_wait3A_376 : memref<128x16xf32, #tpu.memory_space<vmem>>)
      %dma_wait3A_382 = arith.constant 2176 : i32
      %dma_wait3A_383 = arith.constant 0 : i32
      %dma_wait3A_384 = tpu.memref_slice %arg7[%dma_wait3A_382, %dma_wait3A_383] : memref<3456x16xf32, #tpu.memory_space<vmem>> -> memref<128x16xf32, #tpu.memory_space<vmem>>
      %dma_wait3A_385 = arith.constant 2176 : i32
      %dma_wait3A_386 = tpu.memref_slice %arg6[%dma_wait3A_385] : memref<3456xi32, #tpu.memory_space<vmem>> -> memref<128xi32, #tpu.memory_space<vmem>>
      %dma_wait3A_387 = arith.constant 0 : i32
      %dma_wait3A_388 = arith.constant 0 : i32
      %dma_wait3A_389 = tpu.memref_slice %arg2[%dma_wait3A_387, %dma_wait3A_388] : memref<5419008x16xf32, #tpu.memory_space<hbm>> -> memref<5419008x16xf32, #tpu.memory_space<hbm>>
      tpu.wait_indirect_dma semaphore(%arg11 : memref<!tpu.dma_semaphore, #tpu.memory_space<semaphore_mem>>) src(%dma_wait3A_389 : memref<5419008x16xf32, #tpu.memory_space<hbm>>) dst(%dma_wait3A_384 : memref<128x16xf32, #tpu.memory_space<vmem>>)
      %dma_wait3A_390 = arith.constant 2304 : i32
      %dma_wait3A_391 = arith.constant 0 : i32
      %dma_wait3A_392 = tpu.memref_slice %arg7[%dma_wait3A_390, %dma_wait3A_391] : memref<3456x16xf32, #tpu.memory_space<vmem>> -> memref<128x16xf32, #tpu.memory_space<vmem>>
      %dma_wait3A_393 = arith.constant 2304 : i32
      %dma_wait3A_394 = tpu.memref_slice %arg6[%dma_wait3A_393] : memref<3456xi32, #tpu.memory_space<vmem>> -> memref<128xi32, #tpu.memory_space<vmem>>
      %dma_wait3A_395 = arith.constant 0 : i32
      %dma_wait3A_396 = arith.constant 0 : i32
      %dma_wait3A_397 = tpu.memref_slice %arg2[%dma_wait3A_395, %dma_wait3A_396] : memref<5419008x16xf32, #tpu.memory_space<hbm>> -> memref<5419008x16xf32, #tpu.memory_space<hbm>>
      tpu.wait_indirect_dma semaphore(%arg11 : memref<!tpu.dma_semaphore, #tpu.memory_space<semaphore_mem>>) src(%dma_wait3A_397 : memref<5419008x16xf32, #tpu.memory_space<hbm>>) dst(%dma_wait3A_392 : memref<128x16xf32, #tpu.memory_space<vmem>>)
      %dma_wait3A_398 = arith.constant 2432 : i32
      %dma_wait3A_399 = arith.constant 0 : i32
      %dma_wait3A_400 = tpu.memref_slice %arg7[%dma_wait3A_398, %dma_wait3A_399] : memref<3456x16xf32, #tpu.memory_space<vmem>> -> memref<128x16xf32, #tpu.memory_space<vmem>>
      %dma_wait3A_401 = arith.constant 2432 : i32
      %dma_wait3A_402 = tpu.memref_slice %arg6[%dma_wait3A_401] : memref<3456xi32, #tpu.memory_space<vmem>> -> memref<128xi32, #tpu.memory_space<vmem>>
      %dma_wait3A_403 = arith.constant 0 : i32
      %dma_wait3A_404 = arith.constant 0 : i32
      %dma_wait3A_405 = tpu.memref_slice %arg2[%dma_wait3A_403, %dma_wait3A_404] : memref<5419008x16xf32, #tpu.memory_space<hbm>> -> memref<5419008x16xf32, #tpu.memory_space<hbm>>
      tpu.wait_indirect_dma semaphore(%arg11 : memref<!tpu.dma_semaphore, #tpu.memory_space<semaphore_mem>>) src(%dma_wait3A_405 : memref<5419008x16xf32, #tpu.memory_space<hbm>>) dst(%dma_wait3A_400 : memref<128x16xf32, #tpu.memory_space<vmem>>)
      %dma_wait3A_406 = arith.constant 2560 : i32
      %dma_wait3A_407 = arith.constant 0 : i32
      %dma_wait3A_408 = tpu.memref_slice %arg7[%dma_wait3A_406, %dma_wait3A_407] : memref<3456x16xf32, #tpu.memory_space<vmem>> -> memref<128x16xf32, #tpu.memory_space<vmem>>
      %dma_wait3A_409 = arith.constant 2560 : i32
      %dma_wait3A_410 = tpu.memref_slice %arg6[%dma_wait3A_409] : memref<3456xi32, #tpu.memory_space<vmem>> -> memref<128xi32, #tpu.memory_space<vmem>>
      %dma_wait3A_411 = arith.constant 0 : i32
      %dma_wait3A_412 = arith.constant 0 : i32
      %dma_wait3A_413 = tpu.memref_slice %arg2[%dma_wait3A_411, %dma_wait3A_412] : memref<5419008x16xf32, #tpu.memory_space<hbm>> -> memref<5419008x16xf32, #tpu.memory_space<hbm>>
      tpu.wait_indirect_dma semaphore(%arg11 : memref<!tpu.dma_semaphore, #tpu.memory_space<semaphore_mem>>) src(%dma_wait3A_413 : memref<5419008x16xf32, #tpu.memory_space<hbm>>) dst(%dma_wait3A_408 : memref<128x16xf32, #tpu.memory_space<vmem>>)
      %dma_wait3A_414 = arith.constant 2688 : i32
      %dma_wait3A_415 = arith.constant 0 : i32
      %dma_wait3A_416 = tpu.memref_slice %arg7[%dma_wait3A_414, %dma_wait3A_415] : memref<3456x16xf32, #tpu.memory_space<vmem>> -> memref<128x16xf32, #tpu.memory_space<vmem>>
      %dma_wait3A_417 = arith.constant 2688 : i32
      %dma_wait3A_418 = tpu.memref_slice %arg6[%dma_wait3A_417] : memref<3456xi32, #tpu.memory_space<vmem>> -> memref<128xi32, #tpu.memory_space<vmem>>
      %dma_wait3A_419 = arith.constant 0 : i32
      %dma_wait3A_420 = arith.constant 0 : i32
      %dma_wait3A_421 = tpu.memref_slice %arg2[%dma_wait3A_419, %dma_wait3A_420] : memref<5419008x16xf32, #tpu.memory_space<hbm>> -> memref<5419008x16xf32, #tpu.memory_space<hbm>>
      tpu.wait_indirect_dma semaphore(%arg11 : memref<!tpu.dma_semaphore, #tpu.memory_space<semaphore_mem>>) src(%dma_wait3A_421 : memref<5419008x16xf32, #tpu.memory_space<hbm>>) dst(%dma_wait3A_416 : memref<128x16xf32, #tpu.memory_space<vmem>>)
      %dma_wait3A_422 = arith.constant 2816 : i32
      %dma_wait3A_423 = arith.constant 0 : i32
      %dma_wait3A_424 = tpu.memref_slice %arg7[%dma_wait3A_422, %dma_wait3A_423] : memref<3456x16xf32, #tpu.memory_space<vmem>> -> memref<128x16xf32, #tpu.memory_space<vmem>>
      %dma_wait3A_425 = arith.constant 2816 : i32
      %dma_wait3A_426 = tpu.memref_slice %arg6[%dma_wait3A_425] : memref<3456xi32, #tpu.memory_space<vmem>> -> memref<128xi32, #tpu.memory_space<vmem>>
      %dma_wait3A_427 = arith.constant 0 : i32
      %dma_wait3A_428 = arith.constant 0 : i32
      %dma_wait3A_429 = tpu.memref_slice %arg2[%dma_wait3A_427, %dma_wait3A_428] : memref<5419008x16xf32, #tpu.memory_space<hbm>> -> memref<5419008x16xf32, #tpu.memory_space<hbm>>
      tpu.wait_indirect_dma semaphore(%arg11 : memref<!tpu.dma_semaphore, #tpu.memory_space<semaphore_mem>>) src(%dma_wait3A_429 : memref<5419008x16xf32, #tpu.memory_space<hbm>>) dst(%dma_wait3A_424 : memref<128x16xf32, #tpu.memory_space<vmem>>)
      %dma_wait3A_430 = arith.constant 2944 : i32
      %dma_wait3A_431 = arith.constant 0 : i32
      %dma_wait3A_432 = tpu.memref_slice %arg7[%dma_wait3A_430, %dma_wait3A_431] : memref<3456x16xf32, #tpu.memory_space<vmem>> -> memref<128x16xf32, #tpu.memory_space<vmem>>
      %dma_wait3A_433 = arith.constant 2944 : i32
      %dma_wait3A_434 = tpu.memref_slice %arg6[%dma_wait3A_433] : memref<3456xi32, #tpu.memory_space<vmem>> -> memref<128xi32, #tpu.memory_space<vmem>>
      %dma_wait3A_435 = arith.constant 0 : i32
      %dma_wait3A_436 = arith.constant 0 : i32
      %dma_wait3A_437 = tpu.memref_slice %arg2[%dma_wait3A_435, %dma_wait3A_436] : memref<5419008x16xf32, #tpu.memory_space<hbm>> -> memref<5419008x16xf32, #tpu.memory_space<hbm>>
      tpu.wait_indirect_dma semaphore(%arg11 : memref<!tpu.dma_semaphore, #tpu.memory_space<semaphore_mem>>) src(%dma_wait3A_437 : memref<5419008x16xf32, #tpu.memory_space<hbm>>) dst(%dma_wait3A_432 : memref<128x16xf32, #tpu.memory_space<vmem>>)
      %dma_wait3A_438 = arith.constant 3072 : i32
      %dma_wait3A_439 = arith.constant 0 : i32
      %dma_wait3A_440 = tpu.memref_slice %arg7[%dma_wait3A_438, %dma_wait3A_439] : memref<3456x16xf32, #tpu.memory_space<vmem>> -> memref<128x16xf32, #tpu.memory_space<vmem>>
      %dma_wait3A_441 = arith.constant 3072 : i32
      %dma_wait3A_442 = tpu.memref_slice %arg6[%dma_wait3A_441] : memref<3456xi32, #tpu.memory_space<vmem>> -> memref<128xi32, #tpu.memory_space<vmem>>
      %dma_wait3A_443 = arith.constant 0 : i32
      %dma_wait3A_444 = arith.constant 0 : i32
      %dma_wait3A_445 = tpu.memref_slice %arg2[%dma_wait3A_443, %dma_wait3A_444] : memref<5419008x16xf32, #tpu.memory_space<hbm>> -> memref<5419008x16xf32, #tpu.memory_space<hbm>>
      tpu.wait_indirect_dma semaphore(%arg11 : memref<!tpu.dma_semaphore, #tpu.memory_space<semaphore_mem>>) src(%dma_wait3A_445 : memref<5419008x16xf32, #tpu.memory_space<hbm>>) dst(%dma_wait3A_440 : memref<128x16xf32, #tpu.memory_space<vmem>>)
      %dma_wait3A_446 = arith.constant 3200 : i32
      %dma_wait3A_447 = arith.constant 0 : i32
      %dma_wait3A_448 = tpu.memref_slice %arg7[%dma_wait3A_446, %dma_wait3A_447] : memref<3456x16xf32, #tpu.memory_space<vmem>> -> memref<128x16xf32, #tpu.memory_space<vmem>>
      %dma_wait3A_449 = arith.constant 3200 : i32
      %dma_wait3A_450 = tpu.memref_slice %arg6[%dma_wait3A_449] : memref<3456xi32, #tpu.memory_space<vmem>> -> memref<128xi32, #tpu.memory_space<vmem>>
      %dma_wait3A_451 = arith.constant 0 : i32
      %dma_wait3A_452 = arith.constant 0 : i32
      %dma_wait3A_453 = tpu.memref_slice %arg2[%dma_wait3A_451, %dma_wait3A_452] : memref<5419008x16xf32, #tpu.memory_space<hbm>> -> memref<5419008x16xf32, #tpu.memory_space<hbm>>
      tpu.wait_indirect_dma semaphore(%arg11 : memref<!tpu.dma_semaphore, #tpu.memory_space<semaphore_mem>>) src(%dma_wait3A_453 : memref<5419008x16xf32, #tpu.memory_space<hbm>>) dst(%dma_wait3A_448 : memref<128x16xf32, #tpu.memory_space<vmem>>)
      %dma_wait3A_454 = arith.constant 3328 : i32
      %dma_wait3A_455 = arith.constant 0 : i32
      %dma_wait3A_456 = tpu.memref_slice %arg7[%dma_wait3A_454, %dma_wait3A_455] : memref<3456x16xf32, #tpu.memory_space<vmem>> -> memref<128x16xf32, #tpu.memory_space<vmem>>
      %dma_wait3A_457 = arith.constant 3328 : i32
      %dma_wait3A_458 = tpu.memref_slice %arg6[%dma_wait3A_457] : memref<3456xi32, #tpu.memory_space<vmem>> -> memref<128xi32, #tpu.memory_space<vmem>>
      %dma_wait3A_459 = arith.constant 0 : i32
      %dma_wait3A_460 = arith.constant 0 : i32
      %dma_wait3A_461 = tpu.memref_slice %arg2[%dma_wait3A_459, %dma_wait3A_460] : memref<5419008x16xf32, #tpu.memory_space<hbm>> -> memref<5419008x16xf32, #tpu.memory_space<hbm>>
      tpu.wait_indirect_dma semaphore(%arg11 : memref<!tpu.dma_semaphore, #tpu.memory_space<semaphore_mem>>) src(%dma_wait3A_461 : memref<5419008x16xf32, #tpu.memory_space<hbm>>) dst(%dma_wait3A_456 : memref<128x16xf32, #tpu.memory_space<vmem>>)
      %scan3A_462 = arith.constant 0 : i32
      %scan3A_463 = arith.constant 128 : i32
      %scan3A_464 = arith.addi %scan3A_462, %scan3A_463 : i32
      %scan3A_465 = arith.constant 1 : i32
      %scan3A_466:2 = scf.for %scan3A_468 = %scan3A_462 to %scan3A_464 step %scan3A_465 iter_args(%scan3A_469 = %scan3A_21, %scan3A_470 = %scan3A_22) -> (vector<16xf32>, vector<16xf32>)  : i32 {
        %mul3A_471 = arith.constant 27 : i32
        %mul3A_472 = arith.muli %scan3A_468, %mul3A_471 : i32
        %get3A = arith.index_cast %mul3A_472 : i32 to index
        %get3A_473 = arith.constant 0 : index
        %get3A_474 = tpu.vector_load %arg7[%get3A, %get3A_473] {strides = array<i32>} : memref<3456x16xf32, #tpu.memory_space<vmem>>, vector<1x16xf32>,
        %get3A_475 = vector.shape_cast %get3A_474 : vector<1x16xf32> to vector<16xf32>
        %add3A_476 = arith.constant 1 : i32
        %add3A_477 = arith.addi %mul3A_472, %add3A_476 : i32
        %get3A_478 = arith.index_cast %add3A_477 : i32 to index
        %get3A_479 = arith.constant 0 : index
        %get3A_480 = tpu.vector_load %arg7[%get3A_478, %get3A_479] {strides = array<i32>} : memref<3456x16xf32, #tpu.memory_space<vmem>>, vector<1x16xf32>,
        %get3A_481 = vector.shape_cast %get3A_480 : vector<1x16xf32> to vector<16xf32>
        %add3A_482 = arith.addf %get3A_475, %get3A_481 : vector<16xf32>
        %add3A_483 = arith.constant 2 : i32
        %add3A_484 = arith.addi %mul3A_472, %add3A_483 : i32
        %get3A_485 = arith.index_cast %add3A_484 : i32 to index
        %get3A_486 = arith.constant 0 : index
        %get3A_487 = tpu.vector_load %arg7[%get3A_485, %get3A_486] {strides = array<i32>} : memref<3456x16xf32, #tpu.memory_space<vmem>>, vector<1x16xf32>,
        %get3A_488 = vector.shape_cast %get3A_487 : vector<1x16xf32> to vector<16xf32>
        %add3A_489 = arith.addf %add3A_482, %get3A_488 : vector<16xf32>
        %add3A_490 = arith.constant 3 : i32
        %add3A_491 = arith.addi %mul3A_472, %add3A_490 : i32
        %get3A_492 = arith.index_cast %add3A_491 : i32 to index
        %get3A_493 = arith.constant 0 : index
        %get3A_494 = tpu.vector_load %arg7[%get3A_492, %get3A_493] {strides = array<i32>} : memref<3456x16xf32, #tpu.memory_space<vmem>>, vector<1x16xf32>,
        %get3A_495 = vector.shape_cast %get3A_494 : vector<1x16xf32> to vector<16xf32>
        %add3A_496 = arith.addf %add3A_489, %get3A_495 : vector<16xf32>
        %add3A_497 = arith.constant 4 : i32
        %add3A_498 = arith.addi %mul3A_472, %add3A_497 : i32
        %get3A_499 = arith.index_cast %add3A_498 : i32 to index
        %get3A_500 = arith.constant 0 : index
        %get3A_501 = tpu.vector_load %arg7[%get3A_499, %get3A_500] {strides = array<i32>} : memref<3456x16xf32, #tpu.memory_space<vmem>>, vector<1x16xf32>,
        %get3A_502 = vector.shape_cast %get3A_501 : vector<1x16xf32> to vector<16xf32>
        %add3A_503 = arith.addf %add3A_496, %get3A_502 : vector<16xf32>
        %add3A_504 = arith.constant 5 : i32
        %add3A_505 = arith.addi %mul3A_472, %add3A_504 : i32
        %get3A_506 = arith.index_cast %add3A_505 : i32 to index
        %get3A_507 = arith.constant 0 : index
        %get3A_508 = tpu.vector_load %arg7[%get3A_506, %get3A_507] {strides = array<i32>} : memref<3456x16xf32, #tpu.memory_space<vmem>>, vector<1x16xf32>,
        %get3A_509 = vector.shape_cast %get3A_508 : vector<1x16xf32> to vector<16xf32>
        %add3A_510 = arith.addf %add3A_503, %get3A_509 : vector<16xf32>
        %add3A_511 = arith.constant 6 : i32
        %add3A_512 = arith.addi %mul3A_472, %add3A_511 : i32
        %get3A_513 = arith.index_cast %add3A_512 : i32 to index
        %get3A_514 = arith.constant 0 : index
        %get3A_515 = tpu.vector_load %arg7[%get3A_513, %get3A_514] {strides = array<i32>} : memref<3456x16xf32, #tpu.memory_space<vmem>>, vector<1x16xf32>,
        %get3A_516 = vector.shape_cast %get3A_515 : vector<1x16xf32> to vector<16xf32>
        %add3A_517 = arith.addf %add3A_510, %get3A_516 : vector<16xf32>
        %add3A_518 = arith.constant 7 : i32
        %add3A_519 = arith.addi %mul3A_472, %add3A_518 : i32
        %get3A_520 = arith.index_cast %add3A_519 : i32 to index
        %get3A_521 = arith.constant 0 : index
        %get3A_522 = tpu.vector_load %arg7[%get3A_520, %get3A_521] {strides = array<i32>} : memref<3456x16xf32, #tpu.memory_space<vmem>>, vector<1x16xf32>,
        %get3A_523 = vector.shape_cast %get3A_522 : vector<1x16xf32> to vector<16xf32>
        %add3A_524 = arith.addf %add3A_517, %get3A_523 : vector<16xf32>
        %add3A_525 = arith.constant 8 : i32
        %add3A_526 = arith.addi %mul3A_472, %add3A_525 : i32
        %get3A_527 = arith.index_cast %add3A_526 : i32 to index
        %get3A_528 = arith.constant 0 : index
        %get3A_529 = tpu.vector_load %arg7[%get3A_527, %get3A_528] {strides = array<i32>} : memref<3456x16xf32, #tpu.memory_space<vmem>>, vector<1x16xf32>,
        %get3A_530 = vector.shape_cast %get3A_529 : vector<1x16xf32> to vector<16xf32>
        %add3A_531 = arith.addf %add3A_524, %get3A_530 : vector<16xf32>
        %add3A_532 = arith.constant 9 : i32
        %add3A_533 = arith.addi %mul3A_472, %add3A_532 : i32
        %get3A_534 = arith.index_cast %add3A_533 : i32 to index
        %get3A_535 = arith.constant 0 : index
        %get3A_536 = tpu.vector_load %arg7[%get3A_534, %get3A_535] {strides = array<i32>} : memref<3456x16xf32, #tpu.memory_space<vmem>>, vector<1x16xf32>,
        %get3A_537 = vector.shape_cast %get3A_536 : vector<1x16xf32> to vector<16xf32>
        %add3A_538 = arith.addf %add3A_531, %get3A_537 : vector<16xf32>
        %add3A_539 = arith.constant 10 : i32
        %add3A_540 = arith.addi %mul3A_472, %add3A_539 : i32
        %get3A_541 = arith.index_cast %add3A_540 : i32 to index
        %get3A_542 = arith.constant 0 : index
        %get3A_543 = tpu.vector_load %arg7[%get3A_541, %get3A_542] {strides = array<i32>} : memref<3456x16xf32, #tpu.memory_space<vmem>>, vector<1x16xf32>,
        %get3A_544 = vector.shape_cast %get3A_543 : vector<1x16xf32> to vector<16xf32>
        %add3A_545 = arith.addf %add3A_538, %get3A_544 : vector<16xf32>
        %add3A_546 = arith.constant 11 : i32
        %add3A_547 = arith.addi %mul3A_472, %add3A_546 : i32
        %get3A_548 = arith.index_cast %add3A_547 : i32 to index
        %get3A_549 = arith.constant 0 : index
        %get3A_550 = tpu.vector_load %arg7[%get3A_548, %get3A_549] {strides = array<i32>} : memref<3456x16xf32, #tpu.memory_space<vmem>>, vector<1x16xf32>,
        %get3A_551 = vector.shape_cast %get3A_550 : vector<1x16xf32> to vector<16xf32>
        %add3A_552 = arith.addf %add3A_545, %get3A_551 : vector<16xf32>
        %add3A_553 = arith.constant 12 : i32
        %add3A_554 = arith.addi %mul3A_472, %add3A_553 : i32
        %get3A_555 = arith.index_cast %add3A_554 : i32 to index
        %get3A_556 = arith.constant 0 : index
        %get3A_557 = tpu.vector_load %arg7[%get3A_555, %get3A_556] {strides = array<i32>} : memref<3456x16xf32, #tpu.memory_space<vmem>>, vector<1x16xf32>,
        %get3A_558 = vector.shape_cast %get3A_557 : vector<1x16xf32> to vector<16xf32>
        %add3A_559 = arith.addf %add3A_552, %get3A_558 : vector<16xf32>
        %add3A_560 = arith.constant 13 : i32
        %add3A_561 = arith.addi %mul3A_472, %add3A_560 : i32
        %get3A_562 = arith.index_cast %add3A_561 : i32 to index
        %get3A_563 = arith.constant 0 : index
        %get3A_564 = tpu.vector_load %arg7[%get3A_562, %get3A_563] {strides = array<i32>} : memref<3456x16xf32, #tpu.memory_space<vmem>>, vector<1x16xf32>,
        %get3A_565 = vector.shape_cast %get3A_564 : vector<1x16xf32> to vector<16xf32>
        %add3A_566 = arith.addf %add3A_559, %get3A_565 : vector<16xf32>
        %add3A_567 = arith.constant 14 : i32
        %add3A_568 = arith.addi %mul3A_472, %add3A_567 : i32
        %get3A_569 = arith.index_cast %add3A_568 : i32 to index
        %get3A_570 = arith.constant 0 : index
        %get3A_571 = tpu.vector_load %arg7[%get3A_569, %get3A_570] {strides = array<i32>} : memref<3456x16xf32, #tpu.memory_space<vmem>>, vector<1x16xf32>,
        %get3A_572 = vector.shape_cast %get3A_571 : vector<1x16xf32> to vector<16xf32>
        %add3A_573 = arith.addf %add3A_566, %get3A_572 : vector<16xf32>
        %add3A_574 = arith.constant 15 : i32
        %add3A_575 = arith.addi %mul3A_472, %add3A_574 : i32
        %get3A_576 = arith.index_cast %add3A_575 : i32 to index
        %get3A_577 = arith.constant 0 : index
        %get3A_578 = tpu.vector_load %arg7[%get3A_576, %get3A_577] {strides = array<i32>} : memref<3456x16xf32, #tpu.memory_space<vmem>>, vector<1x16xf32>,
        %get3A_579 = vector.shape_cast %get3A_578 : vector<1x16xf32> to vector<16xf32>
        %add3A_580 = arith.addf %add3A_573, %get3A_579 : vector<16xf32>
        %add3A_581 = arith.constant 16 : i32
        %add3A_582 = arith.addi %mul3A_472, %add3A_581 : i32
        %get3A_583 = arith.index_cast %add3A_582 : i32 to index
        %get3A_584 = arith.constant 0 : index
        %get3A_585 = tpu.vector_load %arg7[%get3A_583, %get3A_584] {strides = array<i32>} : memref<3456x16xf32, #tpu.memory_space<vmem>>, vector<1x16xf32>,
        %get3A_586 = vector.shape_cast %get3A_585 : vector<1x16xf32> to vector<16xf32>
        %add3A_587 = arith.addf %add3A_580, %get3A_586 : vector<16xf32>
        %add3A_588 = arith.constant 17 : i32
        %add3A_589 = arith.addi %mul3A_472, %add3A_588 : i32
        %get3A_590 = arith.index_cast %add3A_589 : i32 to index
        %get3A_591 = arith.constant 0 : index
        %get3A_592 = tpu.vector_load %arg7[%get3A_590, %get3A_591] {strides = array<i32>} : memref<3456x16xf32, #tpu.memory_space<vmem>>, vector<1x16xf32>,
        %get3A_593 = vector.shape_cast %get3A_592 : vector<1x16xf32> to vector<16xf32>
        %add3A_594 = arith.addf %add3A_587, %get3A_593 : vector<16xf32>
        %add3A_595 = arith.constant 18 : i32
        %add3A_596 = arith.addi %mul3A_472, %add3A_595 : i32
        %get3A_597 = arith.index_cast %add3A_596 : i32 to index
        %get3A_598 = arith.constant 0 : index
        %get3A_599 = tpu.vector_load %arg7[%get3A_597, %get3A_598] {strides = array<i32>} : memref<3456x16xf32, #tpu.memory_space<vmem>>, vector<1x16xf32>,
        %get3A_600 = vector.shape_cast %get3A_599 : vector<1x16xf32> to vector<16xf32>
        %add3A_601 = arith.addf %add3A_594, %get3A_600 : vector<16xf32>
        %add3A_602 = arith.constant 19 : i32
        %add3A_603 = arith.addi %mul3A_472, %add3A_602 : i32
        %get3A_604 = arith.index_cast %add3A_603 : i32 to index
        %get3A_605 = arith.constant 0 : index
        %get3A_606 = tpu.vector_load %arg7[%get3A_604, %get3A_605] {strides = array<i32>} : memref<3456x16xf32, #tpu.memory_space<vmem>>, vector<1x16xf32>,
        %get3A_607 = vector.shape_cast %get3A_606 : vector<1x16xf32> to vector<16xf32>
        %add3A_608 = arith.addf %add3A_601, %get3A_607 : vector<16xf32>
        %add3A_609 = arith.constant 20 : i32
        %add3A_610 = arith.addi %mul3A_472, %add3A_609 : i32
        %get3A_611 = arith.index_cast %add3A_610 : i32 to index
        %get3A_612 = arith.constant 0 : index
        %get3A_613 = tpu.vector_load %arg7[%get3A_611, %get3A_612] {strides = array<i32>} : memref<3456x16xf32, #tpu.memory_space<vmem>>, vector<1x16xf32>,
        %get3A_614 = vector.shape_cast %get3A_613 : vector<1x16xf32> to vector<16xf32>
        %add3A_615 = arith.addf %add3A_608, %get3A_614 : vector<16xf32>
        %add3A_616 = arith.constant 21 : i32
        %add3A_617 = arith.addi %mul3A_472, %add3A_616 : i32
        %get3A_618 = arith.index_cast %add3A_617 : i32 to index
        %get3A_619 = arith.constant 0 : index
        %get3A_620 = tpu.vector_load %arg7[%get3A_618, %get3A_619] {strides = array<i32>} : memref<3456x16xf32, #tpu.memory_space<vmem>>, vector<1x16xf32>,
        %get3A_621 = vector.shape_cast %get3A_620 : vector<1x16xf32> to vector<16xf32>
        %add3A_622 = arith.addf %add3A_615, %get3A_621 : vector<16xf32>
        %add3A_623 = arith.constant 22 : i32
        %add3A_624 = arith.addi %mul3A_472, %add3A_623 : i32
        %get3A_625 = arith.index_cast %add3A_624 : i32 to index
        %get3A_626 = arith.constant 0 : index
        %get3A_627 = tpu.vector_load %arg7[%get3A_625, %get3A_626] {strides = array<i32>} : memref<3456x16xf32, #tpu.memory_space<vmem>>, vector<1x16xf32>,
        %get3A_628 = vector.shape_cast %get3A_627 : vector<1x16xf32> to vector<16xf32>
        %add3A_629 = arith.addf %add3A_622, %get3A_628 : vector<16xf32>
        %add3A_630 = arith.constant 23 : i32
        %add3A_631 = arith.addi %mul3A_472, %add3A_630 : i32
        %get3A_632 = arith.index_cast %add3A_631 : i32 to index
        %get3A_633 = arith.constant 0 : index
        %get3A_634 = tpu.vector_load %arg7[%get3A_632, %get3A_633] {strides = array<i32>} : memref<3456x16xf32, #tpu.memory_space<vmem>>, vector<1x16xf32>,
        %get3A_635 = vector.shape_cast %get3A_634 : vector<1x16xf32> to vector<16xf32>
        %add3A_636 = arith.addf %add3A_629, %get3A_635 : vector<16xf32>
        %add3A_637 = arith.constant 24 : i32
        %add3A_638 = arith.addi %mul3A_472, %add3A_637 : i32
        %get3A_639 = arith.index_cast %add3A_638 : i32 to index
        %get3A_640 = arith.constant 0 : index
        %get3A_641 = tpu.vector_load %arg7[%get3A_639, %get3A_640] {strides = array<i32>} : memref<3456x16xf32, #tpu.memory_space<vmem>>, vector<1x16xf32>,
        %get3A_642 = vector.shape_cast %get3A_641 : vector<1x16xf32> to vector<16xf32>
        %add3A_643 = arith.addf %add3A_636, %get3A_642 : vector<16xf32>
        %add3A_644 = arith.constant 25 : i32
        %add3A_645 = arith.addi %mul3A_472, %add3A_644 : i32
        %get3A_646 = arith.index_cast %add3A_645 : i32 to index
        %get3A_647 = arith.constant 0 : index
        %get3A_648 = tpu.vector_load %arg7[%get3A_646, %get3A_647] {strides = array<i32>} : memref<3456x16xf32, #tpu.memory_space<vmem>>, vector<1x16xf32>,
        %get3A_649 = vector.shape_cast %get3A_648 : vector<1x16xf32> to vector<16xf32>
        %add3A_650 = arith.addf %add3A_643, %get3A_649 : vector<16xf32>
        %add3A_651 = arith.constant 26 : i32
        %add3A_652 = arith.addi %mul3A_472, %add3A_651 : i32
        %get3A_653 = arith.index_cast %add3A_652 : i32 to index
        %get3A_654 = arith.constant 0 : index
        %get3A_655 = tpu.vector_load %arg7[%get3A_653, %get3A_654] {strides = array<i32>} : memref<3456x16xf32, #tpu.memory_space<vmem>>, vector<1x16xf32>,
        %get3A_656 = vector.shape_cast %get3A_655 : vector<1x16xf32> to vector<16xf32>
        %add3A_657 = arith.addf %add3A_650, %get3A_656 : vector<16xf32>
        %swap3A_658 = arith.index_cast %scan3A_468 : i32 to index
        %swap3A_659 = arith.constant 0 : index
        %swap3A_660 = tpu.vector_load %arg8[%swap3A_658, %swap3A_659] {strides = array<i32>} : memref<128x16xf32, #tpu.memory_space<vmem>>, vector<1x16xf32>,
        %swap3A_661 = vector.shape_cast %swap3A_660 : vector<1x16xf32> to vector<16xf32>
        %swap3A_662 = vector.shape_cast %add3A_657 : vector<16xf32> to vector<1x16xf32>
        tpu.vector_store %arg8[%swap3A_658, %swap3A_659], %swap3A_662 {strides = array<i32>} : memref<128x16xf32, #tpu.memory_space<vmem>>, vector<1x16xf32>,
        %add3A_663 = arith.addi %add3A_25, %scan3A_468 : i32
        %lt3A = arith.constant 200000 : i32
        %lt3A_664 = arith.cmpi slt, %add3A_663, %lt3A : i32
        %jit3A = arith.constant 1.000000e+00 : f32
        %jit3A_665 = arith.constant 0.000000e+00 : f32
        %select_n3A = arith.select %lt3A_664, %jit3A, %jit3A_665 : f32
        %mul3A_666 = vector.broadcast %select_n3A : f32 to vector<16xf32>
        %mul3A_667 = arith.mulf %add3A_657, %mul3A_666 : vector<16xf32>
        %add3A_668 = arith.addf %scan3A_469, %mul3A_667 : vector<16xf32>
        %mul3A_669 = arith.mulf %add3A_657, %add3A_657 : vector<16xf32>
        %mul3A_670 = vector.broadcast %select_n3A : f32 to vector<16xf32>
        %mul3A_671 = arith.mulf %mul3A_669, %mul3A_670 : vector<16xf32>
        %add3A_672 = arith.addf %scan3A_470, %mul3A_671 : vector<16xf32>
        scf.yield %add3A_668, %add3A_672 : vector<16xf32>, vector<16xf32>
      }
      %scan3A_467 = arith.constant 128 : i32
      "tpu.region"() ({
        %run_scoped3A = tpu.sem_alloc : memref<!tpu.dma_semaphore, #tpu.memory_space<semaphore_mem>>
        %dma_start3A_468 = arith.constant 0 : i32
        %dma_start3A_469 = tpu.memref_slice %arg4[%add3A_25, %dma_start3A_468] : memref<200704x16xf32, #tpu.memory_space<hbm>> -> memref<128x16xf32, #tpu.memory_space<hbm>>
        %dma_start3A_470 = arith.constant 0 : i32
        %dma_start3A_471 = tpu.memref_slice %arg4[%add3A_25, %dma_start3A_470] : memref<200704x16xf32, #tpu.memory_space<hbm>> -> memref<128x16xf32, #tpu.memory_space<hbm>>
        tpu.enqueue_dma source(%arg8 : memref<128x16xf32, #tpu.memory_space<vmem>>) target(%dma_start3A_471 : memref<128x16xf32, #tpu.memory_space<hbm>>) target_semaphore(%run_scoped3A : memref<!tpu.dma_semaphore, #tpu.memory_space<semaphore_mem>>)
        %dma_wait3A_472 = arith.constant 0 : i32
        %dma_wait3A_473 = tpu.memref_slice %arg4[%add3A_25, %dma_wait3A_472] : memref<200704x16xf32, #tpu.memory_space<hbm>> -> memref<128x16xf32, #tpu.memory_space<hbm>>
        %dma_wait3A_474 = arith.constant 0 : i32
        %dma_wait3A_475 = tpu.memref_slice %arg4[%add3A_25, %dma_wait3A_474] : memref<200704x16xf32, #tpu.memory_space<hbm>> -> memref<128x16xf32, #tpu.memory_space<hbm>>
        tpu.wait_dma2 semaphore(%run_scoped3A : memref<!tpu.dma_semaphore, #tpu.memory_space<semaphore_mem>>) src(%arg8 : memref<128x16xf32, #tpu.memory_space<vmem>>) dst(%dma_wait3A_475 : memref<128x16xf32, #tpu.memory_space<hbm>>)
        tpu.yield
      }) : () -> ()
      scf.yield %scan3A_466#0, %scan3A_466#1 : vector<16xf32>, vector<16xf32>
    }
    %scan3A_8 = arith.constant 49 : i32
    %swap3A = arith.constant 0 : i32
    %swap3A_9 = arith.index_cast %swap3A : i32 to index
    %swap3A_10 = arith.constant 0 : index
    %swap3A_11 = tpu.vector_load %arg9[%swap3A_9, %swap3A_10] {strides = array<i32>} : memref<2x16xf32, #tpu.memory_space<vmem>>, vector<1x16xf32>,
    %swap3A_12 = vector.shape_cast %swap3A_11 : vector<1x16xf32> to vector<16xf32>
    %swap3A_13 = vector.shape_cast %scan3A_7#0 : vector<16xf32> to vector<1x16xf32>
    tpu.vector_store %arg9[%swap3A_9, %swap3A_10], %swap3A_13 {strides = array<i32>} : memref<2x16xf32, #tpu.memory_space<vmem>>, vector<1x16xf32>,
    %swap3A_14 = arith.constant 1 : i32
    %swap3A_15 = arith.index_cast %swap3A_14 : i32 to index
    %swap3A_16 = arith.constant 0 : index
    %swap3A_17 = tpu.vector_load %arg9[%swap3A_15, %swap3A_16] {strides = array<i32>} : memref<2x16xf32, #tpu.memory_space<vmem>>, vector<1x16xf32>,
    %swap3A_18 = vector.shape_cast %swap3A_17 : vector<1x16xf32> to vector<16xf32>
    %swap3A_19 = vector.shape_cast %scan3A_7#1 : vector<16xf32> to vector<1x16xf32>
    tpu.vector_store %arg9[%swap3A_15, %swap3A_16], %swap3A_19 {strides = array<i32>} : memref<2x16xf32, #tpu.memory_space<vmem>>, vector<1x16xf32>,
    "tpu.region"() ({
      %run_scoped3A = tpu.sem_alloc : memref<!tpu.dma_semaphore, #tpu.memory_space<semaphore_mem>>
      %dma_start3A = arith.constant 0 : i32
      %dma_start3A_20 = arith.constant 0 : i32
      %dma_start3A_21 = tpu.memref_slice %arg5[%add3A, %dma_start3A, %dma_start3A_20] : memref<32x2x16xf32, #tpu.memory_space<hbm>> -> memref<1x2x16xf32, #tpu.memory_space<hbm>>
      %dma_start3A_22 = tpu.memref_squeeze %dma_start3A_21 : memref<1x2x16xf32, #tpu.memory_space<hbm>> -> memref<2x16xf32, #tpu.memory_space<hbm>>
      %dma_start3A_23 = arith.constant 0 : i32
      %dma_start3A_24 = arith.constant 0 : i32
      %dma_start3A_25 = tpu.memref_slice %arg5[%add3A, %dma_start3A_23, %dma_start3A_24] : memref<32x2x16xf32, #tpu.memory_space<hbm>> -> memref<1x2x16xf32, #tpu.memory_space<hbm>>
      %dma_start3A_26 = tpu.memref_squeeze %dma_start3A_25 : memref<1x2x16xf32, #tpu.memory_space<hbm>> -> memref<2x16xf32, #tpu.memory_space<hbm>>
      tpu.enqueue_dma source(%arg9 : memref<2x16xf32, #tpu.memory_space<vmem>>) target(%dma_start3A_26 : memref<2x16xf32, #tpu.memory_space<hbm>>) target_semaphore(%run_scoped3A : memref<!tpu.dma_semaphore, #tpu.memory_space<semaphore_mem>>)
      %dma_wait3A = arith.constant 0 : i32
      %dma_wait3A_27 = arith.constant 0 : i32
      %dma_wait3A_28 = tpu.memref_slice %arg5[%add3A, %dma_wait3A, %dma_wait3A_27] : memref<32x2x16xf32, #tpu.memory_space<hbm>> -> memref<1x2x16xf32, #tpu.memory_space<hbm>>
      %dma_wait3A_29 = tpu.memref_squeeze %dma_wait3A_28 : memref<1x2x16xf32, #tpu.memory_space<hbm>> -> memref<2x16xf32, #tpu.memory_space<hbm>>
      %dma_wait3A_30 = arith.constant 0 : i32
      %dma_wait3A_31 = arith.constant 0 : i32
      %dma_wait3A_32 = tpu.memref_slice %arg5[%add3A, %dma_wait3A_30, %dma_wait3A_31] : memref<32x2x16xf32, #tpu.memory_space<hbm>> -> memref<1x2x16xf32, #tpu.memory_space<hbm>>
      %dma_wait3A_33 = tpu.memref_squeeze %dma_wait3A_32 : memref<1x2x16xf32, #tpu.memory_space<hbm>> -> memref<2x16xf32, #tpu.memory_space<hbm>>
      tpu.wait_dma2 semaphore(%run_scoped3A : memref<!tpu.dma_semaphore, #tpu.memory_space<semaphore_mem>>) src(%arg9 : memref<2x16xf32, #tpu.memory_space<vmem>>) dst(%dma_wait3A_33 : memref<2x16xf32, #tpu.memory_space<hbm>>)
      tpu.yield
    }) : () -> ()
    return
  }
}

#map = affine_map<(d0, d1) -> (0, 0)>
#map1 = affine_map<(d0, d1) -> (0)>
#map2 = affine_map<(d0, d1) -> (0, 0, 0)>
module attributes {stable_mosaic.version = 14 : i64} {
  func.func @_embed_sum_body(%arg0: i32, %arg1: i32, %arg2: memref<5419008x16xf32, #tpu.memory_space<hbm>>, %arg3: memref<5419008xi32, #tpu.memory_space<hbm>>, %arg4: memref<200704x16xf32, #tpu.memory_space<hbm>>, %arg5: memref<32x2x16xf32, #tpu.memory_space<hbm>>, %arg6: memref<3456xi32, #tpu.memory_space<vmem>>, %arg7: memref<3456x16xf32, #tpu.memory_space<vmem>>, %arg8: memref<128x16xf32, #tpu.memory_space<vmem>>, %arg9: memref<2x16xf32, #tpu.memory_space<vmem>>, %arg10: memref<!tpu.dma_semaphore, #tpu.memory_space<semaphore_mem>>, %arg11: memref<!tpu.dma_semaphore, #tpu.memory_space<semaphore_mem>>) attributes {dimension_semantics = [#tpu.dimension_semantics<core_parallel>, #tpu.dimension_semantics<subcore_parallel>], iteration_bounds = array<i64: 2, 16>, scalar_prefetch = 0 : i64, scratch_operands = 6 : i64, tpu.core_type = #tpu.core_type<sc_vector_subcore>, window_params = [{transform_indices = #map}, {transform_indices = #map1}, {transform_indices = #map}, {transform_indices = #map2}]} {
    %mul3A = arith.constant 2 : i32
    %mul3A_0 = arith.muli %arg1, %mul3A : i32
    %add3A = arith.addi %mul3A_0, %arg0 : i32
    %mul3A_1 = arith.constant 6272 : i32
    %mul3A_2 = arith.muli %add3A, %mul3A_1 : i32
    %broadcast_in_dim3A = arith.constant 0.000000e+00 : f32
    %broadcast_in_dim3A_3 = vector.broadcast %broadcast_in_dim3A : f32 to vector<16xf32>
    %scan3A = arith.constant 0 : i32
    %scan3A_4 = arith.constant 49 : i32
    %scan3A_5 = arith.addi %scan3A, %scan3A_4 : i32
    %scan3A_6 = arith.constant 1 : i32
    %scan3A_7:2 = scf.for %scan3A_20 = %scan3A to %scan3A_5 step %scan3A_6 iter_args(%scan3A_21 = %broadcast_in_dim3A_3, %scan3A_22 = %broadcast_in_dim3A_3) -> (vector<16xf32>, vector<16xf32>)  : i32 {
      %mul3A_23 = arith.constant 128 : i32
      %mul3A_24 = arith.muli %scan3A_20, %mul3A_23 : i32
      %add3A_25 = arith.addi %mul3A_2, %mul3A_24 : i32
      %mul3A_26 = arith.constant 27 : i32
      %mul3A_27 = arith.muli %add3A_25, %mul3A_26 : i32
      %multiple_of3A = tpu.assume_multiple %mul3A_27, 8 : i32
      %dma_start3A = tpu.memref_slice %arg3[%multiple_of3A] : memref<5419008xi32, #tpu.memory_space<hbm>> -> memref<3456xi32, #tpu.memory_space<hbm>>
      %dma_start3A_28 = tpu.memref_slice %arg3[%multiple_of3A] : memref<5419008xi32, #tpu.memory_space<hbm>> -> memref<3456xi32, #tpu.memory_space<hbm>>
      tpu.enqueue_dma source(%dma_start3A_28 : memref<3456xi32, #tpu.memory_space<hbm>>) target(%arg6 : memref<3456xi32, #tpu.memory_space<vmem>>) target_semaphore(%arg10 : memref<!tpu.dma_semaphore, #tpu.memory_space<semaphore_mem>>)
      %dma_wait3A = tpu.memref_slice %arg3[%multiple_of3A] : memref<5419008xi32, #tpu.memory_space<hbm>> -> memref<3456xi32, #tpu.memory_space<hbm>>
      %dma_wait3A_29 = tpu.memref_slice %arg3[%multiple_of3A] : memref<5419008xi32, #tpu.memory_space<hbm>> -> memref<3456xi32, #tpu.memory_space<hbm>>
      tpu.wait_dma2 semaphore(%arg10 : memref<!tpu.dma_semaphore, #tpu.memory_space<semaphore_mem>>) src(%dma_wait3A_29 : memref<3456xi32, #tpu.memory_space<hbm>>) dst(%arg6 : memref<3456xi32, #tpu.memory_space<vmem>>)
      %dma_start3A_30 = arith.constant 0 : i32
      %dma_start3A_31 = arith.constant 0 : i32
      %dma_start3A_32 = tpu.memref_slice %arg7[%dma_start3A_30, %dma_start3A_31] : memref<3456x16xf32, #tpu.memory_space<vmem>> -> memref<128x16xf32, #tpu.memory_space<vmem>>
      %dma_start3A_33 = arith.constant 0 : i32
      %dma_start3A_34 = tpu.memref_slice %arg6[%dma_start3A_33] : memref<3456xi32, #tpu.memory_space<vmem>> -> memref<128xi32, #tpu.memory_space<vmem>>
      %dma_start3A_35 = arith.constant 0 : i32
      %dma_start3A_36 = arith.constant 0 : i32
      %dma_start3A_37 = tpu.memref_slice %arg2[%dma_start3A_35, %dma_start3A_36] : memref<5419008x16xf32, #tpu.memory_space<hbm>> -> memref<5419008x16xf32, #tpu.memory_space<hbm>>
      tpu.enqueue_indirect_dma source(%dma_start3A_37 : memref<5419008x16xf32, #tpu.memory_space<hbm>>) target(%dma_start3A_32 : memref<128x16xf32, #tpu.memory_space<vmem>>) offsets(%dma_start3A_34 : memref<128xi32, #tpu.memory_space<vmem>>) semaphore(%arg11 : memref<!tpu.dma_semaphore, #tpu.memory_space<semaphore_mem>>)
      %dma_start3A_38 = arith.constant 128 : i32
      %dma_start3A_39 = arith.constant 0 : i32
      %dma_start3A_40 = tpu.memref_slice %arg7[%dma_start3A_38, %dma_start3A_39] : memref<3456x16xf32, #tpu.memory_space<vmem>> -> memref<128x16xf32, #tpu.memory_space<vmem>>
      %dma_start3A_41 = arith.constant 128 : i32
      %dma_start3A_42 = tpu.memref_slice %arg6[%dma_start3A_41] : memref<3456xi32, #tpu.memory_space<vmem>> -> memref<128xi32, #tpu.memory_space<vmem>>
      %dma_start3A_43 = arith.constant 0 : i32
      %dma_start3A_44 = arith.constant 0 : i32
      %dma_start3A_45 = tpu.memref_slice %arg2[%dma_start3A_43, %dma_start3A_44] : memref<5419008x16xf32, #tpu.memory_space<hbm>> -> memref<5419008x16xf32, #tpu.memory_space<hbm>>
      tpu.enqueue_indirect_dma source(%dma_start3A_45 : memref<5419008x16xf32, #tpu.memory_space<hbm>>) target(%dma_start3A_40 : memref<128x16xf32, #tpu.memory_space<vmem>>) offsets(%dma_start3A_42 : memref<128xi32, #tpu.memory_space<vmem>>) semaphore(%arg11 : memref<!tpu.dma_semaphore, #tpu.memory_space<semaphore_mem>>)
      %dma_start3A_46 = arith.constant 256 : i32
      %dma_start3A_47 = arith.constant 0 : i32
      %dma_start3A_48 = tpu.memref_slice %arg7[%dma_start3A_46, %dma_start3A_47] : memref<3456x16xf32, #tpu.memory_space<vmem>> -> memref<128x16xf32, #tpu.memory_space<vmem>>
      %dma_start3A_49 = arith.constant 256 : i32
      %dma_start3A_50 = tpu.memref_slice %arg6[%dma_start3A_49] : memref<3456xi32, #tpu.memory_space<vmem>> -> memref<128xi32, #tpu.memory_space<vmem>>
      %dma_start3A_51 = arith.constant 0 : i32
      %dma_start3A_52 = arith.constant 0 : i32
      %dma_start3A_53 = tpu.memref_slice %arg2[%dma_start3A_51, %dma_start3A_52] : memref<5419008x16xf32, #tpu.memory_space<hbm>> -> memref<5419008x16xf32, #tpu.memory_space<hbm>>
      tpu.enqueue_indirect_dma source(%dma_start3A_53 : memref<5419008x16xf32, #tpu.memory_space<hbm>>) target(%dma_start3A_48 : memref<128x16xf32, #tpu.memory_space<vmem>>) offsets(%dma_start3A_50 : memref<128xi32, #tpu.memory_space<vmem>>) semaphore(%arg11 : memref<!tpu.dma_semaphore, #tpu.memory_space<semaphore_mem>>)
      %dma_start3A_54 = arith.constant 384 : i32
      %dma_start3A_55 = arith.constant 0 : i32
      %dma_start3A_56 = tpu.memref_slice %arg7[%dma_start3A_54, %dma_start3A_55] : memref<3456x16xf32, #tpu.memory_space<vmem>> -> memref<128x16xf32, #tpu.memory_space<vmem>>
      %dma_start3A_57 = arith.constant 384 : i32
      %dma_start3A_58 = tpu.memref_slice %arg6[%dma_start3A_57] : memref<3456xi32, #tpu.memory_space<vmem>> -> memref<128xi32, #tpu.memory_space<vmem>>
      %dma_start3A_59 = arith.constant 0 : i32
      %dma_start3A_60 = arith.constant 0 : i32
      %dma_start3A_61 = tpu.memref_slice %arg2[%dma_start3A_59, %dma_start3A_60] : memref<5419008x16xf32, #tpu.memory_space<hbm>> -> memref<5419008x16xf32, #tpu.memory_space<hbm>>
      tpu.enqueue_indirect_dma source(%dma_start3A_61 : memref<5419008x16xf32, #tpu.memory_space<hbm>>) target(%dma_start3A_56 : memref<128x16xf32, #tpu.memory_space<vmem>>) offsets(%dma_start3A_58 : memref<128xi32, #tpu.memory_space<vmem>>) semaphore(%arg11 : memref<!tpu.dma_semaphore, #tpu.memory_space<semaphore_mem>>)
      %dma_start3A_62 = arith.constant 512 : i32
      %dma_start3A_63 = arith.constant 0 : i32
      %dma_start3A_64 = tpu.memref_slice %arg7[%dma_start3A_62, %dma_start3A_63] : memref<3456x16xf32, #tpu.memory_space<vmem>> -> memref<128x16xf32, #tpu.memory_space<vmem>>
      %dma_start3A_65 = arith.constant 512 : i32
      %dma_start3A_66 = tpu.memref_slice %arg6[%dma_start3A_65] : memref<3456xi32, #tpu.memory_space<vmem>> -> memref<128xi32, #tpu.memory_space<vmem>>
      %dma_start3A_67 = arith.constant 0 : i32
      %dma_start3A_68 = arith.constant 0 : i32
      %dma_start3A_69 = tpu.memref_slice %arg2[%dma_start3A_67, %dma_start3A_68] : memref<5419008x16xf32, #tpu.memory_space<hbm>> -> memref<5419008x16xf32, #tpu.memory_space<hbm>>
      tpu.enqueue_indirect_dma source(%dma_start3A_69 : memref<5419008x16xf32, #tpu.memory_space<hbm>>) target(%dma_start3A_64 : memref<128x16xf32, #tpu.memory_space<vmem>>) offsets(%dma_start3A_66 : memref<128xi32, #tpu.memory_space<vmem>>) semaphore(%arg11 : memref<!tpu.dma_semaphore, #tpu.memory_space<semaphore_mem>>)
      %dma_start3A_70 = arith.constant 640 : i32
      %dma_start3A_71 = arith.constant 0 : i32
      %dma_start3A_72 = tpu.memref_slice %arg7[%dma_start3A_70, %dma_start3A_71] : memref<3456x16xf32, #tpu.memory_space<vmem>> -> memref<128x16xf32, #tpu.memory_space<vmem>>
      %dma_start3A_73 = arith.constant 640 : i32
      %dma_start3A_74 = tpu.memref_slice %arg6[%dma_start3A_73] : memref<3456xi32, #tpu.memory_space<vmem>> -> memref<128xi32, #tpu.memory_space<vmem>>
      %dma_start3A_75 = arith.constant 0 : i32
      %dma_start3A_76 = arith.constant 0 : i32
      %dma_start3A_77 = tpu.memref_slice %arg2[%dma_start3A_75, %dma_start3A_76] : memref<5419008x16xf32, #tpu.memory_space<hbm>> -> memref<5419008x16xf32, #tpu.memory_space<hbm>>
      tpu.enqueue_indirect_dma source(%dma_start3A_77 : memref<5419008x16xf32, #tpu.memory_space<hbm>>) target(%dma_start3A_72 : memref<128x16xf32, #tpu.memory_space<vmem>>) offsets(%dma_start3A_74 : memref<128xi32, #tpu.memory_space<vmem>>) semaphore(%arg11 : memref<!tpu.dma_semaphore, #tpu.memory_space<semaphore_mem>>)
      %dma_start3A_78 = arith.constant 768 : i32
      %dma_start3A_79 = arith.constant 0 : i32
      %dma_start3A_80 = tpu.memref_slice %arg7[%dma_start3A_78, %dma_start3A_79] : memref<3456x16xf32, #tpu.memory_space<vmem>> -> memref<128x16xf32, #tpu.memory_space<vmem>>
      %dma_start3A_81 = arith.constant 768 : i32
      %dma_start3A_82 = tpu.memref_slice %arg6[%dma_start3A_81] : memref<3456xi32, #tpu.memory_space<vmem>> -> memref<128xi32, #tpu.memory_space<vmem>>
      %dma_start3A_83 = arith.constant 0 : i32
      %dma_start3A_84 = arith.constant 0 : i32
      %dma_start3A_85 = tpu.memref_slice %arg2[%dma_start3A_83, %dma_start3A_84] : memref<5419008x16xf32, #tpu.memory_space<hbm>> -> memref<5419008x16xf32, #tpu.memory_space<hbm>>
      tpu.enqueue_indirect_dma source(%dma_start3A_85 : memref<5419008x16xf32, #tpu.memory_space<hbm>>) target(%dma_start3A_80 : memref<128x16xf32, #tpu.memory_space<vmem>>) offsets(%dma_start3A_82 : memref<128xi32, #tpu.memory_space<vmem>>) semaphore(%arg11 : memref<!tpu.dma_semaphore, #tpu.memory_space<semaphore_mem>>)
      %dma_start3A_86 = arith.constant 896 : i32
      %dma_start3A_87 = arith.constant 0 : i32
      %dma_start3A_88 = tpu.memref_slice %arg7[%dma_start3A_86, %dma_start3A_87] : memref<3456x16xf32, #tpu.memory_space<vmem>> -> memref<128x16xf32, #tpu.memory_space<vmem>>
      %dma_start3A_89 = arith.constant 896 : i32
      %dma_start3A_90 = tpu.memref_slice %arg6[%dma_start3A_89] : memref<3456xi32, #tpu.memory_space<vmem>> -> memref<128xi32, #tpu.memory_space<vmem>>
      %dma_start3A_91 = arith.constant 0 : i32
      %dma_start3A_92 = arith.constant 0 : i32
      %dma_start3A_93 = tpu.memref_slice %arg2[%dma_start3A_91, %dma_start3A_92] : memref<5419008x16xf32, #tpu.memory_space<hbm>> -> memref<5419008x16xf32, #tpu.memory_space<hbm>>
      tpu.enqueue_indirect_dma source(%dma_start3A_93 : memref<5419008x16xf32, #tpu.memory_space<hbm>>) target(%dma_start3A_88 : memref<128x16xf32, #tpu.memory_space<vmem>>) offsets(%dma_start3A_90 : memref<128xi32, #tpu.memory_space<vmem>>) semaphore(%arg11 : memref<!tpu.dma_semaphore, #tpu.memory_space<semaphore_mem>>)
      %dma_start3A_94 = arith.constant 1024 : i32
      %dma_start3A_95 = arith.constant 0 : i32
      %dma_start3A_96 = tpu.memref_slice %arg7[%dma_start3A_94, %dma_start3A_95] : memref<3456x16xf32, #tpu.memory_space<vmem>> -> memref<128x16xf32, #tpu.memory_space<vmem>>
      %dma_start3A_97 = arith.constant 1024 : i32
      %dma_start3A_98 = tpu.memref_slice %arg6[%dma_start3A_97] : memref<3456xi32, #tpu.memory_space<vmem>> -> memref<128xi32, #tpu.memory_space<vmem>>
      %dma_start3A_99 = arith.constant 0 : i32
      %dma_start3A_100 = arith.constant 0 : i32
      %dma_start3A_101 = tpu.memref_slice %arg2[%dma_start3A_99, %dma_start3A_100] : memref<5419008x16xf32, #tpu.memory_space<hbm>> -> memref<5419008x16xf32, #tpu.memory_space<hbm>>
      tpu.enqueue_indirect_dma source(%dma_start3A_101 : memref<5419008x16xf32, #tpu.memory_space<hbm>>) target(%dma_start3A_96 : memref<128x16xf32, #tpu.memory_space<vmem>>) offsets(%dma_start3A_98 : memref<128xi32, #tpu.memory_space<vmem>>) semaphore(%arg11 : memref<!tpu.dma_semaphore, #tpu.memory_space<semaphore_mem>>)
      %dma_start3A_102 = arith.constant 1152 : i32
      %dma_start3A_103 = arith.constant 0 : i32
      %dma_start3A_104 = tpu.memref_slice %arg7[%dma_start3A_102, %dma_start3A_103] : memref<3456x16xf32, #tpu.memory_space<vmem>> -> memref<128x16xf32, #tpu.memory_space<vmem>>
      %dma_start3A_105 = arith.constant 1152 : i32
      %dma_start3A_106 = tpu.memref_slice %arg6[%dma_start3A_105] : memref<3456xi32, #tpu.memory_space<vmem>> -> memref<128xi32, #tpu.memory_space<vmem>>
      %dma_start3A_107 = arith.constant 0 : i32
      %dma_start3A_108 = arith.constant 0 : i32
      %dma_start3A_109 = tpu.memref_slice %arg2[%dma_start3A_107, %dma_start3A_108] : memref<5419008x16xf32, #tpu.memory_space<hbm>> -> memref<5419008x16xf32, #tpu.memory_space<hbm>>
      tpu.enqueue_indirect_dma source(%dma_start3A_109 : memref<5419008x16xf32, #tpu.memory_space<hbm>>) target(%dma_start3A_104 : memref<128x16xf32, #tpu.memory_space<vmem>>) offsets(%dma_start3A_106 : memref<128xi32, #tpu.memory_space<vmem>>) semaphore(%arg11 : memref<!tpu.dma_semaphore, #tpu.memory_space<semaphore_mem>>)
      %dma_start3A_110 = arith.constant 1280 : i32
      %dma_start3A_111 = arith.constant 0 : i32
      %dma_start3A_112 = tpu.memref_slice %arg7[%dma_start3A_110, %dma_start3A_111] : memref<3456x16xf32, #tpu.memory_space<vmem>> -> memref<128x16xf32, #tpu.memory_space<vmem>>
      %dma_start3A_113 = arith.constant 1280 : i32
      %dma_start3A_114 = tpu.memref_slice %arg6[%dma_start3A_113] : memref<3456xi32, #tpu.memory_space<vmem>> -> memref<128xi32, #tpu.memory_space<vmem>>
      %dma_start3A_115 = arith.constant 0 : i32
      %dma_start3A_116 = arith.constant 0 : i32
      %dma_start3A_117 = tpu.memref_slice %arg2[%dma_start3A_115, %dma_start3A_116] : memref<5419008x16xf32, #tpu.memory_space<hbm>> -> memref<5419008x16xf32, #tpu.memory_space<hbm>>
      tpu.enqueue_indirect_dma source(%dma_start3A_117 : memref<5419008x16xf32, #tpu.memory_space<hbm>>) target(%dma_start3A_112 : memref<128x16xf32, #tpu.memory_space<vmem>>) offsets(%dma_start3A_114 : memref<128xi32, #tpu.memory_space<vmem>>) semaphore(%arg11 : memref<!tpu.dma_semaphore, #tpu.memory_space<semaphore_mem>>)
      %dma_start3A_118 = arith.constant 1408 : i32
      %dma_start3A_119 = arith.constant 0 : i32
      %dma_start3A_120 = tpu.memref_slice %arg7[%dma_start3A_118, %dma_start3A_119] : memref<3456x16xf32, #tpu.memory_space<vmem>> -> memref<128x16xf32, #tpu.memory_space<vmem>>
      %dma_start3A_121 = arith.constant 1408 : i32
      %dma_start3A_122 = tpu.memref_slice %arg6[%dma_start3A_121] : memref<3456xi32, #tpu.memory_space<vmem>> -> memref<128xi32, #tpu.memory_space<vmem>>
      %dma_start3A_123 = arith.constant 0 : i32
      %dma_start3A_124 = arith.constant 0 : i32
      %dma_start3A_125 = tpu.memref_slice %arg2[%dma_start3A_123, %dma_start3A_124] : memref<5419008x16xf32, #tpu.memory_space<hbm>> -> memref<5419008x16xf32, #tpu.memory_space<hbm>>
      tpu.enqueue_indirect_dma source(%dma_start3A_125 : memref<5419008x16xf32, #tpu.memory_space<hbm>>) target(%dma_start3A_120 : memref<128x16xf32, #tpu.memory_space<vmem>>) offsets(%dma_start3A_122 : memref<128xi32, #tpu.memory_space<vmem>>) semaphore(%arg11 : memref<!tpu.dma_semaphore, #tpu.memory_space<semaphore_mem>>)
      %dma_start3A_126 = arith.constant 1536 : i32
      %dma_start3A_127 = arith.constant 0 : i32
      %dma_start3A_128 = tpu.memref_slice %arg7[%dma_start3A_126, %dma_start3A_127] : memref<3456x16xf32, #tpu.memory_space<vmem>> -> memref<128x16xf32, #tpu.memory_space<vmem>>
      %dma_start3A_129 = arith.constant 1536 : i32
      %dma_start3A_130 = tpu.memref_slice %arg6[%dma_start3A_129] : memref<3456xi32, #tpu.memory_space<vmem>> -> memref<128xi32, #tpu.memory_space<vmem>>
      %dma_start3A_131 = arith.constant 0 : i32
      %dma_start3A_132 = arith.constant 0 : i32
      %dma_start3A_133 = tpu.memref_slice %arg2[%dma_start3A_131, %dma_start3A_132] : memref<5419008x16xf32, #tpu.memory_space<hbm>> -> memref<5419008x16xf32, #tpu.memory_space<hbm>>
      tpu.enqueue_indirect_dma source(%dma_start3A_133 : memref<5419008x16xf32, #tpu.memory_space<hbm>>) target(%dma_start3A_128 : memref<128x16xf32, #tpu.memory_space<vmem>>) offsets(%dma_start3A_130 : memref<128xi32, #tpu.memory_space<vmem>>) semaphore(%arg11 : memref<!tpu.dma_semaphore, #tpu.memory_space<semaphore_mem>>)
      %dma_start3A_134 = arith.constant 1664 : i32
      %dma_start3A_135 = arith.constant 0 : i32
      %dma_start3A_136 = tpu.memref_slice %arg7[%dma_start3A_134, %dma_start3A_135] : memref<3456x16xf32, #tpu.memory_space<vmem>> -> memref<128x16xf32, #tpu.memory_space<vmem>>
      %dma_start3A_137 = arith.constant 1664 : i32
      %dma_start3A_138 = tpu.memref_slice %arg6[%dma_start3A_137] : memref<3456xi32, #tpu.memory_space<vmem>> -> memref<128xi32, #tpu.memory_space<vmem>>
      %dma_start3A_139 = arith.constant 0 : i32
      %dma_start3A_140 = arith.constant 0 : i32
      %dma_start3A_141 = tpu.memref_slice %arg2[%dma_start3A_139, %dma_start3A_140] : memref<5419008x16xf32, #tpu.memory_space<hbm>> -> memref<5419008x16xf32, #tpu.memory_space<hbm>>
      tpu.enqueue_indirect_dma source(%dma_start3A_141 : memref<5419008x16xf32, #tpu.memory_space<hbm>>) target(%dma_start3A_136 : memref<128x16xf32, #tpu.memory_space<vmem>>) offsets(%dma_start3A_138 : memref<128xi32, #tpu.memory_space<vmem>>) semaphore(%arg11 : memref<!tpu.dma_semaphore, #tpu.memory_space<semaphore_mem>>)
      %dma_start3A_142 = arith.constant 1792 : i32
      %dma_start3A_143 = arith.constant 0 : i32
      %dma_start3A_144 = tpu.memref_slice %arg7[%dma_start3A_142, %dma_start3A_143] : memref<3456x16xf32, #tpu.memory_space<vmem>> -> memref<128x16xf32, #tpu.memory_space<vmem>>
      %dma_start3A_145 = arith.constant 1792 : i32
      %dma_start3A_146 = tpu.memref_slice %arg6[%dma_start3A_145] : memref<3456xi32, #tpu.memory_space<vmem>> -> memref<128xi32, #tpu.memory_space<vmem>>
      %dma_start3A_147 = arith.constant 0 : i32
      %dma_start3A_148 = arith.constant 0 : i32
      %dma_start3A_149 = tpu.memref_slice %arg2[%dma_start3A_147, %dma_start3A_148] : memref<5419008x16xf32, #tpu.memory_space<hbm>> -> memref<5419008x16xf32, #tpu.memory_space<hbm>>
      tpu.enqueue_indirect_dma source(%dma_start3A_149 : memref<5419008x16xf32, #tpu.memory_space<hbm>>) target(%dma_start3A_144 : memref<128x16xf32, #tpu.memory_space<vmem>>) offsets(%dma_start3A_146 : memref<128xi32, #tpu.memory_space<vmem>>) semaphore(%arg11 : memref<!tpu.dma_semaphore, #tpu.memory_space<semaphore_mem>>)
      %dma_start3A_150 = arith.constant 1920 : i32
      %dma_start3A_151 = arith.constant 0 : i32
      %dma_start3A_152 = tpu.memref_slice %arg7[%dma_start3A_150, %dma_start3A_151] : memref<3456x16xf32, #tpu.memory_space<vmem>> -> memref<128x16xf32, #tpu.memory_space<vmem>>
      %dma_start3A_153 = arith.constant 1920 : i32
      %dma_start3A_154 = tpu.memref_slice %arg6[%dma_start3A_153] : memref<3456xi32, #tpu.memory_space<vmem>> -> memref<128xi32, #tpu.memory_space<vmem>>
      %dma_start3A_155 = arith.constant 0 : i32
      %dma_start3A_156 = arith.constant 0 : i32
      %dma_start3A_157 = tpu.memref_slice %arg2[%dma_start3A_155, %dma_start3A_156] : memref<5419008x16xf32, #tpu.memory_space<hbm>> -> memref<5419008x16xf32, #tpu.memory_space<hbm>>
      tpu.enqueue_indirect_dma source(%dma_start3A_157 : memref<5419008x16xf32, #tpu.memory_space<hbm>>) target(%dma_start3A_152 : memref<128x16xf32, #tpu.memory_space<vmem>>) offsets(%dma_start3A_154 : memref<128xi32, #tpu.memory_space<vmem>>) semaphore(%arg11 : memref<!tpu.dma_semaphore, #tpu.memory_space<semaphore_mem>>)
      %dma_start3A_158 = arith.constant 2048 : i32
      %dma_start3A_159 = arith.constant 0 : i32
      %dma_start3A_160 = tpu.memref_slice %arg7[%dma_start3A_158, %dma_start3A_159] : memref<3456x16xf32, #tpu.memory_space<vmem>> -> memref<128x16xf32, #tpu.memory_space<vmem>>
      %dma_start3A_161 = arith.constant 2048 : i32
      %dma_start3A_162 = tpu.memref_slice %arg6[%dma_start3A_161] : memref<3456xi32, #tpu.memory_space<vmem>> -> memref<128xi32, #tpu.memory_space<vmem>>
      %dma_start3A_163 = arith.constant 0 : i32
      %dma_start3A_164 = arith.constant 0 : i32
      %dma_start3A_165 = tpu.memref_slice %arg2[%dma_start3A_163, %dma_start3A_164] : memref<5419008x16xf32, #tpu.memory_space<hbm>> -> memref<5419008x16xf32, #tpu.memory_space<hbm>>
      tpu.enqueue_indirect_dma source(%dma_start3A_165 : memref<5419008x16xf32, #tpu.memory_space<hbm>>) target(%dma_start3A_160 : memref<128x16xf32, #tpu.memory_space<vmem>>) offsets(%dma_start3A_162 : memref<128xi32, #tpu.memory_space<vmem>>) semaphore(%arg11 : memref<!tpu.dma_semaphore, #tpu.memory_space<semaphore_mem>>)
      %dma_start3A_166 = arith.constant 2176 : i32
      %dma_start3A_167 = arith.constant 0 : i32
      %dma_start3A_168 = tpu.memref_slice %arg7[%dma_start3A_166, %dma_start3A_167] : memref<3456x16xf32, #tpu.memory_space<vmem>> -> memref<128x16xf32, #tpu.memory_space<vmem>>
      %dma_start3A_169 = arith.constant 2176 : i32
      %dma_start3A_170 = tpu.memref_slice %arg6[%dma_start3A_169] : memref<3456xi32, #tpu.memory_space<vmem>> -> memref<128xi32, #tpu.memory_space<vmem>>
      %dma_start3A_171 = arith.constant 0 : i32
      %dma_start3A_172 = arith.constant 0 : i32
      %dma_start3A_173 = tpu.memref_slice %arg2[%dma_start3A_171, %dma_start3A_172] : memref<5419008x16xf32, #tpu.memory_space<hbm>> -> memref<5419008x16xf32, #tpu.memory_space<hbm>>
      tpu.enqueue_indirect_dma source(%dma_start3A_173 : memref<5419008x16xf32, #tpu.memory_space<hbm>>) target(%dma_start3A_168 : memref<128x16xf32, #tpu.memory_space<vmem>>) offsets(%dma_start3A_170 : memref<128xi32, #tpu.memory_space<vmem>>) semaphore(%arg11 : memref<!tpu.dma_semaphore, #tpu.memory_space<semaphore_mem>>)
      %dma_start3A_174 = arith.constant 2304 : i32
      %dma_start3A_175 = arith.constant 0 : i32
      %dma_start3A_176 = tpu.memref_slice %arg7[%dma_start3A_174, %dma_start3A_175] : memref<3456x16xf32, #tpu.memory_space<vmem>> -> memref<128x16xf32, #tpu.memory_space<vmem>>
      %dma_start3A_177 = arith.constant 2304 : i32
      %dma_start3A_178 = tpu.memref_slice %arg6[%dma_start3A_177] : memref<3456xi32, #tpu.memory_space<vmem>> -> memref<128xi32, #tpu.memory_space<vmem>>
      %dma_start3A_179 = arith.constant 0 : i32
      %dma_start3A_180 = arith.constant 0 : i32
      %dma_start3A_181 = tpu.memref_slice %arg2[%dma_start3A_179, %dma_start3A_180] : memref<5419008x16xf32, #tpu.memory_space<hbm>> -> memref<5419008x16xf32, #tpu.memory_space<hbm>>
      tpu.enqueue_indirect_dma source(%dma_start3A_181 : memref<5419008x16xf32, #tpu.memory_space<hbm>>) target(%dma_start3A_176 : memref<128x16xf32, #tpu.memory_space<vmem>>) offsets(%dma_start3A_178 : memref<128xi32, #tpu.memory_space<vmem>>) semaphore(%arg11 : memref<!tpu.dma_semaphore, #tpu.memory_space<semaphore_mem>>)
      %dma_start3A_182 = arith.constant 2432 : i32
      %dma_start3A_183 = arith.constant 0 : i32
      %dma_start3A_184 = tpu.memref_slice %arg7[%dma_start3A_182, %dma_start3A_183] : memref<3456x16xf32, #tpu.memory_space<vmem>> -> memref<128x16xf32, #tpu.memory_space<vmem>>
      %dma_start3A_185 = arith.constant 2432 : i32
      %dma_start3A_186 = tpu.memref_slice %arg6[%dma_start3A_185] : memref<3456xi32, #tpu.memory_space<vmem>> -> memref<128xi32, #tpu.memory_space<vmem>>
      %dma_start3A_187 = arith.constant 0 : i32
      %dma_start3A_188 = arith.constant 0 : i32
      %dma_start3A_189 = tpu.memref_slice %arg2[%dma_start3A_187, %dma_start3A_188] : memref<5419008x16xf32, #tpu.memory_space<hbm>> -> memref<5419008x16xf32, #tpu.memory_space<hbm>>
      tpu.enqueue_indirect_dma source(%dma_start3A_189 : memref<5419008x16xf32, #tpu.memory_space<hbm>>) target(%dma_start3A_184 : memref<128x16xf32, #tpu.memory_space<vmem>>) offsets(%dma_start3A_186 : memref<128xi32, #tpu.memory_space<vmem>>) semaphore(%arg11 : memref<!tpu.dma_semaphore, #tpu.memory_space<semaphore_mem>>)
      %dma_start3A_190 = arith.constant 2560 : i32
      %dma_start3A_191 = arith.constant 0 : i32
      %dma_start3A_192 = tpu.memref_slice %arg7[%dma_start3A_190, %dma_start3A_191] : memref<3456x16xf32, #tpu.memory_space<vmem>> -> memref<128x16xf32, #tpu.memory_space<vmem>>
      %dma_start3A_193 = arith.constant 2560 : i32
      %dma_start3A_194 = tpu.memref_slice %arg6[%dma_start3A_193] : memref<3456xi32, #tpu.memory_space<vmem>> -> memref<128xi32, #tpu.memory_space<vmem>>
      %dma_start3A_195 = arith.constant 0 : i32
      %dma_start3A_196 = arith.constant 0 : i32
      %dma_start3A_197 = tpu.memref_slice %arg2[%dma_start3A_195, %dma_start3A_196] : memref<5419008x16xf32, #tpu.memory_space<hbm>> -> memref<5419008x16xf32, #tpu.memory_space<hbm>>
      tpu.enqueue_indirect_dma source(%dma_start3A_197 : memref<5419008x16xf32, #tpu.memory_space<hbm>>) target(%dma_start3A_192 : memref<128x16xf32, #tpu.memory_space<vmem>>) offsets(%dma_start3A_194 : memref<128xi32, #tpu.memory_space<vmem>>) semaphore(%arg11 : memref<!tpu.dma_semaphore, #tpu.memory_space<semaphore_mem>>)
      %dma_start3A_198 = arith.constant 2688 : i32
      %dma_start3A_199 = arith.constant 0 : i32
      %dma_start3A_200 = tpu.memref_slice %arg7[%dma_start3A_198, %dma_start3A_199] : memref<3456x16xf32, #tpu.memory_space<vmem>> -> memref<128x16xf32, #tpu.memory_space<vmem>>
      %dma_start3A_201 = arith.constant 2688 : i32
      %dma_start3A_202 = tpu.memref_slice %arg6[%dma_start3A_201] : memref<3456xi32, #tpu.memory_space<vmem>> -> memref<128xi32, #tpu.memory_space<vmem>>
      %dma_start3A_203 = arith.constant 0 : i32
      %dma_start3A_204 = arith.constant 0 : i32
      %dma_start3A_205 = tpu.memref_slice %arg2[%dma_start3A_203, %dma_start3A_204] : memref<5419008x16xf32, #tpu.memory_space<hbm>> -> memref<5419008x16xf32, #tpu.memory_space<hbm>>
      tpu.enqueue_indirect_dma source(%dma_start3A_205 : memref<5419008x16xf32, #tpu.memory_space<hbm>>) target(%dma_start3A_200 : memref<128x16xf32, #tpu.memory_space<vmem>>) offsets(%dma_start3A_202 : memref<128xi32, #tpu.memory_space<vmem>>) semaphore(%arg11 : memref<!tpu.dma_semaphore, #tpu.memory_space<semaphore_mem>>)
      %dma_start3A_206 = arith.constant 2816 : i32
      %dma_start3A_207 = arith.constant 0 : i32
      %dma_start3A_208 = tpu.memref_slice %arg7[%dma_start3A_206, %dma_start3A_207] : memref<3456x16xf32, #tpu.memory_space<vmem>> -> memref<128x16xf32, #tpu.memory_space<vmem>>
      %dma_start3A_209 = arith.constant 2816 : i32
      %dma_start3A_210 = tpu.memref_slice %arg6[%dma_start3A_209] : memref<3456xi32, #tpu.memory_space<vmem>> -> memref<128xi32, #tpu.memory_space<vmem>>
      %dma_start3A_211 = arith.constant 0 : i32
      %dma_start3A_212 = arith.constant 0 : i32
      %dma_start3A_213 = tpu.memref_slice %arg2[%dma_start3A_211, %dma_start3A_212] : memref<5419008x16xf32, #tpu.memory_space<hbm>> -> memref<5419008x16xf32, #tpu.memory_space<hbm>>
      tpu.enqueue_indirect_dma source(%dma_start3A_213 : memref<5419008x16xf32, #tpu.memory_space<hbm>>) target(%dma_start3A_208 : memref<128x16xf32, #tpu.memory_space<vmem>>) offsets(%dma_start3A_210 : memref<128xi32, #tpu.memory_space<vmem>>) semaphore(%arg11 : memref<!tpu.dma_semaphore, #tpu.memory_space<semaphore_mem>>)
      %dma_start3A_214 = arith.constant 2944 : i32
      %dma_start3A_215 = arith.constant 0 : i32
      %dma_start3A_216 = tpu.memref_slice %arg7[%dma_start3A_214, %dma_start3A_215] : memref<3456x16xf32, #tpu.memory_space<vmem>> -> memref<128x16xf32, #tpu.memory_space<vmem>>
      %dma_start3A_217 = arith.constant 2944 : i32
      %dma_start3A_218 = tpu.memref_slice %arg6[%dma_start3A_217] : memref<3456xi32, #tpu.memory_space<vmem>> -> memref<128xi32, #tpu.memory_space<vmem>>
      %dma_start3A_219 = arith.constant 0 : i32
      %dma_start3A_220 = arith.constant 0 : i32
      %dma_start3A_221 = tpu.memref_slice %arg2[%dma_start3A_219, %dma_start3A_220] : memref<5419008x16xf32, #tpu.memory_space<hbm>> -> memref<5419008x16xf32, #tpu.memory_space<hbm>>
      tpu.enqueue_indirect_dma source(%dma_start3A_221 : memref<5419008x16xf32, #tpu.memory_space<hbm>>) target(%dma_start3A_216 : memref<128x16xf32, #tpu.memory_space<vmem>>) offsets(%dma_start3A_218 : memref<128xi32, #tpu.memory_space<vmem>>) semaphore(%arg11 : memref<!tpu.dma_semaphore, #tpu.memory_space<semaphore_mem>>)
      %dma_start3A_222 = arith.constant 3072 : i32
      %dma_start3A_223 = arith.constant 0 : i32
      %dma_start3A_224 = tpu.memref_slice %arg7[%dma_start3A_222, %dma_start3A_223] : memref<3456x16xf32, #tpu.memory_space<vmem>> -> memref<128x16xf32, #tpu.memory_space<vmem>>
      %dma_start3A_225 = arith.constant 3072 : i32
      %dma_start3A_226 = tpu.memref_slice %arg6[%dma_start3A_225] : memref<3456xi32, #tpu.memory_space<vmem>> -> memref<128xi32, #tpu.memory_space<vmem>>
      %dma_start3A_227 = arith.constant 0 : i32
      %dma_start3A_228 = arith.constant 0 : i32
      %dma_start3A_229 = tpu.memref_slice %arg2[%dma_start3A_227, %dma_start3A_228] : memref<5419008x16xf32, #tpu.memory_space<hbm>> -> memref<5419008x16xf32, #tpu.memory_space<hbm>>
      tpu.enqueue_indirect_dma source(%dma_start3A_229 : memref<5419008x16xf32, #tpu.memory_space<hbm>>) target(%dma_start3A_224 : memref<128x16xf32, #tpu.memory_space<vmem>>) offsets(%dma_start3A_226 : memref<128xi32, #tpu.memory_space<vmem>>) semaphore(%arg11 : memref<!tpu.dma_semaphore, #tpu.memory_space<semaphore_mem>>)
      %dma_start3A_230 = arith.constant 3200 : i32
      %dma_start3A_231 = arith.constant 0 : i32
      %dma_start3A_232 = tpu.memref_slice %arg7[%dma_start3A_230, %dma_start3A_231] : memref<3456x16xf32, #tpu.memory_space<vmem>> -> memref<128x16xf32, #tpu.memory_space<vmem>>
      %dma_start3A_233 = arith.constant 3200 : i32
      %dma_start3A_234 = tpu.memref_slice %arg6[%dma_start3A_233] : memref<3456xi32, #tpu.memory_space<vmem>> -> memref<128xi32, #tpu.memory_space<vmem>>
      %dma_start3A_235 = arith.constant 0 : i32
      %dma_start3A_236 = arith.constant 0 : i32
      %dma_start3A_237 = tpu.memref_slice %arg2[%dma_start3A_235, %dma_start3A_236] : memref<5419008x16xf32, #tpu.memory_space<hbm>> -> memref<5419008x16xf32, #tpu.memory_space<hbm>>
      tpu.enqueue_indirect_dma source(%dma_start3A_237 : memref<5419008x16xf32, #tpu.memory_space<hbm>>) target(%dma_start3A_232 : memref<128x16xf32, #tpu.memory_space<vmem>>) offsets(%dma_start3A_234 : memref<128xi32, #tpu.memory_space<vmem>>) semaphore(%arg11 : memref<!tpu.dma_semaphore, #tpu.memory_space<semaphore_mem>>)
      %dma_start3A_238 = arith.constant 3328 : i32
      %dma_start3A_239 = arith.constant 0 : i32
      %dma_start3A_240 = tpu.memref_slice %arg7[%dma_start3A_238, %dma_start3A_239] : memref<3456x16xf32, #tpu.memory_space<vmem>> -> memref<128x16xf32, #tpu.memory_space<vmem>>
      %dma_start3A_241 = arith.constant 3328 : i32
      %dma_start3A_242 = tpu.memref_slice %arg6[%dma_start3A_241] : memref<3456xi32, #tpu.memory_space<vmem>> -> memref<128xi32, #tpu.memory_space<vmem>>
      %dma_start3A_243 = arith.constant 0 : i32
      %dma_start3A_244 = arith.constant 0 : i32
      %dma_start3A_245 = tpu.memref_slice %arg2[%dma_start3A_243, %dma_start3A_244] : memref<5419008x16xf32, #tpu.memory_space<hbm>> -> memref<5419008x16xf32, #tpu.memory_space<hbm>>
      tpu.enqueue_indirect_dma source(%dma_start3A_245 : memref<5419008x16xf32, #tpu.memory_space<hbm>>) target(%dma_start3A_240 : memref<128x16xf32, #tpu.memory_space<vmem>>) offsets(%dma_start3A_242 : memref<128xi32, #tpu.memory_space<vmem>>) semaphore(%arg11 : memref<!tpu.dma_semaphore, #tpu.memory_space<semaphore_mem>>)
      %dma_wait3A_246 = arith.constant 0 : i32
      %dma_wait3A_247 = arith.constant 0 : i32
      %dma_wait3A_248 = tpu.memref_slice %arg7[%dma_wait3A_246, %dma_wait3A_247] : memref<3456x16xf32, #tpu.memory_space<vmem>> -> memref<128x16xf32, #tpu.memory_space<vmem>>
      %dma_wait3A_249 = arith.constant 0 : i32
      %dma_wait3A_250 = tpu.memref_slice %arg6[%dma_wait3A_249] : memref<3456xi32, #tpu.memory_space<vmem>> -> memref<128xi32, #tpu.memory_space<vmem>>
      %dma_wait3A_251 = arith.constant 0 : i32
      %dma_wait3A_252 = arith.constant 0 : i32
      %dma_wait3A_253 = tpu.memref_slice %arg2[%dma_wait3A_251, %dma_wait3A_252] : memref<5419008x16xf32, #tpu.memory_space<hbm>> -> memref<5419008x16xf32, #tpu.memory_space<hbm>>
      tpu.wait_indirect_dma semaphore(%arg11 : memref<!tpu.dma_semaphore, #tpu.memory_space<semaphore_mem>>) src(%dma_wait3A_253 : memref<5419008x16xf32, #tpu.memory_space<hbm>>) dst(%dma_wait3A_248 : memref<128x16xf32, #tpu.memory_space<vmem>>)
      %dma_wait3A_254 = arith.constant 128 : i32
      %dma_wait3A_255 = arith.constant 0 : i32
      %dma_wait3A_256 = tpu.memref_slice %arg7[%dma_wait3A_254, %dma_wait3A_255] : memref<3456x16xf32, #tpu.memory_space<vmem>> -> memref<128x16xf32, #tpu.memory_space<vmem>>
      %dma_wait3A_257 = arith.constant 128 : i32
      %dma_wait3A_258 = tpu.memref_slice %arg6[%dma_wait3A_257] : memref<3456xi32, #tpu.memory_space<vmem>> -> memref<128xi32, #tpu.memory_space<vmem>>
      %dma_wait3A_259 = arith.constant 0 : i32
      %dma_wait3A_260 = arith.constant 0 : i32
      %dma_wait3A_261 = tpu.memref_slice %arg2[%dma_wait3A_259, %dma_wait3A_260] : memref<5419008x16xf32, #tpu.memory_space<hbm>> -> memref<5419008x16xf32, #tpu.memory_space<hbm>>
      tpu.wait_indirect_dma semaphore(%arg11 : memref<!tpu.dma_semaphore, #tpu.memory_space<semaphore_mem>>) src(%dma_wait3A_261 : memref<5419008x16xf32, #tpu.memory_space<hbm>>) dst(%dma_wait3A_256 : memref<128x16xf32, #tpu.memory_space<vmem>>)
      %dma_wait3A_262 = arith.constant 256 : i32
      %dma_wait3A_263 = arith.constant 0 : i32
      %dma_wait3A_264 = tpu.memref_slice %arg7[%dma_wait3A_262, %dma_wait3A_263] : memref<3456x16xf32, #tpu.memory_space<vmem>> -> memref<128x16xf32, #tpu.memory_space<vmem>>
      %dma_wait3A_265 = arith.constant 256 : i32
      %dma_wait3A_266 = tpu.memref_slice %arg6[%dma_wait3A_265] : memref<3456xi32, #tpu.memory_space<vmem>> -> memref<128xi32, #tpu.memory_space<vmem>>
      %dma_wait3A_267 = arith.constant 0 : i32
      %dma_wait3A_268 = arith.constant 0 : i32
      %dma_wait3A_269 = tpu.memref_slice %arg2[%dma_wait3A_267, %dma_wait3A_268] : memref<5419008x16xf32, #tpu.memory_space<hbm>> -> memref<5419008x16xf32, #tpu.memory_space<hbm>>
      tpu.wait_indirect_dma semaphore(%arg11 : memref<!tpu.dma_semaphore, #tpu.memory_space<semaphore_mem>>) src(%dma_wait3A_269 : memref<5419008x16xf32, #tpu.memory_space<hbm>>) dst(%dma_wait3A_264 : memref<128x16xf32, #tpu.memory_space<vmem>>)
      %dma_wait3A_270 = arith.constant 384 : i32
      %dma_wait3A_271 = arith.constant 0 : i32
      %dma_wait3A_272 = tpu.memref_slice %arg7[%dma_wait3A_270, %dma_wait3A_271] : memref<3456x16xf32, #tpu.memory_space<vmem>> -> memref<128x16xf32, #tpu.memory_space<vmem>>
      %dma_wait3A_273 = arith.constant 384 : i32
      %dma_wait3A_274 = tpu.memref_slice %arg6[%dma_wait3A_273] : memref<3456xi32, #tpu.memory_space<vmem>> -> memref<128xi32, #tpu.memory_space<vmem>>
      %dma_wait3A_275 = arith.constant 0 : i32
      %dma_wait3A_276 = arith.constant 0 : i32
      %dma_wait3A_277 = tpu.memref_slice %arg2[%dma_wait3A_275, %dma_wait3A_276] : memref<5419008x16xf32, #tpu.memory_space<hbm>> -> memref<5419008x16xf32, #tpu.memory_space<hbm>>
      tpu.wait_indirect_dma semaphore(%arg11 : memref<!tpu.dma_semaphore, #tpu.memory_space<semaphore_mem>>) src(%dma_wait3A_277 : memref<5419008x16xf32, #tpu.memory_space<hbm>>) dst(%dma_wait3A_272 : memref<128x16xf32, #tpu.memory_space<vmem>>)
      %dma_wait3A_278 = arith.constant 512 : i32
      %dma_wait3A_279 = arith.constant 0 : i32
      %dma_wait3A_280 = tpu.memref_slice %arg7[%dma_wait3A_278, %dma_wait3A_279] : memref<3456x16xf32, #tpu.memory_space<vmem>> -> memref<128x16xf32, #tpu.memory_space<vmem>>
      %dma_wait3A_281 = arith.constant 512 : i32
      %dma_wait3A_282 = tpu.memref_slice %arg6[%dma_wait3A_281] : memref<3456xi32, #tpu.memory_space<vmem>> -> memref<128xi32, #tpu.memory_space<vmem>>
      %dma_wait3A_283 = arith.constant 0 : i32
      %dma_wait3A_284 = arith.constant 0 : i32
      %dma_wait3A_285 = tpu.memref_slice %arg2[%dma_wait3A_283, %dma_wait3A_284] : memref<5419008x16xf32, #tpu.memory_space<hbm>> -> memref<5419008x16xf32, #tpu.memory_space<hbm>>
      tpu.wait_indirect_dma semaphore(%arg11 : memref<!tpu.dma_semaphore, #tpu.memory_space<semaphore_mem>>) src(%dma_wait3A_285 : memref<5419008x16xf32, #tpu.memory_space<hbm>>) dst(%dma_wait3A_280 : memref<128x16xf32, #tpu.memory_space<vmem>>)
      %dma_wait3A_286 = arith.constant 640 : i32
      %dma_wait3A_287 = arith.constant 0 : i32
      %dma_wait3A_288 = tpu.memref_slice %arg7[%dma_wait3A_286, %dma_wait3A_287] : memref<3456x16xf32, #tpu.memory_space<vmem>> -> memref<128x16xf32, #tpu.memory_space<vmem>>
      %dma_wait3A_289 = arith.constant 640 : i32
      %dma_wait3A_290 = tpu.memref_slice %arg6[%dma_wait3A_289] : memref<3456xi32, #tpu.memory_space<vmem>> -> memref<128xi32, #tpu.memory_space<vmem>>
      %dma_wait3A_291 = arith.constant 0 : i32
      %dma_wait3A_292 = arith.constant 0 : i32
      %dma_wait3A_293 = tpu.memref_slice %arg2[%dma_wait3A_291, %dma_wait3A_292] : memref<5419008x16xf32, #tpu.memory_space<hbm>> -> memref<5419008x16xf32, #tpu.memory_space<hbm>>
      tpu.wait_indirect_dma semaphore(%arg11 : memref<!tpu.dma_semaphore, #tpu.memory_space<semaphore_mem>>) src(%dma_wait3A_293 : memref<5419008x16xf32, #tpu.memory_space<hbm>>) dst(%dma_wait3A_288 : memref<128x16xf32, #tpu.memory_space<vmem>>)
      %dma_wait3A_294 = arith.constant 768 : i32
      %dma_wait3A_295 = arith.constant 0 : i32
      %dma_wait3A_296 = tpu.memref_slice %arg7[%dma_wait3A_294, %dma_wait3A_295] : memref<3456x16xf32, #tpu.memory_space<vmem>> -> memref<128x16xf32, #tpu.memory_space<vmem>>
      %dma_wait3A_297 = arith.constant 768 : i32
      %dma_wait3A_298 = tpu.memref_slice %arg6[%dma_wait3A_297] : memref<3456xi32, #tpu.memory_space<vmem>> -> memref<128xi32, #tpu.memory_space<vmem>>
      %dma_wait3A_299 = arith.constant 0 : i32
      %dma_wait3A_300 = arith.constant 0 : i32
      %dma_wait3A_301 = tpu.memref_slice %arg2[%dma_wait3A_299, %dma_wait3A_300] : memref<5419008x16xf32, #tpu.memory_space<hbm>> -> memref<5419008x16xf32, #tpu.memory_space<hbm>>
      tpu.wait_indirect_dma semaphore(%arg11 : memref<!tpu.dma_semaphore, #tpu.memory_space<semaphore_mem>>) src(%dma_wait3A_301 : memref<5419008x16xf32, #tpu.memory_space<hbm>>) dst(%dma_wait3A_296 : memref<128x16xf32, #tpu.memory_space<vmem>>)
      %dma_wait3A_302 = arith.constant 896 : i32
      %dma_wait3A_303 = arith.constant 0 : i32
      %dma_wait3A_304 = tpu.memref_slice %arg7[%dma_wait3A_302, %dma_wait3A_303] : memref<3456x16xf32, #tpu.memory_space<vmem>> -> memref<128x16xf32, #tpu.memory_space<vmem>>
      %dma_wait3A_305 = arith.constant 896 : i32
      %dma_wait3A_306 = tpu.memref_slice %arg6[%dma_wait3A_305] : memref<3456xi32, #tpu.memory_space<vmem>> -> memref<128xi32, #tpu.memory_space<vmem>>
      %dma_wait3A_307 = arith.constant 0 : i32
      %dma_wait3A_308 = arith.constant 0 : i32
      %dma_wait3A_309 = tpu.memref_slice %arg2[%dma_wait3A_307, %dma_wait3A_308] : memref<5419008x16xf32, #tpu.memory_space<hbm>> -> memref<5419008x16xf32, #tpu.memory_space<hbm>>
      tpu.wait_indirect_dma semaphore(%arg11 : memref<!tpu.dma_semaphore, #tpu.memory_space<semaphore_mem>>) src(%dma_wait3A_309 : memref<5419008x16xf32, #tpu.memory_space<hbm>>) dst(%dma_wait3A_304 : memref<128x16xf32, #tpu.memory_space<vmem>>)
      %dma_wait3A_310 = arith.constant 1024 : i32
      %dma_wait3A_311 = arith.constant 0 : i32
      %dma_wait3A_312 = tpu.memref_slice %arg7[%dma_wait3A_310, %dma_wait3A_311] : memref<3456x16xf32, #tpu.memory_space<vmem>> -> memref<128x16xf32, #tpu.memory_space<vmem>>
      %dma_wait3A_313 = arith.constant 1024 : i32
      %dma_wait3A_314 = tpu.memref_slice %arg6[%dma_wait3A_313] : memref<3456xi32, #tpu.memory_space<vmem>> -> memref<128xi32, #tpu.memory_space<vmem>>
      %dma_wait3A_315 = arith.constant 0 : i32
      %dma_wait3A_316 = arith.constant 0 : i32
      %dma_wait3A_317 = tpu.memref_slice %arg2[%dma_wait3A_315, %dma_wait3A_316] : memref<5419008x16xf32, #tpu.memory_space<hbm>> -> memref<5419008x16xf32, #tpu.memory_space<hbm>>
      tpu.wait_indirect_dma semaphore(%arg11 : memref<!tpu.dma_semaphore, #tpu.memory_space<semaphore_mem>>) src(%dma_wait3A_317 : memref<5419008x16xf32, #tpu.memory_space<hbm>>) dst(%dma_wait3A_312 : memref<128x16xf32, #tpu.memory_space<vmem>>)
      %dma_wait3A_318 = arith.constant 1152 : i32
      %dma_wait3A_319 = arith.constant 0 : i32
      %dma_wait3A_320 = tpu.memref_slice %arg7[%dma_wait3A_318, %dma_wait3A_319] : memref<3456x16xf32, #tpu.memory_space<vmem>> -> memref<128x16xf32, #tpu.memory_space<vmem>>
      %dma_wait3A_321 = arith.constant 1152 : i32
      %dma_wait3A_322 = tpu.memref_slice %arg6[%dma_wait3A_321] : memref<3456xi32, #tpu.memory_space<vmem>> -> memref<128xi32, #tpu.memory_space<vmem>>
      %dma_wait3A_323 = arith.constant 0 : i32
      %dma_wait3A_324 = arith.constant 0 : i32
      %dma_wait3A_325 = tpu.memref_slice %arg2[%dma_wait3A_323, %dma_wait3A_324] : memref<5419008x16xf32, #tpu.memory_space<hbm>> -> memref<5419008x16xf32, #tpu.memory_space<hbm>>
      tpu.wait_indirect_dma semaphore(%arg11 : memref<!tpu.dma_semaphore, #tpu.memory_space<semaphore_mem>>) src(%dma_wait3A_325 : memref<5419008x16xf32, #tpu.memory_space<hbm>>) dst(%dma_wait3A_320 : memref<128x16xf32, #tpu.memory_space<vmem>>)
      %dma_wait3A_326 = arith.constant 1280 : i32
      %dma_wait3A_327 = arith.constant 0 : i32
      %dma_wait3A_328 = tpu.memref_slice %arg7[%dma_wait3A_326, %dma_wait3A_327] : memref<3456x16xf32, #tpu.memory_space<vmem>> -> memref<128x16xf32, #tpu.memory_space<vmem>>
      %dma_wait3A_329 = arith.constant 1280 : i32
      %dma_wait3A_330 = tpu.memref_slice %arg6[%dma_wait3A_329] : memref<3456xi32, #tpu.memory_space<vmem>> -> memref<128xi32, #tpu.memory_space<vmem>>
      %dma_wait3A_331 = arith.constant 0 : i32
      %dma_wait3A_332 = arith.constant 0 : i32
      %dma_wait3A_333 = tpu.memref_slice %arg2[%dma_wait3A_331, %dma_wait3A_332] : memref<5419008x16xf32, #tpu.memory_space<hbm>> -> memref<5419008x16xf32, #tpu.memory_space<hbm>>
      tpu.wait_indirect_dma semaphore(%arg11 : memref<!tpu.dma_semaphore, #tpu.memory_space<semaphore_mem>>) src(%dma_wait3A_333 : memref<5419008x16xf32, #tpu.memory_space<hbm>>) dst(%dma_wait3A_328 : memref<128x16xf32, #tpu.memory_space<vmem>>)
      %dma_wait3A_334 = arith.constant 1408 : i32
      %dma_wait3A_335 = arith.constant 0 : i32
      %dma_wait3A_336 = tpu.memref_slice %arg7[%dma_wait3A_334, %dma_wait3A_335] : memref<3456x16xf32, #tpu.memory_space<vmem>> -> memref<128x16xf32, #tpu.memory_space<vmem>>
      %dma_wait3A_337 = arith.constant 1408 : i32
      %dma_wait3A_338 = tpu.memref_slice %arg6[%dma_wait3A_337] : memref<3456xi32, #tpu.memory_space<vmem>> -> memref<128xi32, #tpu.memory_space<vmem>>
      %dma_wait3A_339 = arith.constant 0 : i32
      %dma_wait3A_340 = arith.constant 0 : i32
      %dma_wait3A_341 = tpu.memref_slice %arg2[%dma_wait3A_339, %dma_wait3A_340] : memref<5419008x16xf32, #tpu.memory_space<hbm>> -> memref<5419008x16xf32, #tpu.memory_space<hbm>>
      tpu.wait_indirect_dma semaphore(%arg11 : memref<!tpu.dma_semaphore, #tpu.memory_space<semaphore_mem>>) src(%dma_wait3A_341 : memref<5419008x16xf32, #tpu.memory_space<hbm>>) dst(%dma_wait3A_336 : memref<128x16xf32, #tpu.memory_space<vmem>>)
      %dma_wait3A_342 = arith.constant 1536 : i32
      %dma_wait3A_343 = arith.constant 0 : i32
      %dma_wait3A_344 = tpu.memref_slice %arg7[%dma_wait3A_342, %dma_wait3A_343] : memref<3456x16xf32, #tpu.memory_space<vmem>> -> memref<128x16xf32, #tpu.memory_space<vmem>>
      %dma_wait3A_345 = arith.constant 1536 : i32
      %dma_wait3A_346 = tpu.memref_slice %arg6[%dma_wait3A_345] : memref<3456xi32, #tpu.memory_space<vmem>> -> memref<128xi32, #tpu.memory_space<vmem>>
      %dma_wait3A_347 = arith.constant 0 : i32
      %dma_wait3A_348 = arith.constant 0 : i32
      %dma_wait3A_349 = tpu.memref_slice %arg2[%dma_wait3A_347, %dma_wait3A_348] : memref<5419008x16xf32, #tpu.memory_space<hbm>> -> memref<5419008x16xf32, #tpu.memory_space<hbm>>
      tpu.wait_indirect_dma semaphore(%arg11 : memref<!tpu.dma_semaphore, #tpu.memory_space<semaphore_mem>>) src(%dma_wait3A_349 : memref<5419008x16xf32, #tpu.memory_space<hbm>>) dst(%dma_wait3A_344 : memref<128x16xf32, #tpu.memory_space<vmem>>)
      %dma_wait3A_350 = arith.constant 1664 : i32
      %dma_wait3A_351 = arith.constant 0 : i32
      %dma_wait3A_352 = tpu.memref_slice %arg7[%dma_wait3A_350, %dma_wait3A_351] : memref<3456x16xf32, #tpu.memory_space<vmem>> -> memref<128x16xf32, #tpu.memory_space<vmem>>
      %dma_wait3A_353 = arith.constant 1664 : i32
      %dma_wait3A_354 = tpu.memref_slice %arg6[%dma_wait3A_353] : memref<3456xi32, #tpu.memory_space<vmem>> -> memref<128xi32, #tpu.memory_space<vmem>>
      %dma_wait3A_355 = arith.constant 0 : i32
      %dma_wait3A_356 = arith.constant 0 : i32
      %dma_wait3A_357 = tpu.memref_slice %arg2[%dma_wait3A_355, %dma_wait3A_356] : memref<5419008x16xf32, #tpu.memory_space<hbm>> -> memref<5419008x16xf32, #tpu.memory_space<hbm>>
      tpu.wait_indirect_dma semaphore(%arg11 : memref<!tpu.dma_semaphore, #tpu.memory_space<semaphore_mem>>) src(%dma_wait3A_357 : memref<5419008x16xf32, #tpu.memory_space<hbm>>) dst(%dma_wait3A_352 : memref<128x16xf32, #tpu.memory_space<vmem>>)
      %dma_wait3A_358 = arith.constant 1792 : i32
      %dma_wait3A_359 = arith.constant 0 : i32
      %dma_wait3A_360 = tpu.memref_slice %arg7[%dma_wait3A_358, %dma_wait3A_359] : memref<3456x16xf32, #tpu.memory_space<vmem>> -> memref<128x16xf32, #tpu.memory_space<vmem>>
      %dma_wait3A_361 = arith.constant 1792 : i32
      %dma_wait3A_362 = tpu.memref_slice %arg6[%dma_wait3A_361] : memref<3456xi32, #tpu.memory_space<vmem>> -> memref<128xi32, #tpu.memory_space<vmem>>
      %dma_wait3A_363 = arith.constant 0 : i32
      %dma_wait3A_364 = arith.constant 0 : i32
      %dma_wait3A_365 = tpu.memref_slice %arg2[%dma_wait3A_363, %dma_wait3A_364] : memref<5419008x16xf32, #tpu.memory_space<hbm>> -> memref<5419008x16xf32, #tpu.memory_space<hbm>>
      tpu.wait_indirect_dma semaphore(%arg11 : memref<!tpu.dma_semaphore, #tpu.memory_space<semaphore_mem>>) src(%dma_wait3A_365 : memref<5419008x16xf32, #tpu.memory_space<hbm>>) dst(%dma_wait3A_360 : memref<128x16xf32, #tpu.memory_space<vmem>>)
      %dma_wait3A_366 = arith.constant 1920 : i32
      %dma_wait3A_367 = arith.constant 0 : i32
      %dma_wait3A_368 = tpu.memref_slice %arg7[%dma_wait3A_366, %dma_wait3A_367] : memref<3456x16xf32, #tpu.memory_space<vmem>> -> memref<128x16xf32, #tpu.memory_space<vmem>>
      %dma_wait3A_369 = arith.constant 1920 : i32
      %dma_wait3A_370 = tpu.memref_slice %arg6[%dma_wait3A_369] : memref<3456xi32, #tpu.memory_space<vmem>> -> memref<128xi32, #tpu.memory_space<vmem>>
      %dma_wait3A_371 = arith.constant 0 : i32
      %dma_wait3A_372 = arith.constant 0 : i32
      %dma_wait3A_373 = tpu.memref_slice %arg2[%dma_wait3A_371, %dma_wait3A_372] : memref<5419008x16xf32, #tpu.memory_space<hbm>> -> memref<5419008x16xf32, #tpu.memory_space<hbm>>
      tpu.wait_indirect_dma semaphore(%arg11 : memref<!tpu.dma_semaphore, #tpu.memory_space<semaphore_mem>>) src(%dma_wait3A_373 : memref<5419008x16xf32, #tpu.memory_space<hbm>>) dst(%dma_wait3A_368 : memref<128x16xf32, #tpu.memory_space<vmem>>)
      %dma_wait3A_374 = arith.constant 2048 : i32
      %dma_wait3A_375 = arith.constant 0 : i32
      %dma_wait3A_376 = tpu.memref_slice %arg7[%dma_wait3A_374, %dma_wait3A_375] : memref<3456x16xf32, #tpu.memory_space<vmem>> -> memref<128x16xf32, #tpu.memory_space<vmem>>
      %dma_wait3A_377 = arith.constant 2048 : i32
      %dma_wait3A_378 = tpu.memref_slice %arg6[%dma_wait3A_377] : memref<3456xi32, #tpu.memory_space<vmem>> -> memref<128xi32, #tpu.memory_space<vmem>>
      %dma_wait3A_379 = arith.constant 0 : i32
      %dma_wait3A_380 = arith.constant 0 : i32
      %dma_wait3A_381 = tpu.memref_slice %arg2[%dma_wait3A_379, %dma_wait3A_380] : memref<5419008x16xf32, #tpu.memory_space<hbm>> -> memref<5419008x16xf32, #tpu.memory_space<hbm>>
      tpu.wait_indirect_dma semaphore(%arg11 : memref<!tpu.dma_semaphore, #tpu.memory_space<semaphore_mem>>) src(%dma_wait3A_381 : memref<5419008x16xf32, #tpu.memory_space<hbm>>) dst(%dma_wait3A_376 : memref<128x16xf32, #tpu.memory_space<vmem>>)
      %dma_wait3A_382 = arith.constant 2176 : i32
      %dma_wait3A_383 = arith.constant 0 : i32
      %dma_wait3A_384 = tpu.memref_slice %arg7[%dma_wait3A_382, %dma_wait3A_383] : memref<3456x16xf32, #tpu.memory_space<vmem>> -> memref<128x16xf32, #tpu.memory_space<vmem>>
      %dma_wait3A_385 = arith.constant 2176 : i32
      %dma_wait3A_386 = tpu.memref_slice %arg6[%dma_wait3A_385] : memref<3456xi32, #tpu.memory_space<vmem>> -> memref<128xi32, #tpu.memory_space<vmem>>
      %dma_wait3A_387 = arith.constant 0 : i32
      %dma_wait3A_388 = arith.constant 0 : i32
      %dma_wait3A_389 = tpu.memref_slice %arg2[%dma_wait3A_387, %dma_wait3A_388] : memref<5419008x16xf32, #tpu.memory_space<hbm>> -> memref<5419008x16xf32, #tpu.memory_space<hbm>>
      tpu.wait_indirect_dma semaphore(%arg11 : memref<!tpu.dma_semaphore, #tpu.memory_space<semaphore_mem>>) src(%dma_wait3A_389 : memref<5419008x16xf32, #tpu.memory_space<hbm>>) dst(%dma_wait3A_384 : memref<128x16xf32, #tpu.memory_space<vmem>>)
      %dma_wait3A_390 = arith.constant 2304 : i32
      %dma_wait3A_391 = arith.constant 0 : i32
      %dma_wait3A_392 = tpu.memref_slice %arg7[%dma_wait3A_390, %dma_wait3A_391] : memref<3456x16xf32, #tpu.memory_space<vmem>> -> memref<128x16xf32, #tpu.memory_space<vmem>>
      %dma_wait3A_393 = arith.constant 2304 : i32
      %dma_wait3A_394 = tpu.memref_slice %arg6[%dma_wait3A_393] : memref<3456xi32, #tpu.memory_space<vmem>> -> memref<128xi32, #tpu.memory_space<vmem>>
      %dma_wait3A_395 = arith.constant 0 : i32
      %dma_wait3A_396 = arith.constant 0 : i32
      %dma_wait3A_397 = tpu.memref_slice %arg2[%dma_wait3A_395, %dma_wait3A_396] : memref<5419008x16xf32, #tpu.memory_space<hbm>> -> memref<5419008x16xf32, #tpu.memory_space<hbm>>
      tpu.wait_indirect_dma semaphore(%arg11 : memref<!tpu.dma_semaphore, #tpu.memory_space<semaphore_mem>>) src(%dma_wait3A_397 : memref<5419008x16xf32, #tpu.memory_space<hbm>>) dst(%dma_wait3A_392 : memref<128x16xf32, #tpu.memory_space<vmem>>)
      %dma_wait3A_398 = arith.constant 2432 : i32
      %dma_wait3A_399 = arith.constant 0 : i32
      %dma_wait3A_400 = tpu.memref_slice %arg7[%dma_wait3A_398, %dma_wait3A_399] : memref<3456x16xf32, #tpu.memory_space<vmem>> -> memref<128x16xf32, #tpu.memory_space<vmem>>
      %dma_wait3A_401 = arith.constant 2432 : i32
      %dma_wait3A_402 = tpu.memref_slice %arg6[%dma_wait3A_401] : memref<3456xi32, #tpu.memory_space<vmem>> -> memref<128xi32, #tpu.memory_space<vmem>>
      %dma_wait3A_403 = arith.constant 0 : i32
      %dma_wait3A_404 = arith.constant 0 : i32
      %dma_wait3A_405 = tpu.memref_slice %arg2[%dma_wait3A_403, %dma_wait3A_404] : memref<5419008x16xf32, #tpu.memory_space<hbm>> -> memref<5419008x16xf32, #tpu.memory_space<hbm>>
      tpu.wait_indirect_dma semaphore(%arg11 : memref<!tpu.dma_semaphore, #tpu.memory_space<semaphore_mem>>) src(%dma_wait3A_405 : memref<5419008x16xf32, #tpu.memory_space<hbm>>) dst(%dma_wait3A_400 : memref<128x16xf32, #tpu.memory_space<vmem>>)
      %dma_wait3A_406 = arith.constant 2560 : i32
      %dma_wait3A_407 = arith.constant 0 : i32
      %dma_wait3A_408 = tpu.memref_slice %arg7[%dma_wait3A_406, %dma_wait3A_407] : memref<3456x16xf32, #tpu.memory_space<vmem>> -> memref<128x16xf32, #tpu.memory_space<vmem>>
      %dma_wait3A_409 = arith.constant 2560 : i32
      %dma_wait3A_410 = tpu.memref_slice %arg6[%dma_wait3A_409] : memref<3456xi32, #tpu.memory_space<vmem>> -> memref<128xi32, #tpu.memory_space<vmem>>
      %dma_wait3A_411 = arith.constant 0 : i32
      %dma_wait3A_412 = arith.constant 0 : i32
      %dma_wait3A_413 = tpu.memref_slice %arg2[%dma_wait3A_411, %dma_wait3A_412] : memref<5419008x16xf32, #tpu.memory_space<hbm>> -> memref<5419008x16xf32, #tpu.memory_space<hbm>>
      tpu.wait_indirect_dma semaphore(%arg11 : memref<!tpu.dma_semaphore, #tpu.memory_space<semaphore_mem>>) src(%dma_wait3A_413 : memref<5419008x16xf32, #tpu.memory_space<hbm>>) dst(%dma_wait3A_408 : memref<128x16xf32, #tpu.memory_space<vmem>>)
      %dma_wait3A_414 = arith.constant 2688 : i32
      %dma_wait3A_415 = arith.constant 0 : i32
      %dma_wait3A_416 = tpu.memref_slice %arg7[%dma_wait3A_414, %dma_wait3A_415] : memref<3456x16xf32, #tpu.memory_space<vmem>> -> memref<128x16xf32, #tpu.memory_space<vmem>>
      %dma_wait3A_417 = arith.constant 2688 : i32
      %dma_wait3A_418 = tpu.memref_slice %arg6[%dma_wait3A_417] : memref<3456xi32, #tpu.memory_space<vmem>> -> memref<128xi32, #tpu.memory_space<vmem>>
      %dma_wait3A_419 = arith.constant 0 : i32
      %dma_wait3A_420 = arith.constant 0 : i32
      %dma_wait3A_421 = tpu.memref_slice %arg2[%dma_wait3A_419, %dma_wait3A_420] : memref<5419008x16xf32, #tpu.memory_space<hbm>> -> memref<5419008x16xf32, #tpu.memory_space<hbm>>
      tpu.wait_indirect_dma semaphore(%arg11 : memref<!tpu.dma_semaphore, #tpu.memory_space<semaphore_mem>>) src(%dma_wait3A_421 : memref<5419008x16xf32, #tpu.memory_space<hbm>>) dst(%dma_wait3A_416 : memref<128x16xf32, #tpu.memory_space<vmem>>)
      %dma_wait3A_422 = arith.constant 2816 : i32
      %dma_wait3A_423 = arith.constant 0 : i32
      %dma_wait3A_424 = tpu.memref_slice %arg7[%dma_wait3A_422, %dma_wait3A_423] : memref<3456x16xf32, #tpu.memory_space<vmem>> -> memref<128x16xf32, #tpu.memory_space<vmem>>
      %dma_wait3A_425 = arith.constant 2816 : i32
      %dma_wait3A_426 = tpu.memref_slice %arg6[%dma_wait3A_425] : memref<3456xi32, #tpu.memory_space<vmem>> -> memref<128xi32, #tpu.memory_space<vmem>>
      %dma_wait3A_427 = arith.constant 0 : i32
      %dma_wait3A_428 = arith.constant 0 : i32
      %dma_wait3A_429 = tpu.memref_slice %arg2[%dma_wait3A_427, %dma_wait3A_428] : memref<5419008x16xf32, #tpu.memory_space<hbm>> -> memref<5419008x16xf32, #tpu.memory_space<hbm>>
      tpu.wait_indirect_dma semaphore(%arg11 : memref<!tpu.dma_semaphore, #tpu.memory_space<semaphore_mem>>) src(%dma_wait3A_429 : memref<5419008x16xf32, #tpu.memory_space<hbm>>) dst(%dma_wait3A_424 : memref<128x16xf32, #tpu.memory_space<vmem>>)
      %dma_wait3A_430 = arith.constant 2944 : i32
      %dma_wait3A_431 = arith.constant 0 : i32
      %dma_wait3A_432 = tpu.memref_slice %arg7[%dma_wait3A_430, %dma_wait3A_431] : memref<3456x16xf32, #tpu.memory_space<vmem>> -> memref<128x16xf32, #tpu.memory_space<vmem>>
      %dma_wait3A_433 = arith.constant 2944 : i32
      %dma_wait3A_434 = tpu.memref_slice %arg6[%dma_wait3A_433] : memref<3456xi32, #tpu.memory_space<vmem>> -> memref<128xi32, #tpu.memory_space<vmem>>
      %dma_wait3A_435 = arith.constant 0 : i32
      %dma_wait3A_436 = arith.constant 0 : i32
      %dma_wait3A_437 = tpu.memref_slice %arg2[%dma_wait3A_435, %dma_wait3A_436] : memref<5419008x16xf32, #tpu.memory_space<hbm>> -> memref<5419008x16xf32, #tpu.memory_space<hbm>>
      tpu.wait_indirect_dma semaphore(%arg11 : memref<!tpu.dma_semaphore, #tpu.memory_space<semaphore_mem>>) src(%dma_wait3A_437 : memref<5419008x16xf32, #tpu.memory_space<hbm>>) dst(%dma_wait3A_432 : memref<128x16xf32, #tpu.memory_space<vmem>>)
      %dma_wait3A_438 = arith.constant 3072 : i32
      %dma_wait3A_439 = arith.constant 0 : i32
      %dma_wait3A_440 = tpu.memref_slice %arg7[%dma_wait3A_438, %dma_wait3A_439] : memref<3456x16xf32, #tpu.memory_space<vmem>> -> memref<128x16xf32, #tpu.memory_space<vmem>>
      %dma_wait3A_441 = arith.constant 3072 : i32
      %dma_wait3A_442 = tpu.memref_slice %arg6[%dma_wait3A_441] : memref<3456xi32, #tpu.memory_space<vmem>> -> memref<128xi32, #tpu.memory_space<vmem>>
      %dma_wait3A_443 = arith.constant 0 : i32
      %dma_wait3A_444 = arith.constant 0 : i32
      %dma_wait3A_445 = tpu.memref_slice %arg2[%dma_wait3A_443, %dma_wait3A_444] : memref<5419008x16xf32, #tpu.memory_space<hbm>> -> memref<5419008x16xf32, #tpu.memory_space<hbm>>
      tpu.wait_indirect_dma semaphore(%arg11 : memref<!tpu.dma_semaphore, #tpu.memory_space<semaphore_mem>>) src(%dma_wait3A_445 : memref<5419008x16xf32, #tpu.memory_space<hbm>>) dst(%dma_wait3A_440 : memref<128x16xf32, #tpu.memory_space<vmem>>)
      %dma_wait3A_446 = arith.constant 3200 : i32
      %dma_wait3A_447 = arith.constant 0 : i32
      %dma_wait3A_448 = tpu.memref_slice %arg7[%dma_wait3A_446, %dma_wait3A_447] : memref<3456x16xf32, #tpu.memory_space<vmem>> -> memref<128x16xf32, #tpu.memory_space<vmem>>
      %dma_wait3A_449 = arith.constant 3200 : i32
      %dma_wait3A_450 = tpu.memref_slice %arg6[%dma_wait3A_449] : memref<3456xi32, #tpu.memory_space<vmem>> -> memref<128xi32, #tpu.memory_space<vmem>>
      %dma_wait3A_451 = arith.constant 0 : i32
      %dma_wait3A_452 = arith.constant 0 : i32
      %dma_wait3A_453 = tpu.memref_slice %arg2[%dma_wait3A_451, %dma_wait3A_452] : memref<5419008x16xf32, #tpu.memory_space<hbm>> -> memref<5419008x16xf32, #tpu.memory_space<hbm>>
      tpu.wait_indirect_dma semaphore(%arg11 : memref<!tpu.dma_semaphore, #tpu.memory_space<semaphore_mem>>) src(%dma_wait3A_453 : memref<5419008x16xf32, #tpu.memory_space<hbm>>) dst(%dma_wait3A_448 : memref<128x16xf32, #tpu.memory_space<vmem>>)
      %dma_wait3A_454 = arith.constant 3328 : i32
      %dma_wait3A_455 = arith.constant 0 : i32
      %dma_wait3A_456 = tpu.memref_slice %arg7[%dma_wait3A_454, %dma_wait3A_455] : memref<3456x16xf32, #tpu.memory_space<vmem>> -> memref<128x16xf32, #tpu.memory_space<vmem>>
      %dma_wait3A_457 = arith.constant 3328 : i32
      %dma_wait3A_458 = tpu.memref_slice %arg6[%dma_wait3A_457] : memref<3456xi32, #tpu.memory_space<vmem>> -> memref<128xi32, #tpu.memory_space<vmem>>
      %dma_wait3A_459 = arith.constant 0 : i32
      %dma_wait3A_460 = arith.constant 0 : i32
      %dma_wait3A_461 = tpu.memref_slice %arg2[%dma_wait3A_459, %dma_wait3A_460] : memref<5419008x16xf32, #tpu.memory_space<hbm>> -> memref<5419008x16xf32, #tpu.memory_space<hbm>>
      tpu.wait_indirect_dma semaphore(%arg11 : memref<!tpu.dma_semaphore, #tpu.memory_space<semaphore_mem>>) src(%dma_wait3A_461 : memref<5419008x16xf32, #tpu.memory_space<hbm>>) dst(%dma_wait3A_456 : memref<128x16xf32, #tpu.memory_space<vmem>>)
      %scan3A_462 = arith.constant 0 : i32
      %scan3A_463 = arith.constant 128 : i32
      %scan3A_464 = arith.addi %scan3A_462, %scan3A_463 : i32
      %scan3A_465 = arith.constant 1 : i32
      %scan3A_466:2 = scf.for %scan3A_468 = %scan3A_462 to %scan3A_464 step %scan3A_465 iter_args(%scan3A_469 = %scan3A_21, %scan3A_470 = %scan3A_22) -> (vector<16xf32>, vector<16xf32>)  : i32 {
        %mul3A_471 = arith.constant 27 : i32
        %mul3A_472 = arith.muli %scan3A_468, %mul3A_471 : i32
        %get3A = arith.index_cast %mul3A_472 : i32 to index
        %get3A_473 = arith.constant 0 : index
        %get3A_474 = tpu.vector_load %arg7[%get3A, %get3A_473] {strides = array<i32>} : memref<3456x16xf32, #tpu.memory_space<vmem>>, vector<1x16xf32>,
        %get3A_475 = vector.shape_cast %get3A_474 : vector<1x16xf32> to vector<16xf32>
        %add3A_476 = arith.constant 1 : i32
        %add3A_477 = arith.addi %mul3A_472, %add3A_476 : i32
        %get3A_478 = arith.index_cast %add3A_477 : i32 to index
        %get3A_479 = arith.constant 0 : index
        %get3A_480 = tpu.vector_load %arg7[%get3A_478, %get3A_479] {strides = array<i32>} : memref<3456x16xf32, #tpu.memory_space<vmem>>, vector<1x16xf32>,
        %get3A_481 = vector.shape_cast %get3A_480 : vector<1x16xf32> to vector<16xf32>
        %add3A_482 = arith.addf %get3A_475, %get3A_481 : vector<16xf32>
        %add3A_483 = arith.constant 2 : i32
        %add3A_484 = arith.addi %mul3A_472, %add3A_483 : i32
        %get3A_485 = arith.index_cast %add3A_484 : i32 to index
        %get3A_486 = arith.constant 0 : index
        %get3A_487 = tpu.vector_load %arg7[%get3A_485, %get3A_486] {strides = array<i32>} : memref<3456x16xf32, #tpu.memory_space<vmem>>, vector<1x16xf32>,
        %get3A_488 = vector.shape_cast %get3A_487 : vector<1x16xf32> to vector<16xf32>
        %add3A_489 = arith.addf %add3A_482, %get3A_488 : vector<16xf32>
        %add3A_490 = arith.constant 3 : i32
        %add3A_491 = arith.addi %mul3A_472, %add3A_490 : i32
        %get3A_492 = arith.index_cast %add3A_491 : i32 to index
        %get3A_493 = arith.constant 0 : index
        %get3A_494 = tpu.vector_load %arg7[%get3A_492, %get3A_493] {strides = array<i32>} : memref<3456x16xf32, #tpu.memory_space<vmem>>, vector<1x16xf32>,
        %get3A_495 = vector.shape_cast %get3A_494 : vector<1x16xf32> to vector<16xf32>
        %add3A_496 = arith.addf %add3A_489, %get3A_495 : vector<16xf32>
        %add3A_497 = arith.constant 4 : i32
        %add3A_498 = arith.addi %mul3A_472, %add3A_497 : i32
        %get3A_499 = arith.index_cast %add3A_498 : i32 to index
        %get3A_500 = arith.constant 0 : index
        %get3A_501 = tpu.vector_load %arg7[%get3A_499, %get3A_500] {strides = array<i32>} : memref<3456x16xf32, #tpu.memory_space<vmem>>, vector<1x16xf32>,
        %get3A_502 = vector.shape_cast %get3A_501 : vector<1x16xf32> to vector<16xf32>
        %add3A_503 = arith.addf %add3A_496, %get3A_502 : vector<16xf32>
        %add3A_504 = arith.constant 5 : i32
        %add3A_505 = arith.addi %mul3A_472, %add3A_504 : i32
        %get3A_506 = arith.index_cast %add3A_505 : i32 to index
        %get3A_507 = arith.constant 0 : index
        %get3A_508 = tpu.vector_load %arg7[%get3A_506, %get3A_507] {strides = array<i32>} : memref<3456x16xf32, #tpu.memory_space<vmem>>, vector<1x16xf32>,
        %get3A_509 = vector.shape_cast %get3A_508 : vector<1x16xf32> to vector<16xf32>
        %add3A_510 = arith.addf %add3A_503, %get3A_509 : vector<16xf32>
        %add3A_511 = arith.constant 6 : i32
        %add3A_512 = arith.addi %mul3A_472, %add3A_511 : i32
        %get3A_513 = arith.index_cast %add3A_512 : i32 to index
        %get3A_514 = arith.constant 0 : index
        %get3A_515 = tpu.vector_load %arg7[%get3A_513, %get3A_514] {strides = array<i32>} : memref<3456x16xf32, #tpu.memory_space<vmem>>, vector<1x16xf32>,
        %get3A_516 = vector.shape_cast %get3A_515 : vector<1x16xf32> to vector<16xf32>
        %add3A_517 = arith.addf %add3A_510, %get3A_516 : vector<16xf32>
        %add3A_518 = arith.constant 7 : i32
        %add3A_519 = arith.addi %mul3A_472, %add3A_518 : i32
        %get3A_520 = arith.index_cast %add3A_519 : i32 to index
        %get3A_521 = arith.constant 0 : index
        %get3A_522 = tpu.vector_load %arg7[%get3A_520, %get3A_521] {strides = array<i32>} : memref<3456x16xf32, #tpu.memory_space<vmem>>, vector<1x16xf32>,
        %get3A_523 = vector.shape_cast %get3A_522 : vector<1x16xf32> to vector<16xf32>
        %add3A_524 = arith.addf %add3A_517, %get3A_523 : vector<16xf32>
        %add3A_525 = arith.constant 8 : i32
        %add3A_526 = arith.addi %mul3A_472, %add3A_525 : i32
        %get3A_527 = arith.index_cast %add3A_526 : i32 to index
        %get3A_528 = arith.constant 0 : index
        %get3A_529 = tpu.vector_load %arg7[%get3A_527, %get3A_528] {strides = array<i32>} : memref<3456x16xf32, #tpu.memory_space<vmem>>, vector<1x16xf32>,
        %get3A_530 = vector.shape_cast %get3A_529 : vector<1x16xf32> to vector<16xf32>
        %add3A_531 = arith.addf %add3A_524, %get3A_530 : vector<16xf32>
        %add3A_532 = arith.constant 9 : i32
        %add3A_533 = arith.addi %mul3A_472, %add3A_532 : i32
        %get3A_534 = arith.index_cast %add3A_533 : i32 to index
        %get3A_535 = arith.constant 0 : index
        %get3A_536 = tpu.vector_load %arg7[%get3A_534, %get3A_535] {strides = array<i32>} : memref<3456x16xf32, #tpu.memory_space<vmem>>, vector<1x16xf32>,
        %get3A_537 = vector.shape_cast %get3A_536 : vector<1x16xf32> to vector<16xf32>
        %add3A_538 = arith.addf %add3A_531, %get3A_537 : vector<16xf32>
        %add3A_539 = arith.constant 10 : i32
        %add3A_540 = arith.addi %mul3A_472, %add3A_539 : i32
        %get3A_541 = arith.index_cast %add3A_540 : i32 to index
        %get3A_542 = arith.constant 0 : index
        %get3A_543 = tpu.vector_load %arg7[%get3A_541, %get3A_542] {strides = array<i32>} : memref<3456x16xf32, #tpu.memory_space<vmem>>, vector<1x16xf32>,
        %get3A_544 = vector.shape_cast %get3A_543 : vector<1x16xf32> to vector<16xf32>
        %add3A_545 = arith.addf %add3A_538, %get3A_544 : vector<16xf32>
        %add3A_546 = arith.constant 11 : i32
        %add3A_547 = arith.addi %mul3A_472, %add3A_546 : i32
        %get3A_548 = arith.index_cast %add3A_547 : i32 to index
        %get3A_549 = arith.constant 0 : index
        %get3A_550 = tpu.vector_load %arg7[%get3A_548, %get3A_549] {strides = array<i32>} : memref<3456x16xf32, #tpu.memory_space<vmem>>, vector<1x16xf32>,
        %get3A_551 = vector.shape_cast %get3A_550 : vector<1x16xf32> to vector<16xf32>
        %add3A_552 = arith.addf %add3A_545, %get3A_551 : vector<16xf32>
        %add3A_553 = arith.constant 12 : i32
        %add3A_554 = arith.addi %mul3A_472, %add3A_553 : i32
        %get3A_555 = arith.index_cast %add3A_554 : i32 to index
        %get3A_556 = arith.constant 0 : index
        %get3A_557 = tpu.vector_load %arg7[%get3A_555, %get3A_556] {strides = array<i32>} : memref<3456x16xf32, #tpu.memory_space<vmem>>, vector<1x16xf32>,
        %get3A_558 = vector.shape_cast %get3A_557 : vector<1x16xf32> to vector<16xf32>
        %add3A_559 = arith.addf %add3A_552, %get3A_558 : vector<16xf32>
        %add3A_560 = arith.constant 13 : i32
        %add3A_561 = arith.addi %mul3A_472, %add3A_560 : i32
        %get3A_562 = arith.index_cast %add3A_561 : i32 to index
        %get3A_563 = arith.constant 0 : index
        %get3A_564 = tpu.vector_load %arg7[%get3A_562, %get3A_563] {strides = array<i32>} : memref<3456x16xf32, #tpu.memory_space<vmem>>, vector<1x16xf32>,
        %get3A_565 = vector.shape_cast %get3A_564 : vector<1x16xf32> to vector<16xf32>
        %add3A_566 = arith.addf %add3A_559, %get3A_565 : vector<16xf32>
        %add3A_567 = arith.constant 14 : i32
        %add3A_568 = arith.addi %mul3A_472, %add3A_567 : i32
        %get3A_569 = arith.index_cast %add3A_568 : i32 to index
        %get3A_570 = arith.constant 0 : index
        %get3A_571 = tpu.vector_load %arg7[%get3A_569, %get3A_570] {strides = array<i32>} : memref<3456x16xf32, #tpu.memory_space<vmem>>, vector<1x16xf32>,
        %get3A_572 = vector.shape_cast %get3A_571 : vector<1x16xf32> to vector<16xf32>
        %add3A_573 = arith.addf %add3A_566, %get3A_572 : vector<16xf32>
        %add3A_574 = arith.constant 15 : i32
        %add3A_575 = arith.addi %mul3A_472, %add3A_574 : i32
        %get3A_576 = arith.index_cast %add3A_575 : i32 to index
        %get3A_577 = arith.constant 0 : index
        %get3A_578 = tpu.vector_load %arg7[%get3A_576, %get3A_577] {strides = array<i32>} : memref<3456x16xf32, #tpu.memory_space<vmem>>, vector<1x16xf32>,
        %get3A_579 = vector.shape_cast %get3A_578 : vector<1x16xf32> to vector<16xf32>
        %add3A_580 = arith.addf %add3A_573, %get3A_579 : vector<16xf32>
        %add3A_581 = arith.constant 16 : i32
        %add3A_582 = arith.addi %mul3A_472, %add3A_581 : i32
        %get3A_583 = arith.index_cast %add3A_582 : i32 to index
        %get3A_584 = arith.constant 0 : index
        %get3A_585 = tpu.vector_load %arg7[%get3A_583, %get3A_584] {strides = array<i32>} : memref<3456x16xf32, #tpu.memory_space<vmem>>, vector<1x16xf32>,
        %get3A_586 = vector.shape_cast %get3A_585 : vector<1x16xf32> to vector<16xf32>
        %add3A_587 = arith.addf %add3A_580, %get3A_586 : vector<16xf32>
        %add3A_588 = arith.constant 17 : i32
        %add3A_589 = arith.addi %mul3A_472, %add3A_588 : i32
        %get3A_590 = arith.index_cast %add3A_589 : i32 to index
        %get3A_591 = arith.constant 0 : index
        %get3A_592 = tpu.vector_load %arg7[%get3A_590, %get3A_591] {strides = array<i32>} : memref<3456x16xf32, #tpu.memory_space<vmem>>, vector<1x16xf32>,
        %get3A_593 = vector.shape_cast %get3A_592 : vector<1x16xf32> to vector<16xf32>
        %add3A_594 = arith.addf %add3A_587, %get3A_593 : vector<16xf32>
        %add3A_595 = arith.constant 18 : i32
        %add3A_596 = arith.addi %mul3A_472, %add3A_595 : i32
        %get3A_597 = arith.index_cast %add3A_596 : i32 to index
        %get3A_598 = arith.constant 0 : index
        %get3A_599 = tpu.vector_load %arg7[%get3A_597, %get3A_598] {strides = array<i32>} : memref<3456x16xf32, #tpu.memory_space<vmem>>, vector<1x16xf32>,
        %get3A_600 = vector.shape_cast %get3A_599 : vector<1x16xf32> to vector<16xf32>
        %add3A_601 = arith.addf %add3A_594, %get3A_600 : vector<16xf32>
        %add3A_602 = arith.constant 19 : i32
        %add3A_603 = arith.addi %mul3A_472, %add3A_602 : i32
        %get3A_604 = arith.index_cast %add3A_603 : i32 to index
        %get3A_605 = arith.constant 0 : index
        %get3A_606 = tpu.vector_load %arg7[%get3A_604, %get3A_605] {strides = array<i32>} : memref<3456x16xf32, #tpu.memory_space<vmem>>, vector<1x16xf32>,
        %get3A_607 = vector.shape_cast %get3A_606 : vector<1x16xf32> to vector<16xf32>
        %add3A_608 = arith.addf %add3A_601, %get3A_607 : vector<16xf32>
        %add3A_609 = arith.constant 20 : i32
        %add3A_610 = arith.addi %mul3A_472, %add3A_609 : i32
        %get3A_611 = arith.index_cast %add3A_610 : i32 to index
        %get3A_612 = arith.constant 0 : index
        %get3A_613 = tpu.vector_load %arg7[%get3A_611, %get3A_612] {strides = array<i32>} : memref<3456x16xf32, #tpu.memory_space<vmem>>, vector<1x16xf32>,
        %get3A_614 = vector.shape_cast %get3A_613 : vector<1x16xf32> to vector<16xf32>
        %add3A_615 = arith.addf %add3A_608, %get3A_614 : vector<16xf32>
        %add3A_616 = arith.constant 21 : i32
        %add3A_617 = arith.addi %mul3A_472, %add3A_616 : i32
        %get3A_618 = arith.index_cast %add3A_617 : i32 to index
        %get3A_619 = arith.constant 0 : index
        %get3A_620 = tpu.vector_load %arg7[%get3A_618, %get3A_619] {strides = array<i32>} : memref<3456x16xf32, #tpu.memory_space<vmem>>, vector<1x16xf32>,
        %get3A_621 = vector.shape_cast %get3A_620 : vector<1x16xf32> to vector<16xf32>
        %add3A_622 = arith.addf %add3A_615, %get3A_621 : vector<16xf32>
        %add3A_623 = arith.constant 22 : i32
        %add3A_624 = arith.addi %mul3A_472, %add3A_623 : i32
        %get3A_625 = arith.index_cast %add3A_624 : i32 to index
        %get3A_626 = arith.constant 0 : index
        %get3A_627 = tpu.vector_load %arg7[%get3A_625, %get3A_626] {strides = array<i32>} : memref<3456x16xf32, #tpu.memory_space<vmem>>, vector<1x16xf32>,
        %get3A_628 = vector.shape_cast %get3A_627 : vector<1x16xf32> to vector<16xf32>
        %add3A_629 = arith.addf %add3A_622, %get3A_628 : vector<16xf32>
        %add3A_630 = arith.constant 23 : i32
        %add3A_631 = arith.addi %mul3A_472, %add3A_630 : i32
        %get3A_632 = arith.index_cast %add3A_631 : i32 to index
        %get3A_633 = arith.constant 0 : index
        %get3A_634 = tpu.vector_load %arg7[%get3A_632, %get3A_633] {strides = array<i32>} : memref<3456x16xf32, #tpu.memory_space<vmem>>, vector<1x16xf32>,
        %get3A_635 = vector.shape_cast %get3A_634 : vector<1x16xf32> to vector<16xf32>
        %add3A_636 = arith.addf %add3A_629, %get3A_635 : vector<16xf32>
        %add3A_637 = arith.constant 24 : i32
        %add3A_638 = arith.addi %mul3A_472, %add3A_637 : i32
        %get3A_639 = arith.index_cast %add3A_638 : i32 to index
        %get3A_640 = arith.constant 0 : index
        %get3A_641 = tpu.vector_load %arg7[%get3A_639, %get3A_640] {strides = array<i32>} : memref<3456x16xf32, #tpu.memory_space<vmem>>, vector<1x16xf32>,
        %get3A_642 = vector.shape_cast %get3A_641 : vector<1x16xf32> to vector<16xf32>
        %add3A_643 = arith.addf %add3A_636, %get3A_642 : vector<16xf32>
        %add3A_644 = arith.constant 25 : i32
        %add3A_645 = arith.addi %mul3A_472, %add3A_644 : i32
        %get3A_646 = arith.index_cast %add3A_645 : i32 to index
        %get3A_647 = arith.constant 0 : index
        %get3A_648 = tpu.vector_load %arg7[%get3A_646, %get3A_647] {strides = array<i32>} : memref<3456x16xf32, #tpu.memory_space<vmem>>, vector<1x16xf32>,
        %get3A_649 = vector.shape_cast %get3A_648 : vector<1x16xf32> to vector<16xf32>
        %add3A_650 = arith.addf %add3A_643, %get3A_649 : vector<16xf32>
        %add3A_651 = arith.constant 26 : i32
        %add3A_652 = arith.addi %mul3A_472, %add3A_651 : i32
        %get3A_653 = arith.index_cast %add3A_652 : i32 to index
        %get3A_654 = arith.constant 0 : index
        %get3A_655 = tpu.vector_load %arg7[%get3A_653, %get3A_654] {strides = array<i32>} : memref<3456x16xf32, #tpu.memory_space<vmem>>, vector<1x16xf32>,
        %get3A_656 = vector.shape_cast %get3A_655 : vector<1x16xf32> to vector<16xf32>
        %add3A_657 = arith.addf %add3A_650, %get3A_656 : vector<16xf32>
        %swap3A_658 = arith.index_cast %scan3A_468 : i32 to index
        %swap3A_659 = arith.constant 0 : index
        %swap3A_660 = tpu.vector_load %arg8[%swap3A_658, %swap3A_659] {strides = array<i32>} : memref<128x16xf32, #tpu.memory_space<vmem>>, vector<1x16xf32>,
        %swap3A_661 = vector.shape_cast %swap3A_660 : vector<1x16xf32> to vector<16xf32>
        %swap3A_662 = vector.shape_cast %add3A_657 : vector<16xf32> to vector<1x16xf32>
        tpu.vector_store %arg8[%swap3A_658, %swap3A_659], %swap3A_662 {strides = array<i32>} : memref<128x16xf32, #tpu.memory_space<vmem>>, vector<1x16xf32>,
        %add3A_663 = arith.addi %add3A_25, %scan3A_468 : i32
        %lt3A = arith.constant 200000 : i32
        %lt3A_664 = arith.cmpi slt, %add3A_663, %lt3A : i32
        %jit3A = arith.constant 1.000000e+00 : f32
        %jit3A_665 = arith.constant 0.000000e+00 : f32
        %select_n3A = arith.select %lt3A_664, %jit3A, %jit3A_665 : f32
        %mul3A_666 = vector.broadcast %select_n3A : f32 to vector<16xf32>
        %mul3A_667 = arith.mulf %add3A_657, %mul3A_666 : vector<16xf32>
        %add3A_668 = arith.addf %scan3A_469, %mul3A_667 : vector<16xf32>
        %mul3A_669 = arith.mulf %add3A_657, %add3A_657 : vector<16xf32>
        %mul3A_670 = vector.broadcast %select_n3A : f32 to vector<16xf32>
        %mul3A_671 = arith.mulf %mul3A_669, %mul3A_670 : vector<16xf32>
        %add3A_672 = arith.addf %scan3A_470, %mul3A_671 : vector<16xf32>
        scf.yield %add3A_668, %add3A_672 : vector<16xf32>, vector<16xf32>
      }
      %scan3A_467 = arith.constant 128 : i32
      "tpu.region"() ({
        %run_scoped3A = tpu.sem_alloc : memref<!tpu.dma_semaphore, #tpu.memory_space<semaphore_mem>>
        %dma_start3A_468 = arith.constant 0 : i32
        %dma_start3A_469 = tpu.memref_slice %arg4[%add3A_25, %dma_start3A_468] : memref<200704x16xf32, #tpu.memory_space<hbm>> -> memref<128x16xf32, #tpu.memory_space<hbm>>
        %dma_start3A_470 = arith.constant 0 : i32
        %dma_start3A_471 = tpu.memref_slice %arg4[%add3A_25, %dma_start3A_470] : memref<200704x16xf32, #tpu.memory_space<hbm>> -> memref<128x16xf32, #tpu.memory_space<hbm>>
        tpu.enqueue_dma source(%arg8 : memref<128x16xf32, #tpu.memory_space<vmem>>) target(%dma_start3A_471 : memref<128x16xf32, #tpu.memory_space<hbm>>) target_semaphore(%run_scoped3A : memref<!tpu.dma_semaphore, #tpu.memory_space<semaphore_mem>>)
        %dma_wait3A_472 = arith.constant 0 : i32
        %dma_wait3A_473 = tpu.memref_slice %arg4[%add3A_25, %dma_wait3A_472] : memref<200704x16xf32, #tpu.memory_space<hbm>> -> memref<128x16xf32, #tpu.memory_space<hbm>>
        %dma_wait3A_474 = arith.constant 0 : i32
        %dma_wait3A_475 = tpu.memref_slice %arg4[%add3A_25, %dma_wait3A_474] : memref<200704x16xf32, #tpu.memory_space<hbm>> -> memref<128x16xf32, #tpu.memory_space<hbm>>
        tpu.wait_dma2 semaphore(%run_scoped3A : memref<!tpu.dma_semaphore, #tpu.memory_space<semaphore_mem>>) src(%arg8 : memref<128x16xf32, #tpu.memory_space<vmem>>) dst(%dma_wait3A_475 : memref<128x16xf32, #tpu.memory_space<hbm>>)
        tpu.yield
      }) : () -> ()
      scf.yield %scan3A_466#0, %scan3A_466#1 : vector<16xf32>, vector<16xf32>
    }
    %scan3A_8 = arith.constant 49 : i32
    %swap3A = arith.constant 0 : i32
    %swap3A_9 = arith.index_cast %swap3A : i32 to index
    %swap3A_10 = arith.constant 0 : index
    %swap3A_11 = tpu.vector_load %arg9[%swap3A_9, %swap3A_10] {strides = array<i32>} : memref<2x16xf32, #tpu.memory_space<vmem>>, vector<1x16xf32>,
    %swap3A_12 = vector.shape_cast %swap3A_11 : vector<1x16xf32> to vector<16xf32>
    %swap3A_13 = vector.shape_cast %scan3A_7#0 : vector<16xf32> to vector<1x16xf32>
    tpu.vector_store %arg9[%swap3A_9, %swap3A_10], %swap3A_13 {strides = array<i32>} : memref<2x16xf32, #tpu.memory_space<vmem>>, vector<1x16xf32>,
    %swap3A_14 = arith.constant 1 : i32
    %swap3A_15 = arith.index_cast %swap3A_14 : i32 to index
    %swap3A_16 = arith.constant 0 : index
    %swap3A_17 = tpu.vector_load %arg9[%swap3A_15, %swap3A_16] {strides = array<i32>} : memref<2x16xf32, #tpu.memory_space<vmem>>, vector<1x16xf32>,
    %swap3A_18 = vector.shape_cast %swap3A_17 : vector<1x16xf32> to vector<16xf32>
    %swap3A_19 = vector.shape_cast %scan3A_7#1 : vector<16xf32> to vector<1x16xf32>
    tpu.vector_store %arg9[%swap3A_15, %swap3A_16], %swap3A_19 {strides = array<i32>} : memref<2x16xf32, #tpu.memory_space<vmem>>, vector<1x16xf32>,
    "tpu.region"() ({
      %run_scoped3A = tpu.sem_alloc : memref<!tpu.dma_semaphore, #tpu.memory_space<semaphore_mem>>
      %dma_start3A = arith.constant 0 : i32
      %dma_start3A_20 = arith.constant 0 : i32
      %dma_start3A_21 = tpu.memref_slice %arg5[%add3A, %dma_start3A, %dma_start3A_20] : memref<32x2x16xf32, #tpu.memory_space<hbm>> -> memref<1x2x16xf32, #tpu.memory_space<hbm>>
      %dma_start3A_22 = tpu.memref_squeeze %dma_start3A_21 : memref<1x2x16xf32, #tpu.memory_space<hbm>> -> memref<2x16xf32, #tpu.memory_space<hbm>>
      %dma_start3A_23 = arith.constant 0 : i32
      %dma_start3A_24 = arith.constant 0 : i32
      %dma_start3A_25 = tpu.memref_slice %arg5[%add3A, %dma_start3A_23, %dma_start3A_24] : memref<32x2x16xf32, #tpu.memory_space<hbm>> -> memref<1x2x16xf32, #tpu.memory_space<hbm>>
      %dma_start3A_26 = tpu.memref_squeeze %dma_start3A_25 : memref<1x2x16xf32, #tpu.memory_space<hbm>> -> memref<2x16xf32, #tpu.memory_space<hbm>>
      tpu.enqueue_dma source(%arg9 : memref<2x16xf32, #tpu.memory_space<vmem>>) target(%dma_start3A_26 : memref<2x16xf32, #tpu.memory_space<hbm>>) target_semaphore(%run_scoped3A : memref<!tpu.dma_semaphore, #tpu.memory_space<semaphore_mem>>)
      %dma_wait3A = arith.constant 0 : i32
      %dma_wait3A_27 = arith.constant 0 : i32
      %dma_wait3A_28 = tpu.memref_slice %arg5[%add3A, %dma_wait3A, %dma_wait3A_27] : memref<32x2x16xf32, #tpu.memory_space<hbm>> -> memref<1x2x16xf32, #tpu.memory_space<hbm>>
      %dma_wait3A_29 = tpu.memref_squeeze %dma_wait3A_28 : memref<1x2x16xf32, #tpu.memory_space<hbm>> -> memref<2x16xf32, #tpu.memory_space<hbm>>
      %dma_wait3A_30 = arith.constant 0 : i32
      %dma_wait3A_31 = arith.constant 0 : i32
      %dma_wait3A_32 = tpu.memref_slice %arg5[%add3A, %dma_wait3A_30, %dma_wait3A_31] : memref<32x2x16xf32, #tpu.memory_space<hbm>> -> memref<1x2x16xf32, #tpu.memory_space<hbm>>
      %dma_wait3A_33 = tpu.memref_squeeze %dma_wait3A_32 : memref<1x2x16xf32, #tpu.memory_space<hbm>> -> memref<2x16xf32, #tpu.memory_space<hbm>>
      tpu.wait_dma2 semaphore(%run_scoped3A : memref<!tpu.dma_semaphore, #tpu.memory_space<semaphore_mem>>) src(%arg9 : memref<2x16xf32, #tpu.memory_space<vmem>>) dst(%dma_wait3A_33 : memref<2x16xf32, #tpu.memory_space<hbm>>)
      tpu.yield
    }) : () -> ()
    return
  }
}

module attributes {stable_mosaic.version = 14 : i64} {
  func.func @_pmat_plain_body(%arg0: i32, %arg1: memref<1024x16xf32, #tpu.memory_space<vmem>>, %arg2: memref<16x432xf32, #tpu.memory_space<vmem>>, %arg3: memref<1024x432xf32, #tpu.memory_space<vmem>>) attributes {dimension_semantics = [#tpu.dimension_semantics<arbitrary>], iteration_bounds = array<i64: 196>, scalar_prefetch = 0 : i64, scratch_operands = 0 : i64, tpu.core_type = #tpu.core_type<tc>, window_params = [{transform_indices = @transform_0, window_bounds = array<i64: 1024, 16>}, {pipeline_mode = #tpu.pipeline_mode<synchronous>, transform_indices = @transform_1, window_bounds = array<i64: 16, 432>}, {transform_indices = @transform_2, window_bounds = array<i64: 1024, 432>}]} {
    %get3A = arith.constant 0 : index
    %get3A_0 = arith.constant 0 : index
    %get3A_1 = vector.load %arg1[%get3A, %get3A_0] : memref<1024x16xf32, #tpu.memory_space<vmem>>, vector<1024x16xf32>
    %get3A_2 = arith.constant 0 : index
    %get3A_3 = arith.constant 0 : index
    %get3A_4 = vector.load %arg2[%get3A_2, %get3A_3] : memref<16x432xf32, #tpu.memory_space<vmem>>, vector<16x432xf32>
    %dot_general3A = arith.constant dense<0.000000e+00> : vector<1024x432xf32>
    %dot_general3A_5 = tpu.matmul %get3A_1, %get3A_4, %dot_general3A {dimension_numbers = #tpu.dot_dimension_numbers<[1], [0], [0], [1], [0, 0, 1, 1], [], []>, transpose_lhs_hint = false} : vector<1024x16xf32>, vector<16x432xf32>, vector<1024x432xf32> -> vector<1024x432xf32>
    %swap3A = arith.constant 0 : index
    %swap3A_6 = arith.constant 0 : index
    %swap3A_7 = vector.load %arg3[%swap3A, %swap3A_6] : memref<1024x432xf32, #tpu.memory_space<vmem>>, vector<1024x432xf32>
    tpu.vector_store %arg3[%swap3A, %swap3A_6], %dot_general3A_5 {strides = array<i32>} : memref<1024x432xf32, #tpu.memory_space<vmem>>, vector<1024x432xf32>,
    return
  }
  func.func @transform_0(%arg0: i32) -> (i32, i32) {
    %c0_i32 = arith.constant 0 : i32
    %c0_i32_0 = arith.constant 0 : i32
    return %arg0, %c0_i32 : i32, i32
  }
  func.func @transform_1(%arg0: i32) -> (i32, i32) {
    %c0_i32 = arith.constant 0 : i32
    %c0_i32_0 = arith.constant 0 : i32
    %c0_i32_1 = arith.constant 0 : i32
    return %c0_i32, %c0_i32_0 : i32, i32
  }
  func.func @transform_2(%arg0: i32) -> (i32, i32) {
    %c0_i32 = arith.constant 0 : i32
    %c0_i32_0 = arith.constant 0 : i32
    return %arg0, %c0_i32 : i32, i32
  }
}

module attributes {stable_mosaic.version = 14 : i64} {
  func.func @_pmat_bn_body(%arg0: i32, %arg1: memref<1024x16xf32, #tpu.memory_space<vmem>>, %arg2: memref<32x2x16xf32, #tpu.memory_space<vmem>>, %arg3: memref<1x16xf32, #tpu.memory_space<vmem>>, %arg4: memref<1x16xf32, #tpu.memory_space<vmem>>, %arg5: memref<16x432xf32, #tpu.memory_space<vmem>>, %arg6: memref<1024x432xf32, #tpu.memory_space<vmem>>) attributes {dimension_semantics = [#tpu.dimension_semantics<arbitrary>], iteration_bounds = array<i64: 196>, scalar_prefetch = 0 : i64, scratch_operands = 0 : i64, tpu.core_type = #tpu.core_type<tc>, window_params = [{transform_indices = @transform_0, window_bounds = array<i64: 1024, 16>}, {pipeline_mode = #tpu.pipeline_mode<synchronous>, transform_indices = @transform_1, window_bounds = array<i64: 32, 2, 16>}, {pipeline_mode = #tpu.pipeline_mode<synchronous>, transform_indices = @transform_2, window_bounds = array<i64: 1, 16>}, {pipeline_mode = #tpu.pipeline_mode<synchronous>, transform_indices = @transform_3, window_bounds = array<i64: 1, 16>}, {pipeline_mode = #tpu.pipeline_mode<synchronous>, transform_indices = @transform_4, window_bounds = array<i64: 16, 432>}, {transform_indices = @transform_5, window_bounds = array<i64: 1024, 432>}]} {
    %get3A = arith.constant 0 : index
    %get3A_0 = arith.constant 0 : index
    %get3A_1 = arith.constant 0 : index
    %get3A_2 = vector.load %arg2[%get3A, %get3A_0, %get3A_1] : memref<32x2x16xf32, #tpu.memory_space<vmem>>, vector<32x2x16xf32>
    %slice3A = vector.extract_strided_slice %get3A_2 {offsets = [0, 0, 0], sizes = [32, 1, 16], strides = [1, 1, 1]} : vector<32x2x16xf32> to vector<32x1x16xf32>
    %squeeze3A = vector.shape_cast %slice3A : vector<32x1x16xf32> to vector<32x16xf32>
    %reduce_sum3A = arith.constant dense<0.000000e+00> : vector<16xf32>
    %reduce_sum3A_3 = vector.multi_reduction <add>, %squeeze3A, %reduce_sum3A [0] : vector<32x16xf32> to vector<16xf32>
    %mul3A = arith.constant 5.000000e-06 : f32
    %mul3A_4 = vector.broadcast %mul3A : f32 to vector<16xf32>
    %mul3A_5 = arith.mulf %reduce_sum3A_3, %mul3A_4 : vector<16xf32>
    %slice3A_6 = vector.extract_strided_slice %get3A_2 {offsets = [0, 1, 0], sizes = [32, 1, 16], strides = [1, 1, 1]} : vector<32x2x16xf32> to vector<32x1x16xf32>
    %squeeze3A_7 = vector.shape_cast %slice3A_6 : vector<32x1x16xf32> to vector<32x16xf32>
    %reduce_sum3A_8 = arith.constant dense<0.000000e+00> : vector<16xf32>
    %reduce_sum3A_9 = vector.multi_reduction <add>, %squeeze3A_7, %reduce_sum3A_8 [0] : vector<32x16xf32> to vector<16xf32>
    %mul3A_10 = arith.constant 5.000000e-06 : f32
    %mul3A_11 = vector.broadcast %mul3A_10 : f32 to vector<16xf32>
    %mul3A_12 = arith.mulf %reduce_sum3A_9, %mul3A_11 : vector<16xf32>
    %mul3A_13 = arith.mulf %mul3A_5, %mul3A_5 : vector<16xf32>
    %sub3A = arith.subf %mul3A_12, %mul3A_13 : vector<16xf32>
    %get3A_14 = arith.constant 0 : index
    %get3A_15 = arith.constant 0 : index
    %get3A_16 = vector.load %arg3[%get3A_14, %get3A_15] : memref<1x16xf32, #tpu.memory_space<vmem>>, vector<1x16xf32>
    %get3A_17 = vector.shape_cast %get3A_16 : vector<1x16xf32> to vector<16xf32>
    %add3A = arith.constant 9.99999974E-6 : f32
    %add3A_18 = vector.broadcast %add3A : f32 to vector<16xf32>
    %add3A_19 = arith.addf %sub3A, %add3A_18 : vector<16xf32>
    %rsqrt3A = math.rsqrt %add3A_19 : vector<16xf32>
    %mul3A_20 = arith.mulf %get3A_17, %rsqrt3A : vector<16xf32>
    %get3A_21 = arith.constant 0 : index
    %get3A_22 = arith.constant 0 : index
    %get3A_23 = vector.load %arg4[%get3A_21, %get3A_22] : memref<1x16xf32, #tpu.memory_space<vmem>>, vector<1x16xf32>
    %get3A_24 = vector.shape_cast %get3A_23 : vector<1x16xf32> to vector<16xf32>
    %mul3A_25 = arith.mulf %mul3A_5, %mul3A_20 : vector<16xf32>
    %sub3A_26 = arith.subf %get3A_24, %mul3A_25 : vector<16xf32>
    %get3A_27 = arith.constant 0 : index
    %get3A_28 = arith.constant 0 : index
    %get3A_29 = vector.load %arg1[%get3A_27, %get3A_28] : memref<1024x16xf32, #tpu.memory_space<vmem>>, vector<1024x16xf32>
    %broadcast_in_dim3A = vector.shape_cast %mul3A_20 : vector<16xf32> to vector<1x16xf32>
    %mul3A_30 = vector.broadcast %broadcast_in_dim3A : vector<1x16xf32> to vector<1024x16xf32>
    %mul3A_31 = arith.mulf %get3A_29, %mul3A_30 : vector<1024x16xf32>
    %broadcast_in_dim3A_32 = vector.shape_cast %sub3A_26 : vector<16xf32> to vector<1x16xf32>
    %add3A_33 = vector.broadcast %broadcast_in_dim3A_32 : vector<1x16xf32> to vector<1024x16xf32>
    %add3A_34 = arith.addf %mul3A_31, %add3A_33 : vector<1024x16xf32>
    %max3A = arith.constant 0.000000e+00 : f32
    %max3A_35 = vector.broadcast %max3A : f32 to vector<1024x16xf32>
    %max3A_36 = arith.maximumf %add3A_34, %max3A_35 : vector<1024x16xf32>
    %get3A_37 = arith.constant 0 : index
    %get3A_38 = arith.constant 0 : index
    %get3A_39 = vector.load %arg5[%get3A_37, %get3A_38] : memref<16x432xf32, #tpu.memory_space<vmem>>, vector<16x432xf32>
    %dot_general3A = arith.constant dense<0.000000e+00> : vector<1024x432xf32>
    %dot_general3A_40 = tpu.matmul %max3A_36, %get3A_39, %dot_general3A {dimension_numbers = #tpu.dot_dimension_numbers<[1], [0], [0], [1], [0, 0, 1, 1], [], []>, transpose_lhs_hint = false} : vector<1024x16xf32>, vector<16x432xf32>, vector<1024x432xf32> -> vector<1024x432xf32>
    %swap3A = arith.constant 0 : index
    %swap3A_41 = arith.constant 0 : index
    %swap3A_42 = vector.load %arg6[%swap3A, %swap3A_41] : memref<1024x432xf32, #tpu.memory_space<vmem>>, vector<1024x432xf32>
    tpu.vector_store %arg6[%swap3A, %swap3A_41], %dot_general3A_40 {strides = array<i32>} : memref<1024x432xf32, #tpu.memory_space<vmem>>, vector<1024x432xf32>,
    return
  }
  func.func @transform_0(%arg0: i32) -> (i32, i32) {
    %c0_i32 = arith.constant 0 : i32
    %c0_i32_0 = arith.constant 0 : i32
    return %arg0, %c0_i32 : i32, i32
  }
  func.func @transform_1(%arg0: i32) -> (i32, i32, i32) {
    %c0_i32 = arith.constant 0 : i32
    %c0_i32_0 = arith.constant 0 : i32
    %c0_i32_1 = arith.constant 0 : i32
    %c0_i32_2 = arith.constant 0 : i32
    return %c0_i32, %c0_i32_0, %c0_i32_1 : i32, i32, i32
  }
  func.func @transform_2(%arg0: i32) -> (i32, i32) {
    %c0_i32 = arith.constant 0 : i32
    %c0_i32_0 = arith.constant 0 : i32
    %c0_i32_1 = arith.constant 0 : i32
    return %c0_i32, %c0_i32_0 : i32, i32
  }
  func.func @transform_3(%arg0: i32) -> (i32, i32) {
    %c0_i32 = arith.constant 0 : i32
    %c0_i32_0 = arith.constant 0 : i32
    %c0_i32_1 = arith.constant 0 : i32
    return %c0_i32, %c0_i32_0 : i32, i32
  }
  func.func @transform_4(%arg0: i32) -> (i32, i32) {
    %c0_i32 = arith.constant 0 : i32
    %c0_i32_0 = arith.constant 0 : i32
    %c0_i32_1 = arith.constant 0 : i32
    return %c0_i32, %c0_i32_0 : i32, i32
  }
  func.func @transform_5(%arg0: i32) -> (i32, i32) {
    %c0_i32 = arith.constant 0 : i32
    %c0_i32_0 = arith.constant 0 : i32
    return %arg0, %c0_i32 : i32, i32
  }
}

module attributes {stable_mosaic.version = 14 : i64} {
  func.func @_final_body(%arg0: i32, %arg1: memref<800x16xf32, #tpu.memory_space<vmem>>, %arg2: memref<32x2x16xf32, #tpu.memory_space<vmem>>, %arg3: memref<1x16xf32, #tpu.memory_space<vmem>>, %arg4: memref<1x16xf32, #tpu.memory_space<vmem>>, %arg5: memref<800x16xf32, #tpu.memory_space<vmem>>, %arg6: memref<800x16xf32, #tpu.memory_space<vmem>>) attributes {dimension_semantics = [#tpu.dimension_semantics<arbitrary>], iteration_bounds = array<i64: 250>, scalar_prefetch = 0 : i64, scratch_operands = 0 : i64, tpu.core_type = #tpu.core_type<tc>, window_params = [{transform_indices = @transform_0, window_bounds = array<i64: 800, 16>}, {pipeline_mode = #tpu.pipeline_mode<synchronous>, transform_indices = @transform_1, window_bounds = array<i64: 32, 2, 16>}, {pipeline_mode = #tpu.pipeline_mode<synchronous>, transform_indices = @transform_2, window_bounds = array<i64: 1, 16>}, {pipeline_mode = #tpu.pipeline_mode<synchronous>, transform_indices = @transform_3, window_bounds = array<i64: 1, 16>}, {transform_indices = @transform_4, window_bounds = array<i64: 800, 16>}, {transform_indices = @transform_5, window_bounds = array<i64: 800, 16>}]} {
    %get3A = arith.constant 0 : index
    %get3A_0 = arith.constant 0 : index
    %get3A_1 = arith.constant 0 : index
    %get3A_2 = vector.load %arg2[%get3A, %get3A_0, %get3A_1] : memref<32x2x16xf32, #tpu.memory_space<vmem>>, vector<32x2x16xf32>
    %slice3A = vector.extract_strided_slice %get3A_2 {offsets = [0, 0, 0], sizes = [32, 1, 16], strides = [1, 1, 1]} : vector<32x2x16xf32> to vector<32x1x16xf32>
    %squeeze3A = vector.shape_cast %slice3A : vector<32x1x16xf32> to vector<32x16xf32>
    %reduce_sum3A = arith.constant dense<0.000000e+00> : vector<16xf32>
    %reduce_sum3A_3 = vector.multi_reduction <add>, %squeeze3A, %reduce_sum3A [0] : vector<32x16xf32> to vector<16xf32>
    %mul3A = arith.constant 5.000000e-06 : f32
    %mul3A_4 = vector.broadcast %mul3A : f32 to vector<16xf32>
    %mul3A_5 = arith.mulf %reduce_sum3A_3, %mul3A_4 : vector<16xf32>
    %slice3A_6 = vector.extract_strided_slice %get3A_2 {offsets = [0, 1, 0], sizes = [32, 1, 16], strides = [1, 1, 1]} : vector<32x2x16xf32> to vector<32x1x16xf32>
    %squeeze3A_7 = vector.shape_cast %slice3A_6 : vector<32x1x16xf32> to vector<32x16xf32>
    %reduce_sum3A_8 = arith.constant dense<0.000000e+00> : vector<16xf32>
    %reduce_sum3A_9 = vector.multi_reduction <add>, %squeeze3A_7, %reduce_sum3A_8 [0] : vector<32x16xf32> to vector<16xf32>
    %mul3A_10 = arith.constant 5.000000e-06 : f32
    %mul3A_11 = vector.broadcast %mul3A_10 : f32 to vector<16xf32>
    %mul3A_12 = arith.mulf %reduce_sum3A_9, %mul3A_11 : vector<16xf32>
    %mul3A_13 = arith.mulf %mul3A_5, %mul3A_5 : vector<16xf32>
    %sub3A = arith.subf %mul3A_12, %mul3A_13 : vector<16xf32>
    %get3A_14 = arith.constant 0 : index
    %get3A_15 = arith.constant 0 : index
    %get3A_16 = vector.load %arg3[%get3A_14, %get3A_15] : memref<1x16xf32, #tpu.memory_space<vmem>>, vector<1x16xf32>
    %get3A_17 = vector.shape_cast %get3A_16 : vector<1x16xf32> to vector<16xf32>
    %add3A = arith.constant 9.99999974E-6 : f32
    %add3A_18 = vector.broadcast %add3A : f32 to vector<16xf32>
    %add3A_19 = arith.addf %sub3A, %add3A_18 : vector<16xf32>
    %rsqrt3A = math.rsqrt %add3A_19 : vector<16xf32>
    %mul3A_20 = arith.mulf %get3A_17, %rsqrt3A : vector<16xf32>
    %get3A_21 = arith.constant 0 : index
    %get3A_22 = arith.constant 0 : index
    %get3A_23 = vector.load %arg4[%get3A_21, %get3A_22] : memref<1x16xf32, #tpu.memory_space<vmem>>, vector<1x16xf32>
    %get3A_24 = vector.shape_cast %get3A_23 : vector<1x16xf32> to vector<16xf32>
    %mul3A_25 = arith.mulf %mul3A_5, %mul3A_20 : vector<16xf32>
    %sub3A_26 = arith.subf %get3A_24, %mul3A_25 : vector<16xf32>
    %get3A_27 = arith.constant 0 : index
    %get3A_28 = arith.constant 0 : index
    %get3A_29 = vector.load %arg1[%get3A_27, %get3A_28] : memref<800x16xf32, #tpu.memory_space<vmem>>, vector<800x16xf32>
    %broadcast_in_dim3A = vector.shape_cast %mul3A_20 : vector<16xf32> to vector<1x16xf32>
    %mul3A_30 = vector.broadcast %broadcast_in_dim3A : vector<1x16xf32> to vector<800x16xf32>
    %mul3A_31 = arith.mulf %get3A_29, %mul3A_30 : vector<800x16xf32>
    %broadcast_in_dim3A_32 = vector.shape_cast %sub3A_26 : vector<16xf32> to vector<1x16xf32>
    %add3A_33 = vector.broadcast %broadcast_in_dim3A_32 : vector<1x16xf32> to vector<800x16xf32>
    %add3A_34 = arith.addf %mul3A_31, %add3A_33 : vector<800x16xf32>
    %get3A_35 = arith.constant 0 : index
    %get3A_36 = arith.constant 0 : index
    %get3A_37 = vector.load %arg5[%get3A_35, %get3A_36] : memref<800x16xf32, #tpu.memory_space<vmem>>, vector<800x16xf32>
    %add3A_38 = arith.addf %add3A_34, %get3A_37 : vector<800x16xf32>
    %max3A = arith.constant 0.000000e+00 : f32
    %max3A_39 = vector.broadcast %max3A : f32 to vector<800x16xf32>
    %max3A_40 = arith.maximumf %add3A_38, %max3A_39 : vector<800x16xf32>
    %swap3A = arith.constant 0 : index
    %swap3A_41 = arith.constant 0 : index
    %swap3A_42 = vector.load %arg6[%swap3A, %swap3A_41] : memref<800x16xf32, #tpu.memory_space<vmem>>, vector<800x16xf32>
    tpu.vector_store %arg6[%swap3A, %swap3A_41], %max3A_40 {strides = array<i32>} : memref<800x16xf32, #tpu.memory_space<vmem>>, vector<800x16xf32>,
    return
  }
  func.func @transform_0(%arg0: i32) -> (i32, i32) {
    %c0_i32 = arith.constant 0 : i32
    %c0_i32_0 = arith.constant 0 : i32
    return %arg0, %c0_i32 : i32, i32
  }
  func.func @transform_1(%arg0: i32) -> (i32, i32, i32) {
    %c0_i32 = arith.constant 0 : i32
    %c0_i32_0 = arith.constant 0 : i32
    %c0_i32_1 = arith.constant 0 : i32
    %c0_i32_2 = arith.constant 0 : i32
    return %c0_i32, %c0_i32_0, %c0_i32_1 : i32, i32, i32
  }
  func.func @transform_2(%arg0: i32) -> (i32, i32) {
    %c0_i32 = arith.constant 0 : i32
    %c0_i32_0 = arith.constant 0 : i32
    %c0_i32_1 = arith.constant 0 : i32
    return %c0_i32, %c0_i32_0 : i32, i32
  }
  func.func @transform_3(%arg0: i32) -> (i32, i32) {
    %c0_i32 = arith.constant 0 : i32
    %c0_i32_0 = arith.constant 0 : i32
    %c0_i32_1 = arith.constant 0 : i32
    return %c0_i32, %c0_i32_0 : i32, i32
  }
  func.func @transform_4(%arg0: i32) -> (i32, i32) {
    %c0_i32 = arith.constant 0 : i32
    %c0_i32_0 = arith.constant 0 : i32
    return %arg0, %c0_i32 : i32, i32
  }
  func.func @transform_5(%arg0: i32) -> (i32, i32) {
    %c0_i32 = arith.constant 0 : i32
    %c0_i32_0 = arith.constant 0 : i32
    return %arg0, %c0_i32 : i32, i32
  }
}

</mosaic_0001>

<sc_bundles>
// kernel: kernel.10.cloned.1.call-start
scs
__scs_entry_jumppad:
0x0: {  	(pc) =	sbr.rel $0x88, $3  }
0x1: {  	(tag) =	ssettag $0x0;
	lr =	simm.s32 $0x1  }
0x2: {  	[smem:$0x3F99] =	sst lr;
	_ =	strace $0xD0000000  }
0x3: {  	_ = 	snop  }
0x4: {  	_ = 	snop  }
0x5: {  	_ = 	snop  }
0x6: {  	_ = 	snop  }
0x7: {  	_ = 	snop  }
__scs_overlays_trampoline_lowered:
0x8: {  	[smem:$0x3FA8] =	sst s0  }
0x9: {  	[smem:$0x3FA9] =	sst s1  }
0xa: {  	[smem:$0x3FAA] =	sst s2  }
0xb: {  	[smem:$0x3FAB] =	sst s3  }
0xc: {  	[smem:$0x3FAC] =	sst s4  }
0xd: {  	[smem:$0x3FAD] =	sst s5  }
0xe: {  	[smem:$0x3FAE] =	sst s6  }
0xf: {  	[smem:$0x3FAF] =	sst s7  }
0x10: {  	[smem:$0x3FB0] =	sst s8  }
0x11: {  	[smem:$0x3FB1] =	sst s9;
	s0 =	simm.s32 @!p0 $0x0  }
0x12: {  	s1 =	sld [smem:$0x3F97];
	s0 =	simm.s32 @p0 $0x1  }
0x13: {  	[smem:$0x3FB2] =	sst s0;
	s0 =	simm.s32 @!p1 $0x0  }
0x14: {  	s2 =	sld [smem:$0x3F96];
	s0 =	simm.s32 @p1 $0x1  }
0x15: {  	[smem:$0x3FB3] =	sst s0;
	s0 =	simm.s32 @!p2 $0x0  }
0x16: {  	s3 =	sld [smem:$0x3FDB];
	s0 =	simm.s32 @p2 $0x1  }
0x17: {  	s4 =	simm.s32 $0x1BF5;
	[smem:$0x3FB5] =	sst s0  }
0x18: {  	s0 =	sld [smem:$0x3F98];
	_ =	swait.ge [sflag:s4], $0x0  }
0x19: {  	s7 =	sld [smem:$0x3F99]  }
0x1a: {  	s8 =	sadd.s32 $0xFFFFE003, lr  }
0x1b: {  	s9 =	sadd.s32 $0xFFFFFEF7, lr;
	s5 =	simm.s32 $0xFFFFFFFF;
	p2 =	slt.u32 s8, $0xFFFFF086  }
0x1c: {  	p1 =	slt.u32 s9, $0xF7A;
	s5 =	simm.s32 @!p2 $0x0  }
0x1d: {  	s5 =	simm.s32 @p1 $0x1;
	p0 =	seq.s32 s7, s2  }
0x1e: {  	s7 =	smul.u32 @!p0 $0xF7A, s2;
	p2 =	seq.s32 @!p0 s5, $0x0  }
0x1f: {  	s9 =	smul.u32 $0xF7A, s1;
	s8 =	simm.s32 @!p0 $0x1BF5;
	p2 =	por !p2, p0  }
0x20: {  	[sflag:s8] =	ssyncset.s32 @!p0 $0xFFFFF086;
	s6 =	sadd.s32 @!p0 s3, s7;
	s7 =	simm.s32 @!p0 $0x108  }
0x21: {  	s3 =	sadd.s32 s3, s9;
	s6 =	sadd.s32 @!p0 $0x88, s6;
	s7 =	simm.s32 @p2 $0x1082  }
0x22: {  	[simem:s7], [sflag:s8] =	dma.local @!p0 [hbm:s6], $0xF7A  }
0x23: {  	s9 =	sor.u32 $0xD0000000, s2;
	s6 =	simm.s32 $0x108;
	_ =	swait.ge @!p0 [sflag:s8], $0x0  }
0x24: {  	s3 =	sadd.s32 $0x88, s3;
	s6 =	simm.s32 @!p1 $0x1082;
	[sflag:s4] =	ssyncset.s32 $0xFFFFF086  }
0x25: {  	[simem:s6], [sflag:s4] =	dma.local [hbm:s3], $0xF7A  }
0x26: {  	[smem:$0x3F99] =	sst s1;
	(tag) =	ssettag s2;
	_ =	strace s9  }
0x27: {  	s1 =	sld [smem:$0x3FA9]  }
0x28: {  	s2 =	sld [smem:$0x3FAA]  }
0x29: {  	s4 =	sld [smem:$0x3FAC]  }
0x2a: {  	p0 =	seq.s32 s5, $0x0;
	s5 =	sld [smem:$0x3FAD]  }
0x2b: {  	s6 =	sld [smem:$0x3FAE]  }
0x2c: {  	s7 =	sld [smem:$0x3FAF]  }
0x2d: {  	s3 =	simm.s32 $0x108;
	s8 =	sld [smem:$0x3FB0]  }
0x2e: {  	s3 =	simm.s32 @!p0 $0x1082;
	s9 =	sld [smem:$0x3FB1]  }
0x2f: {  	lr =	sadd.s32 s0, s3;
	s0 =	sld [smem:$0x3FA8]  }
0x30: {  	s3 =	sld [smem:$0x3FAB]  }
0x31: {  	[smem:$0x3FB4] =	sst s10  }
0x32: {  	s10 =	sld [smem:$0x3FB2];
	_ =	sdelay $0x3  }
0x33: {  	p0 =	seq.s32 s10, $0x1;
	s10 =	sld [smem:$0x3FB4];
	_ =	sdelay $0x3  }
0x34: {  	[smem:$0x3FB4] =	sst s10  }
0x35: {  	s10 =	sld [smem:$0x3FB3];
	_ =	sdelay $0x3  }
0x36: {  	p1 =	seq.s32 s10, $0x1;
	s10 =	sld [smem:$0x3FB4];
	_ =	sdelay $0x3  }
0x37: {  	[smem:$0x3FB4] =	sst s10  }
0x38: {  	s10 =	sld [smem:$0x3FB5]  }
0x39: {  	_ = 	snop;
	(pc) =	sbr.ind lr, $3  }
0x3a: {  	_ = 	snop  }
0x3b: {  	_ = 	snop  }
0x3c: {  	p2 =	seq.s32 s10, $0x1;
	s10 =	sld [smem:$0x3FB4]  }
0x3d: {  	_ =	shalt  }
0x3e: {  	_ =	shalt  }
0x3f: {  	_ =	shalt  }
0x40: {  	_ =	shalt  }
0x41: {  	_ =	shalt  }
0x42: {  	_ =	shalt  }
0x43: {  	_ =	shalt  }
0x44: {  	_ =	shalt  }
0x45: {  	_ =	shalt  }
0x46: {  	_ =	shalt  }
0x47: {  	_ =	shalt  }
0x48: {  	_ =	shalt  }
0x49: {  	_ =	shalt  }
0x4a: {  	_ =	shalt  }
0x4b: {  	_ =	shalt  }
0x4c: {  	_ =	shalt  }
0x4d: {  	_ =	shalt  }
0x4e: {  	_ =	shalt  }
0x4f: {  	_ =	shalt  }
0x50: {  	_ =	shalt  }
0x51: {  	_ =	shalt  }
0x52: {  	_ =	shalt  }
0x53: {  	_ =	shalt  }
0x54: {  	_ =	shalt  }
0x55: {  	_ =	shalt  }
0x56: {  	_ =	shalt  }
0x57: {  	_ =	shalt  }
0x58: {  	_ =	shalt  }
0x59: {  	_ =	shalt  }
0x5a: {  	_ =	shalt  }
0x5b: {  	_ =	shalt  }
0x5c: {  	_ =	shalt  }
0x5d: {  	_ =	shalt  }
0x5e: {  	_ =	shalt  }
0x5f: {  	_ =	shalt  }
0x60: {  	_ =	shalt  }
0x61: {  	_ =	shalt  }
0x62: {  	_ =	shalt  }
0x63: {  	_ =	shalt  }
0x64: {  	_ =	shalt  }
0x65: {  	_ =	shalt  }
0x66: {  	_ =	shalt  }
0x67: {  	_ =	shalt  }
0x68: {  	_ =	shalt  }
0x69: {  	_ =	shalt  }
0x6a: {  	_ =	shalt  }
0x6b: {  	_ =	shalt  }
0x6c: {  	_ =	shalt  }
0x6d: {  	_ =	shalt  }
0x6e: {  	_ =	shalt  }
0x6f: {  	_ =	shalt  }
0x70: {  	_ =	shalt  }
0x71: {  	_ =	shalt  }
0x72: {  	_ =	shalt  }
0x73: {  	_ =	shalt  }
0x74: {  	_ =	shalt  }
0x75: {  	_ =	shalt  }
0x76: {  	_ =	shalt  }
0x77: {  	_ =	shalt  }
0x78: {  	_ =	shalt  }
0x79: {  	_ =	shalt  }
0x7a: {  	_ =	shalt  }
0x7b: {  	_ =	shalt  }
0x7c: {  	_ =	shalt  }
0x7d: {  	_ =	shalt  }
0x7e: {  	_ =	shalt  }
0x7f: {  	_ =	shalt  }
0x80: {  	_ =	shalt  }
0x81: {  	_ =	shalt  }
0x82: {  	_ =	shalt  }
0x83: {  	_ =	shalt  }
0x84: {  	_ =	shalt  }
0x85: {  	_ =	shalt  }
0x86: {  	_ =	shalt  }
0x87: {  	_ =	shalt  }
.Lfunc_end0:
.L_simem_size_0:
called_computation.1_lowered:
.L_overlay_start_0:
0x88: {  	s2 =	sld [smem:$0x3FD9]  }
0x89: {  	s3 =	sld [smem:$0x3FFE];
	_ =	sdelay $0x1  }
0x8a: {  	s1 =	srdreg.scid  }
0x8b: {  	s0 =	sand.u32 $0x1, s1  }
0x8c: {  	s17 =	sshll.u32 s0, $0xA;
	s2 =	sadd.s32 s3, s2  }
0x8d: {  	s2 =	sadd.s32 s2, s17  }
0x8e: {  	[smem:$0x3FC0] =	sst s2  }
0x8f: {  	_ = 	snop  }
0x90: {  	s2 =	sld [smem:$0x3FD0];
	(tm) =	ssettm $0x1  }
0x91: {  	s18 =	sld [smem:$0x3FFB];
	_ =	sdelay $0x3  }
0x92: {  	_ =	strace s18  }
0x93: {  	s3 =	sld [smem:$0x3FFC];
	_ =	sdelay $0x3  }
0x94: {  	_ =	strace s3  }
0x95: {  	s3 =	sld [smem:$0x3FFD];
	_ =	sdelay $0x3  }
0x96: {  	_ =	strace s3  }
0x97: {  	_ =	strace $0x8FFFFFFF  }
0x98: {  	s19 =	sld [smem:$0x3FDB];
	_ =	sdelay $0x1  }
0x99: {  	s4 =	simm.s32 $_scs_section_size  }
0x9a: {  	s5 =	simm.s32 $_size__tile_overlayer_lowered;
	s6 =	simm.s32 $_tile_overlayer_lowered  }
0x9b: {  	s22 =	simm.s32 $0x1BFF;
	s21 =	sshll.u32 s6, $0x1;
	s3 =	sadd.s32 s4, s19  }
0x9c: {  	s7 =	simm.s32 $0x0;
	s20 =	sshll.u32 s5, $0x1;
	s5 =	sadd.s32 s21, s3  }
0x9d: {  	[timem:s7], [sflag:s22] =	dma.local [hbm:s5], s20  }
0x9e: {  	_ =	swait.ge [sflag:s22], s20  }
0x9f: {  	s4 =	ssub.s32 $0x0, s20;
	[sflag:s22] =	ssyncset.done $0x0  }
0xa0: {  	[sflag:s22] =	ssyncadd.s32 s4;
	_ =	sdelay $0x1  }
0xa1: {  	s23 =	simm.s32 $0x1B8B  }
0xa2: {  	_ =	swait.ge [sflag:s23], $0x1  }
0xa3: {  	[sflag:s23] =	ssyncset.done $0x0  }
0xa4: {  	s25 =	simm.s32 $0x1B8E;
	s24 =	sld [smem:$0x3FFE];
	[sflag:s23] =	ssyncadd.s32 $0xFFFFFFFF  }
0xa5: {  	s26 =	simm.s32 $execute0_lowered;
	[smem:$0x3FD2] =	sst s25  }
0xa6: {  	s5 =	sshll.u32 s26, $0x1;
	_ =	strace $0x80000049;
	[dreg:$0x1] =	wrdreg $0xFFFFFFFF  }
0xa7: {  	s28 =	simm.s32 $_size_execute0_lowered;
	s3 =	sadd.s32 s3, s5;
	[dreg:$0x0] =	wrdreg $0x0  }
0xa8: {  	s5 =	sshll.u32 s28, $0x1;
	[dreg:$0x2] =	wrdreg s3  }
0xa9: {  	[dreg:$0x3] =	wrdreg s5  }
0xaa: {  	[dreg:$0x4] =	wrdreg $0xC0  }
0xab: {  	_ =	task [dreg:s7], $0x5FFFF  }
0xac: {  	[dreg:$0x1] =	wrdreg $0xFFFFFFFF  }
0xad: {  	[dreg:$0x0] =	wrdreg $0x60  }
0xae: {  	[dreg:$0x2] =	wrdreg s24  }
0xaf: {  	[dreg:$0x3] =	wrdreg s2  }
0xb0: {  	[dreg:$0x4] =	wrdreg $0x9  }
0xb1: {  	_ =	task.clear_ibuf [dreg:s7], $0x5FFFF;
	_ =	strace $0x90000049  }
0xb2: {  	s29 =	simm.s32 $0x9;
	_ =	strace $0x8000004B  }
0xb3: {  	_ =	swait.ge [sflag:s29], $0x1  }
0xb4: {  	[sflag:s29] =	ssyncadd.s32 $0xFFFFFFFF  }
0xb5: {  	_ =	strace $0x9000004B  }
0xb6: {  	_ =	sfence  }
0xb7: {  	s30 =	sld [smem:$0x0];
	_ =	sdelay $0x2  }
0xb8: {  	s31 =	sshll.u32 s1, $0xD;
	s1 =	sshrl.u32 s1, $0x2  }
0xb9: {  	s3 =	sand.u32 $0x4000, s31;
	s1 =	sadd.s32 s1, s30  }
0xba: {  	s0 =	sor.u32 s3, s0;
	s1 =	sshll.u32 s1, $0x11  }
0xbb: {  	s0 =	sor.u32 s1, s0  }
0xbc: {  	s0 =	sadd.s32 $0x8F2B, s0  }
0xbd: {  	[sflag:s0] =	ssyncadd.remote.s32 $0x1  }
0xbe: {  	_ =	sfence.sel $0xFFFF  }
0xbf: {  	[dreg:$0x0] =	wrdreg $0xFFFFFFFF;
	(pc) =	sbr.abs _section_cstart, $3  }
0xc0: {  	[dreg:$0x1] =	wrdreg $0xFFFFFFFF  }
0xc1: {  	_ =	task.clear_ibuf [dreg:s7], $0x2FFFF;
	_ =	strace $0x9FFFFFFF  }
0xc2: {  	(tm) =	ssettm $0x7FFFFFFF  }
0xc3: {  	_ =	shalt  }
tec
execute0_lowered:
.L_overlay_start_1:
0x0: {  	(tag) =	ssettag $0x1  }
0x1: {  	s0 =	rddreg [dreg:$0x0]  }
0x2: {  	s1 =	rddreg [dreg:$0x1];
	s2 =	simm.s32 $0x0  }
0x3: {  	s23 =	srdreg.scid;
	s8 =	stileid.u32;
	s10 =	simm.s32 $0x1  }
0x4: {  	s11 =	simm.s32 $0x80;
	s28 =	simm.s32 $0xA80;
	s29 =	simm.s32 $0xB580  }
0x5: {  	s30 =	simm.s32 $0xB00;
	s31 =	simm.s32 $0xBD80;
	s9 =	simm.s32 $0xC80  }
0x6: {  	s12 =	simm.s32 $0xD00;
	s13 =	simm.s32 $0xDD80;
	s14 =	simm.s32 $0x2  }
0x7: {  	s15 =	simm.s32 $0xE580;
	s16 =	simm.s32 $0x3;
	[smem:$0x7FF] =	sst s2  }
0x8: {  	s18 =	simm.s32 $0x0;
	s3 =	sadd.s32 $0x1614A00, s0;
	s4 =	sadd.s32 $0x61F400, s0  }
0x9: {  	s2 =	sand.u32 $0x1, s23;
	s5 =	sadd.s32 $0x30F400, s0;
	s6 =	sshll.u32 s8, $0x1  }
0xa: {  	s8 =	smul.u32 $0x3100, s8;
	_ =	strace $0x8000004A;
	s24 =	ssub.s32 $0x2, s2  }
0xb: {  	s6 =	sor.u32 s2, s6;
	s2 =	smul.u32 $0x1880, s2;
	s7 =	sshrl.u32 s24, $0x1  }
0xc: {  	s25 =	sshll.u32 s6, $0x2;
	s6 =	smul.u32 $0x1880, s6;
	s0 =	ssub.s32 s24, s7  }
0xd: {  	s1 =	sadd.s32 s1, s25;
	s26 =	sadd.s32 s2, s8;
	s2 =	simm.s32 $0xC580  }
0xe: {  	s7 =	simm.s32 $0xC00;
	s8 =	simm.s32 $0xCD80;
	[dreg:$0x3] =	wrdreg s1  }
0xf: {  	s0 =	smax.u32 s0, $0x1;
	[dreg:$0x5] =	wrdreg s26;
	s26 =	simm.s32 $0xAD80  }
0x10: {  	s1 =	simm.s32 $0xD580;
	[dreg:$0x4] =	wrdreg s0;
	s0 =	simm.s32 $0xB80  }
.LBB2_1:
0x11: {  	[dreg:$0x6] =	wrdreg s18  }
0x12: {  	v0 =	vimm.f32 $0.0e+00;
	s23 =	rddreg [dreg:$0x5];
	v1 =	vimm.f32 $0.0e+00;
	s18 =	simm.s32 $0x0  }
.LBB2_2:
0x13: {  	s17 =	sshll.u32 s18, $0x7  }
0x14: {  	s19 =	sadd.s32 s6, s17  }
0x15: {  	s17 =	smul.u32 $0x1B, s19;
	_ =	sdelay $0x1  }
0x16: {  	s17 =	sshrl.u32 s17, $0x3  }
0x17: {  	s20 =	simm.s32 $0x0;
	s17 =	sadd.s32 s4, s17  }
0x18: {  	[tilespmem:s20], [sflag:$0x1] =	stream.linear.gather [hbm4b:s17+s20], $0xD80, $0x38;
	[tilespmem:$0xEDA0] =	vst v63  }
0x19: {  	_ =	swait.ge [sflag:s10], $0xD80  }
0x1a: {  	[sflag:s10] =	ssyncset.done $0x0  }
0x1b: {  	s22 =	simm.s32 $0xD80;
	[sflag:s10] =	ssyncadd.s32 $0xFFFFF280  }
0x1c: {  	[tilespmem:s22], [sflag:$0x2] =	stream.indirect.gather [hbm4b:s3+s11], $0x10, s20, s11, $0xb8;
	[tilespmem:$0xEDA0] =	vst v63  }
0x1d: {  	s24 =	simm.s32 $0x1580  }
0x1e: {  	[tilespmem:s24], [sflag:$0x2] =	stream.indirect.gather [hbm4b:s3+s11], $0x10, s11, s11, $0xb8;
	[tilespmem:$0xEDA0] =	vst v63  }
0x1f: {  	s25 =	simm.s32 $0x100;
	s21 =	simm.s32 $0x1D80  }
0x20: {  	[tilespmem:s21], [sflag:$0x2] =	stream.indirect.gather [hbm4b:s3+s11], $0x10, s25, s11, $0xb8;
	[tilespmem:$0xEDA0] =	vst v63  }
0x21: {  	s22 =	simm.s32 $0x2580;
	s21 =	simm.s32 $0x180  }
0x22: {  	[tilespmem:s22], [sflag:$0x2] =	stream.indirect.gather [hbm4b:s3+s11], $0x10, s21, s11, $0xb8;
	[tilespmem:$0xEDA0] =	vst v63  }
0x23: {  	s24 =	simm.s32 $0x200;
	s25 =	simm.s32 $0x2D80  }
0x24: {  	[tilespmem:s25], [sflag:$0x2] =	stream.indirect.gather [hbm4b:s3+s11], $0x10, s24, s11, $0xb8;
	[tilespmem:$0xEDA0] =	vst v63  }
0x25: {  	s21 =	simm.s32 $0x280;
	s22 =	simm.s32 $0x3580  }
0x26: {  	[tilespmem:s22], [sflag:$0x2] =	stream.indirect.gather [hbm4b:s3+s11], $0x10, s21, s11, $0xb8;
	[tilespmem:$0xEDA0] =	vst v63  }
0x27: {  	s24 =	simm.s32 $0x300;
	s25 =	simm.s32 $0x3D80  }
0x28: {  	[tilespmem:s25], [sflag:$0x2] =	stream.indirect.gather [hbm4b:s3+s11], $0x10, s24, s11, $0xb8;
	[tilespmem:$0xEDA0] =	vst v63  }
0x29: {  	s21 =	simm.s32 $0x380;
	s22 =	simm.s32 $0x4580  }
0x2a: {  	[tilespmem:s22], [sflag:$0x2] =	stream.indirect.gather [hbm4b:s3+s11], $0x10, s21, s11, $0xb8;
	[tilespmem:$0xEDA0] =	vst v63  }
0x2b: {  	s24 =	simm.s32 $0x400;
	s25 =	simm.s32 $0x4D80  }
0x2c: {  	[tilespmem:s25], [sflag:$0x2] =	stream.indirect.gather [hbm4b:s3+s11], $0x10, s24, s11, $0xb8;
	[tilespmem:$0xEDA0] =	vst v63  }
0x2d: {  	s21 =	simm.s32 $0x480;
	s22 =	simm.s32 $0x5580  }
0x2e: {  	[tilespmem:s22], [sflag:$0x2] =	stream.indirect.gather [hbm4b:s3+s11], $0x10, s21, s11, $0xb8;
	[tilespmem:$0xEDA0] =	vst v63  }
0x2f: {  	s24 =	simm.s32 $0x500;
	s25 =	simm.s32 $0x5D80  }
0x30: {  	[tilespmem:s25], [sflag:$0x2] =	stream.indirect.gather [hbm4b:s3+s11], $0x10, s24, s11, $0xb8;
	[tilespmem:$0xEDA0] =	vst v63  }
0x31: {  	s21 =	simm.s32 $0x580;
	s22 =	simm.s32 $0x6580  }
0x32: {  	[tilespmem:s22], [sflag:$0x2] =	stream.indirect.gather [hbm4b:s3+s11], $0x10, s21, s11, $0xb8;
	[tilespmem:$0xEDA0] =	vst v63  }
0x33: {  	s24 =	simm.s32 $0x600;
	s25 =	simm.s32 $0x6D80  }
0x34: {  	[tilespmem:s25], [sflag:$0x2] =	stream.indirect.gather [hbm4b:s3+s11], $0x10, s24, s11, $0xb8;
	[tilespmem:$0xEDA0] =	vst v63  }
0x35: {  	s21 =	simm.s32 $0x680;
	s22 =	simm.s32 $0x7580  }
0x36: {  	[tilespmem:s22], [sflag:$0x2] =	stream.indirect.gather [hbm4b:s3+s11], $0x10, s21, s11, $0xb8;
	[tilespmem:$0xEDA0] =	vst v63  }
0x37: {  	s24 =	simm.s32 $0x700;
	s25 =	simm.s32 $0x7D80  }
0x38: {  	[tilespmem:s25], [sflag:$0x2] =	stream.indirect.gather [hbm4b:s3+s11], $0x10, s24, s11, $0xb8;
	[tilespmem:$0xEDA0] =	vst v63  }
0x39: {  	s21 =	simm.s32 $0x780;
	s22 =	simm.s32 $0x8580  }
0x3a: {  	[tilespmem:s22], [sflag:$0x2] =	stream.indirect.gather [hbm4b:s3+s11], $0x10, s21, s11, $0xb8;
	[tilespmem:$0xEDA0] =	vst v63  }
0x3b: {  	s24 =	simm.s32 $0x800;
	s25 =	simm.s32 $0x8D80  }
0x3c: {  	[tilespmem:s25], [sflag:$0x2] =	stream.indirect.gather [hbm4b:s3+s11], $0x10, s24, s11, $0xb8;
	[tilespmem:$0xEDA0] =	vst v63  }
0x3d: {  	s21 =	simm.s32 $0x880;
	s22 =	simm.s32 $0x9580  }
0x3e: {  	[tilespmem:s22], [sflag:$0x2] =	stream.indirect.gather [hbm4b:s3+s11], $0x10, s21, s11, $0xb8;
	[tilespmem:$0xEDA0] =	vst v63  }
0x3f: {  	s24 =	simm.s32 $0x900;
	s25 =	simm.s32 $0x9D80  }
0x40: {  	[tilespmem:s25], [sflag:$0x2] =	stream.indirect.gather [hbm4b:s3+s11], $0x10, s24, s11, $0xb8;
	[tilespmem:$0xEDA0] =	vst v63  }
0x41: {  	s22 =	simm.s32 $0x980;
	s24 =	simm.s32 $0xA580  }
0x42: {  	[tilespmem:s24], [sflag:$0x2] =	stream.indirect.gather [hbm4b:s3+s11], $0x10, s22, s11, $0xb8;
	[tilespmem:$0xEDA0] =	vst v63  }
0x43: {  	s25 =	simm.s32 $0xA00  }
0x44: {  	[tilespmem:s26], [sflag:$0x2] =	stream.indirect.gather [hbm4b:s3+s11], $0x10, s25, s11, $0xb8;
	[tilespmem:$0xEDA0] =	vst v63  }
0x45: {  	_ = 	snop  }
0x46: {  	[tilespmem:s29], [sflag:$0x2] =	stream.indirect.gather [hbm4b:s3+s11], $0x10, s28, s11, $0xb8;
	[tilespmem:$0xEDA0] =	vst v63  }
0x47: {  	_ = 	snop  }
0x48: {  	[tilespmem:s31], [sflag:$0x2] =	stream.indirect.gather [hbm4b:s3+s11], $0x10, s30, s11, $0xb8;
	[tilespmem:$0xEDA0] =	vst v63  }
0x49: {  	_ = 	snop  }
0x4a: {  	[tilespmem:s2], [sflag:$0x2] =	stream.indirect.gather [hbm4b:s3+s11], $0x10, s0, s11, $0xb8;
	[tilespmem:$0xEDA0] =	vst v63  }
0x4b: {  	_ = 	snop  }
0x4c: {  	[tilespmem:s8], [sflag:$0x2] =	stream.indirect.gather [hbm4b:s3+s11], $0x10, s7, s11, $0xb8;
	[tilespmem:$0xEDA0] =	vst v63  }
0x4d: {  	_ = 	snop  }
0x4e: {  	[tilespmem:s1], [sflag:$0x2] =	stream.indirect.gather [hbm4b:s3+s11], $0x10, s9, s11, $0xb8;
	[tilespmem:$0xEDA0] =	vst v63  }
0x4f: {  	_ = 	snop  }
0x50: {  	[tilespmem:s13], [sflag:$0x2] =	stream.indirect.gather [hbm4b:s3+s11], $0x10, s12, s11, $0xb8;
	[tilespmem:$0xEDA0] =	vst v63  }
0x51: {  	_ =	swait.ge [sflag:s14], $0x800  }
0x52: {  	[sflag:s14] =	ssyncset.done $0x0  }
0x53: {  	[sflag:s14] =	ssyncadd.s32 $0xFFFFF800  }
0x54: {  	_ =	swait.ge [sflag:s14], $0x800  }
0x55: {  	[sflag:s14] =	ssyncset.done $0x0  }
0x56: {  	[sflag:s14] =	ssyncadd.s32 $0xFFFFF800  }
0x57: {  	_ =	swait.ge [sflag:s14], $0x800  }
0x58: {  	[sflag:s14] =	ssyncset.done $0x0  }
0x59: {  	[sflag:s14] =	ssyncadd.s32 $0xFFFFF800  }
0x5a: {  	_ =	swait.ge [sflag:s14], $0x800  }
0x5b: {  	[sflag:s14] =	ssyncset.done $0x0  }
0x5c: {  	[sflag:s14] =	ssyncadd.s32 $0xFFFFF800  }
0x5d: {  	_ =	swait.ge [sflag:s14], $0x800  }
0x5e: {  	[sflag:s14] =	ssyncset.done $0x0  }
0x5f: {  	[sflag:s14] =	ssyncadd.s32 $0xFFFFF800  }
0x60: {  	_ =	swait.ge [sflag:s14], $0x800  }
0x61: {  	[sflag:s14] =	ssyncset.done $0x0  }
0x62: {  	[sflag:s14] =	ssyncadd.s32 $0xFFFFF800  }
0x63: {  	_ =	swait.ge [sflag:s14], $0x800  }
0x64: {  	[sflag:s14] =	ssyncset.done $0x0  }
0x65: {  	[sflag:s14] =	ssyncadd.s32 $0xFFFFF800  }
0x66: {  	_ =	swait.ge [sflag:s14], $0x800  }
0x67: {  	[sflag:s14] =	ssyncset.done $0x0  }
0x68: {  	[sflag:s14] =	ssyncadd.s32 $0xFFFFF800  }
0x69: {  	_ =	swait.ge [sflag:s14], $0x800  }
0x6a: {  	[sflag:s14] =	ssyncset.done $0x0  }
0x6b: {  	[sflag:s14] =	ssyncadd.s32 $0xFFFFF800  }
0x6c: {  	_ =	swait.ge [sflag:s14], $0x800  }
0x6d: {  	[sflag:s14] =	ssyncset.done $0x0  }
0x6e: {  	[sflag:s14] =	ssyncadd.s32 $0xFFFFF800  }
0x6f: {  	_ =	swait.ge [sflag:s14], $0x800  }
0x70: {  	[sflag:s14] =	ssyncset.done $0x0  }
0x71: {  	[sflag:s14] =	ssyncadd.s32 $0xFFFFF800  }
0x72: {  	_ =	swait.ge [sflag:s14], $0x800  }
0x73: {  	[sflag:s14] =	ssyncset.done $0x0  }
0x74: {  	[sflag:s14] =	ssyncadd.s32 $0xFFFFF800  }
0x75: {  	_ =	swait.ge [sflag:s14], $0x800  }
0x76: {  	[sflag:s14] =	ssyncset.done $0x0  }
0x77: {  	[sflag:s14] =	ssyncadd.s32 $0xFFFFF800  }
0x78: {  	_ =	swait.ge [sflag:s14], $0x800  }
0x79: {  	[sflag:s14] =	ssyncset.done $0x0  }
0x7a: {  	[sflag:s14] =	ssyncadd.s32 $0xFFFFF800  }
0x7b: {  	_ =	swait.ge [sflag:s14], $0x800  }
0x7c: {  	[sflag:s14] =	ssyncset.done $0x0  }
0x7d: {  	[sflag:s14] =	ssyncadd.s32 $0xFFFFF800  }
0x7e: {  	_ =	swait.ge [sflag:s14], $0x800  }
0x7f: {  	[sflag:s14] =	ssyncset.done $0x0  }
0x80: {  	[sflag:s14] =	ssyncadd.s32 $0xFFFFF800  }
0x81: {  	_ =	swait.ge [sflag:s14], $0x800  }
0x82: {  	[sflag:s14] =	ssyncset.done $0x0  }
0x83: {  	[sflag:s14] =	ssyncadd.s32 $0xFFFFF800  }
0x84: {  	_ =	swait.ge [sflag:s14], $0x800  }
0x85: {  	[sflag:s14] =	ssyncset.done $0x0  }
0x86: {  	[sflag:s14] =	ssyncadd.s32 $0xFFFFF800  }
0x87: {  	_ =	swait.ge [sflag:s14], $0x800  }
0x88: {  	[sflag:s14] =	ssyncset.done $0x0  }
0x89: {  	[sflag:s14] =	ssyncadd.s32 $0xFFFFF800  }
0x8a: {  	_ =	swait.ge [sflag:s14], $0x800  }
0x8b: {  	[sflag:s14] =	ssyncset.done $0x0  }
0x8c: {  	[sflag:s14] =	ssyncadd.s32 $0xFFFFF800  }
0x8d: {  	_ =	swait.ge [sflag:s14], $0x800  }
0x8e: {  	[sflag:s14] =	ssyncset.done $0x0  }
0x8f: {  	[sflag:s14] =	ssyncadd.s32 $0xFFFFF800  }
0x90: {  	_ =	swait.ge [sflag:s14], $0x800  }
0x91: {  	[sflag:s14] =	ssyncset.done $0x0  }
0x92: {  	[sflag:s14] =	ssyncadd.s32 $0xFFFFF800  }
0x93: {  	_ =	swait.ge [sflag:s14], $0x800  }
0x94: {  	[sflag:s14] =	ssyncset.done $0x0  }
0x95: {  	[sflag:s14] =	ssyncadd.s32 $0xFFFFF800  }
0x96: {  	_ =	swait.ge [sflag:s14], $0x800  }
0x97: {  	[sflag:s14] =	ssyncset.done $0x0  }
0x98: {  	[sflag:s14] =	ssyncadd.s32 $0xFFFFF800  }
0x99: {  	_ =	swait.ge [sflag:s14], $0x800  }
0x9a: {  	[sflag:s14] =	ssyncset.done $0x0  }
0x9b: {  	[sflag:s14] =	ssyncadd.s32 $0xFFFFF800  }
0x9c: {  	_ =	swait.ge [sflag:s14], $0x800  }
0x9d: {  	[sflag:s14] =	ssyncset.done $0x0  }
0x9e: {  	[sflag:s14] =	ssyncadd.s32 $0xFFFFF800  }
0x9f: {  	_ =	swait.ge [sflag:s14], $0x800  }
0xa0: {  	[sflag:s14] =	ssyncset.done $0x0  }
0xa1: {  	s22 =	simm.s32 $0xE50;
	[sflag:s14] =	ssyncadd.s32 $0xFFFFF800  }
0xa2: {  	v2 =	vld [tilespmem:s22+$0xFFFFFF40]  }
0xa3: {  	v3 =	vld [tilespmem:s22+$0xFFFFFF30];
	_ =	sdelay $0x1  }
0xa4: {  	v4 =	vld [tilespmem:s22+$0xFFFFFF50];
	_ =	sdelay $0x1  }
0xa5: {  	v5 =	vld [tilespmem:s22+$0xFFFFFF60]  }
0xa6: {  	v2 =	vadd.f32 v2, v3  }
0xa7: {  	v3 =	vld [tilespmem:s22+$0xFFFFFF70]  }
0xa8: {  	v2 =	vadd.f32 v4, v2  }
0xa9: {  	v49 =	vld [tilespmem:s22+$0xFFFFFF80]  }
0xaa: {  	v2 =	vadd.f32 v5, v2  }
0xab: {  	v50 =	vld [tilespmem:s22+$0xFFFFFF90]  }
0xac: {  	v2 =	vadd.f32 v3, v2  }
0xad: {  	v3 =	vld [tilespmem:s22+$0xFFFFFFA0]  }
0xae: {  	v2 =	vadd.f32 v49, v2  }
0xaf: {  	v51 =	vld [tilespmem:s22+$0xFFFFFFB0]  }
0xb0: {  	v2 =	vadd.f32 v50, v2  }
0xb1: {  	v52 =	vld [tilespmem:s22+$0xFFFFFFC0]  }
0xb2: {  	v2 =	vadd.f32 v3, v2  }
0xb3: {  	v3 =	vld [tilespmem:s22+$0xFFFFFFD0]  }
0xb4: {  	v2 =	vadd.f32 v51, v2  }
0xb5: {  	v53 =	vld [tilespmem:s22+$0xFFFFFFE0]  }
0xb6: {  	v2 =	vadd.f32 v52, v2  }
0xb7: {  	v54 =	vld [tilespmem:s22+$0xFFFFFFF0]  }
0xb8: {  	v2 =	vadd.f32 v3, v2  }
0xb9: {  	v3 =	vld [tilespmem:s22+$0x0]  }
0xba: {  	v2 =	vadd.f32 v53, v2  }
0xbb: {  	v55 =	vld [tilespmem:s22+$0x10]  }
0xbc: {  	v2 =	vadd.f32 v54, v2  }
0xbd: {  	v56 =	vld [tilespmem:s22+$0x20]  }
0xbe: {  	v2 =	vadd.f32 v3, v2  }
0xbf: {  	v3 =	vld [tilespmem:s22+$0x30]  }
0xc0: {  	v2 =	vadd.f32 v55, v2  }
0xc1: {  	v57 =	vld [tilespmem:s22+$0x40]  }
0xc2: {  	v2 =	vadd.f32 v56, v2  }
0xc3: {  	v58 =	vld [tilespmem:s22+$0x50]  }
0xc4: {  	v2 =	vadd.f32 v3, v2  }
0xc5: {  	v3 =	vld [tilespmem:s22+$0x60]  }
0xc6: {  	v2 =	vadd.f32 v57, v2  }
0xc7: {  	v59 =	vld [tilespmem:s22+$0x70]  }
0xc8: {  	v2 =	vadd.f32 v58, v2  }
0xc9: {  	v60 =	vld [tilespmem:s22+$0x80]  }
0xca: {  	v2 =	vadd.f32 v3, v2  }
0xcb: {  	v3 =	vld [tilespmem:s22+$0x90]  }
0xcc: {  	v2 =	vadd.f32 v59, v2  }
0xcd: {  	v61 =	vld [tilespmem:s22+$0xA0]  }
0xce: {  	v2 =	vadd.f32 v60, v2  }
0xcf: {  	v62 =	vld [tilespmem:s22+$0xB0]  }
0xd0: {  	v2 =	vadd.f32 v3, v2  }
0xd1: {  	v3 =	vld [tilespmem:s22+$0xC0]  }
0xd2: {  	v2 =	vadd.f32 v61, v2  }
0xd3: {  	v63 =	vld [tilespmem:s22+$0xD0]  }
0xd4: {  	v2 =	vadd.f32 v62, v2;
	_ =	sdelay $0x1  }
0xd5: {  	v2 =	vadd.f32 v3, v2  }
0xd6: {  	p1 =	slt.u32 s23, $0x30D40  }
0xd7: {  	s17 =	smov.u32 s23;
	s21 =	simm.s32 $0x40;
	s24 =	simm.s32 $0x80;
	v2 =	vadd.f32 v63, v2  }
.LBB2_3:
0xd8: {  	s25 =	simm.f32 $1.000000000e+00  }
0xd9: {  	p0 =	sne.s32 s24, $0x1FC0;
	s20 =	sshra.s32 s20, $0x2;
	s25 =	simm.s32 @!p1 $0x0  }
0xda: {  	s22 =	sadd.s32 $0x1B0, s22;
	[tilespmem:s20+$0xE580] =	vst v2;
	v3 =	vmul.f32 s25, v2;
	v2 =	vmul.f32 v2, v2;
	s20 =	smov.u32 s21;
	s21 =	smov.u32 s24  }
0xdb: {  	v4 =	vld [tilespmem:s22+$0xFFFFFF40]  }
0xdc: {  	v5 =	vld [tilespmem:s22+$0xFFFFFF30];
	v1 =	vadd.f32 v3, v1;
	v2 =	vmul.f32 s25, v2;
	_ =	sdelay $0x1  }
0xdd: {  	v3 =	vld [tilespmem:s22+$0xFFFFFF50];
	v0 =	vadd.f32 v2, v0;
	_ =	sdelay $0x1  }
0xde: {  	v2 =	vld [tilespmem:s22+$0xFFFFFF60]  }
0xdf: {  	v4 =	vadd.f32 v4, v5  }
0xe0: {  	v5 =	vld [tilespmem:s22+$0xFFFFFF70]  }
0xe1: {  	v3 =	vadd.f32 v3, v4  }
0xe2: {  	v4 =	vld [tilespmem:s22+$0xFFFFFF80]  }
0xe3: {  	v2 =	vadd.f32 v2, v3  }
0xe4: {  	v3 =	vld [tilespmem:s22+$0xFFFFFF90]  }
0xe5: {  	v2 =	vadd.f32 v5, v2  }
0xe6: {  	v5 =	vld [tilespmem:s22+$0xFFFFFFA0]  }
0xe7: {  	v2 =	vadd.f32 v4, v2  }
0xe8: {  	v4 =	vld [tilespmem:s22+$0xFFFFFFB0]  }
0xe9: {  	v2 =	vadd.f32 v3, v2  }
0xea: {  	v3 =	vld [tilespmem:s22+$0xFFFFFFC0]  }
0xeb: {  	v2 =	vadd.f32 v5, v2  }
0xec: {  	v5 =	vld [tilespmem:s22+$0xFFFFFFD0]  }
0xed: {  	v2 =	vadd.f32 v4, v2  }
0xee: {  	v4 =	vld [tilespmem:s22+$0xFFFFFFE0]  }
0xef: {  	v2 =	vadd.f32 v3, v2  }
0xf0: {  	v3 =	vld [tilespmem:s22+$0xFFFFFFF0]  }
0xf1: {  	v2 =	vadd.f32 v5, v2  }
0xf2: {  	v5 =	vld [tilespmem:s22+$0x0]  }
0xf3: {  	v2 =	vadd.f32 v4, v2  }
0xf4: {  	v4 =	vld [tilespmem:s22+$0x10]  }
0xf5: {  	v2 =	vadd.f32 v3, v2  }
0xf6: {  	v3 =	vld [tilespmem:s22+$0x20]  }
0xf7: {  	v2 =	vadd.f32 v5, v2  }
0xf8: {  	v5 =	vld [tilespmem:s22+$0x30]  }
0xf9: {  	v2 =	vadd.f32 v4, v2  }
0xfa: {  	v4 =	vld [tilespmem:s22+$0x40]  }
0xfb: {  	v2 =	vadd.f32 v3, v2  }
0xfc: {  	v3 =	vld [tilespmem:s22+$0x50]  }
0xfd: {  	v2 =	vadd.f32 v5, v2  }
0xfe: {  	v5 =	vld [tilespmem:s22+$0x60]  }
0xff: {  	v2 =	vadd.f32 v4, v2  }
0x100: {  	v4 =	vld [tilespmem:s22+$0x70]  }
0x101: {  	v2 =	vadd.f32 v3, v2  }
0x102: {  	v3 =	vld [tilespmem:s22+$0x80]  }
0x103: {  	v2 =	vadd.f32 v5, v2  }
0x104: {  	v5 =	vld [tilespmem:s22+$0x90]  }
0x105: {  	v2 =	vadd.f32 v4, v2  }
0x106: {  	v4 =	vld [tilespmem:s22+$0xA0]  }
0x107: {  	v2 =	vadd.f32 v3, v2  }
0x108: {  	v3 =	vld [tilespmem:s22+$0xB0]  }
0x109: {  	v2 =	vadd.f32 v5, v2  }
0x10a: {  	v5 =	vld [tilespmem:s22+$0xC0]  }
0x10b: {  	v2 =	vadd.f32 v4, v2  }
0x10c: {  	v4 =	vld [tilespmem:s22+$0xD0]  }
.Ltmp0:
0x10d: {  	v2 =	vadd.f32 v3, v2;
	(pc) =	sbr.rel @p0 .LBB2_3-.Ltmp0, $4  }
0x10e: {  	_ = 	snop  }
0x10f: {  	v2 =	vadd.f32 v5, v2  }
0x110: {  	s17 =	sadd.s32 $0x1, s17  }
0x111: {  	p1 =	slt.u32 s17, $0x30D40;
	s24 =	sadd.s32 $0x40, s24;
	v2 =	vadd.f32 v4, v2  }
0x112: {  	s20 =	sshra.s32 s20, $0x2  }
0x113: {  	s25 =	sadd.s32 $0x1B0, s22;
	[tilespmem:s20+$0xE580] =	vst v2  }
0x114: {  	v3 =	vld [tilespmem:s25+$0xFFFFFF40]  }
0x115: {  	v4 =	vld [tilespmem:s25+$0xFFFFFF30];
	_ =	sdelay $0x1  }
0x116: {  	v5 =	vld [tilespmem:s25+$0xFFFFFF50];
	_ =	sdelay $0x1  }
0x117: {  	v6 =	vld [tilespmem:s25+$0xFFFFFF60]  }
0x118: {  	v3 =	vadd.f32 v3, v4  }
0x119: {  	v40 =	vld [tilespmem:s25+$0xFFFFFF70]  }
0x11a: {  	v3 =	vadd.f32 v5, v3  }
0x11b: {  	v41 =	vld [tilespmem:s25+$0xFFFFFF80]  }
0x11c: {  	v3 =	vadd.f32 v6, v3  }
0x11d: {  	v42 =	vld [tilespmem:s25+$0xFFFFFF90]  }
0x11e: {  	v3 =	vadd.f32 v40, v3  }
0x11f: {  	v43 =	vld [tilespmem:s25+$0xFFFFFFA0]  }
0x120: {  	v3 =	vadd.f32 v41, v3  }
0x121: {  	v44 =	vld [tilespmem:s25+$0xFFFFFFB0]  }
0x122: {  	v3 =	vadd.f32 v42, v3  }
0x123: {  	v45 =	vld [tilespmem:s25+$0xFFFFFFC0]  }
0x124: {  	v3 =	vadd.f32 v43, v3  }
0x125: {  	v46 =	vld [tilespmem:s25+$0xFFFFFFD0]  }
0x126: {  	v3 =	vadd.f32 v44, v3  }
0x127: {  	v47 =	vld [tilespmem:s25+$0xFFFFFFE0]  }
0x128: {  	v3 =	vadd.f32 v45, v3  }
0x129: {  	v48 =	vld [tilespmem:s25+$0xFFFFFFF0]  }
0x12a: {  	v3 =	vadd.f32 v46, v3  }
0x12b: {  	v49 =	vld [tilespmem:s25+$0x0]  }
0x12c: {  	v3 =	vadd.f32 v47, v3  }
0x12d: {  	v50 =	vld [tilespmem:s25+$0x10]  }
0x12e: {  	v3 =	vadd.f32 v48, v3  }
0x12f: {  	v51 =	vld [tilespmem:s25+$0x20]  }
0x130: {  	v3 =	vadd.f32 v49, v3  }
0x131: {  	v52 =	vld [tilespmem:s25+$0x30]  }
0x132: {  	v3 =	vadd.f32 v50, v3  }
0x133: {  	v53 =	vld [tilespmem:s25+$0x40]  }
0x134: {  	v3 =	vadd.f32 v51, v3  }
0x135: {  	v54 =	vld [tilespmem:s25+$0x50]  }
0x136: {  	v3 =	vadd.f32 v52, v3  }
0x137: {  	v55 =	vld [tilespmem:s25+$0x60]  }
0x138: {  	v3 =	vadd.f32 v53, v3  }
0x139: {  	v56 =	vld [tilespmem:s25+$0x70]  }
0x13a: {  	v3 =	vadd.f32 v54, v3  }
0x13b: {  	v57 =	vld [tilespmem:s25+$0x80]  }
0x13c: {  	v3 =	vadd.f32 v55, v3  }
0x13d: {  	v58 =	vld [tilespmem:s25+$0x90]  }
0x13e: {  	v3 =	vadd.f32 v56, v3  }
0x13f: {  	v59 =	vld [tilespmem:s25+$0xA0]  }
0x140: {  	v3 =	vadd.f32 v57, v3  }
0x141: {  	v60 =	vld [tilespmem:s25+$0xB0]  }
0x142: {  	v3 =	vadd.f32 v58, v3  }
0x143: {  	v61 =	vld [tilespmem:s25+$0xC0]  }
0x144: {  	v3 =	vadd.f32 v59, v3  }
0x145: {  	v62 =	vld [tilespmem:s25+$0xD0]  }
0x146: {  	v3 =	vadd.f32 v60, v3;
	_ =	sdelay $0x1  }
0x147: {  	s17 =	sadd.s32 $0x1, s17;
	v3 =	vadd.f32 v61, v3  }
0x148: {  	s22 =	sshra.s32 s21, $0x2;
	s21 =	simm.f32 $1.000000000e+00;
	s20 =	simm.f32 $1.000000000e+00  }
0x149: {  	s18 =	sadd.s32 $0x1, s18;
	v63 =	vmul.f32 v2, v2;
	p0 =	slt.u32 s17, $0x30D40;
	s20 =	simm.s32 @!p1 $0x0;
	v3 =	vadd.f32 v62, v3  }
0x14a: {  	s19 =	sshll.u32 s19, $0x1;
	s21 =	simm.s32 @!p0 $0x0;
	p0 =	sne.s32 s18, $0x31;
	v2 =	vmul.f32 s20, v2  }
.Ltmp1:
0x14b: {  	s24 =	sadd.s32 s5, s19;
	s25 =	simm.s32 $0x0;
	v4 =	vmul.f32 s20, v63;
	[tilespmem:s22+$0xE580] =	vst v3;
	v5 =	vmul.f32 v3, v3;
	(pc) =	sbr.rel @p0 .LBB2_2-.Ltmp1, $4  }
0x14c: {  	v1 =	vadd.f32 v2, v1;
	[hbm4b:s24+s25] =	stream.linear.scatter [tilespmem:s15], [sflag:$0x3], $0x800, $0x38;
	[tilespmem:$0xEDA0] =	vst v63  }
0x14d: {  	v0 =	vadd.f32 v4, v0;
	v2 =	vmul.f32 s21, v3;
	v3 =	vmul.f32 s21, v5;
	_ =	swait.ge [sflag:s16], $0x800  }
0x14e: {  	[sflag:s16] =	ssyncset.done $0x0  }
0x14f: {  	s23 =	sadd.s32 $0x80, s23;
	v1 =	vadd.f32 v2, v1;
	v0 =	vadd.f32 v3, v0;
	[sflag:s16] =	ssyncadd.s32 $0xFFFFF800  }
0x150: {  	_ = 	snop  }
0x151: {  	[tilespmem:$0xED80] =	vst v1  }
0x152: {  	s17 =	simm.s32 $0x0;
	s18 =	rddreg [dreg:$0x3];
	s19 =	simm.s32 $0xED80;
	[tilespmem:$0xED90] =	vst v0  }
0x153: {  	[hbm4b:s18+s17] =	stream.linear.scatter [tilespmem:s19], [sflag:$0x3], $0x20, $0x38;
	[tilespmem:$0xEDA0] =	vst v63  }
0x154: {  	_ =	swait.ge [sflag:s16], $0x20  }
0x155: {  	s24 =	rddreg [dreg:$0x6]  }
0x156: {  	s25 =	rddreg [dreg:$0x4];
	s18 =	sadd.s32 $0x1, s24  }
0x157: {  	p0 =	sne.s32 s18, s25  }
.Ltmp2:
0x158: {  	_ = 	snop;
	(pc) =	sbr.rel @p0 .LBB2_1-.Ltmp2, $3  }
0x159: {  	_ =	sdelay $0x1  }
0x15a: {  	[sflag:s16] =	ssyncset.done $0x0  }
0x15b: {  	[sflag:s16] =	ssyncadd.s32 $0xFFFFFFE0  }
0x15c: {  	_ =	sfence.sel $0x180000  }
0x15d: {  	[bflag:$0x0] =	sbarrier.arrive $0xFFFF  }
0x15e: {  	_ =	strace $0x9000004A  }
0x15f: {  	s0 =	stileid.u32;
	[bflag:$0x2] =	sbarrier.arrive $0xFFFF  }
0x160: {  	p0 =	sne.s32 s0, $0x0;
	s0 =	rddreg [dreg:$0x2]  }
0x161: {  	s0 =	sadd.s32 @!p0 $0x100000, s0  }
0x162: {  	[sflag:s0] =	ssyncadd.tile.s32 @!p0 $0x1;
	_ =	shalt  }
.Lfunc_end2:
_tile_overlayer_lowered:
.L_overlay_start_2:
0x163: {  	(tag) =	ssettag $0x2  }
0x164: {  	s0 =	rddreg [dreg:$0x0];
	s2 =	stileid.u32  }
0x165: {  	s1 =	rddreg [dreg:$0x1];
	p0 =	sne.s32 s2, $0x0  }
0x166: {  	s3 =	rddreg [dreg:$0x2];
	[bflag:$0x3] =	sbarrier.arrive $0xFFFF;
	s2 =	simm.s32 @!p0 $0x1C03  }
0x167: {  	[timem:s3], [sflag:s2] =	dma.local @!p0 [hbm:s0], s1  }
0x168: {  	s0 =	simm.s32 @!p0 $0x3  }
0x169: {  	_ =	swait.ge @!p0 [sflag:s0], s1  }
0x16a: {  	s1 =	ssub.s32 @!p0 $0x0, s1;
	[sflag:s0] =	ssyncset.done @!p0 $0x0  }
0x16b: {  	[sflag:s0] =	ssyncadd.s32 @!p0 s1  }
0x16c: {  	[bflag:$0x3] =	sbarrier.arrive $0xFFFF  }
0x16d: {  	_ =	shalt  }

// kernel: kernel.7.cloned.1.call-start
scs
__scs_entry_jumppad:
0x0: {  	(pc) =	sbr.rel $0x88, $3  }
0x1: {  	(tag) =	ssettag $0x0;
	lr =	simm.s32 $0x1  }
0x2: {  	[smem:$0x3F99] =	sst lr;
	_ =	strace $0xD0000000  }
0x3: {  	_ = 	snop  }
0x4: {  	_ = 	snop  }
0x5: {  	_ = 	snop  }
0x6: {  	_ = 	snop  }
0x7: {  	_ = 	snop  }
__scs_overlays_trampoline_lowered:
0x8: {  	[smem:$0x3FA8] =	sst s0  }
0x9: {  	[smem:$0x3FA9] =	sst s1  }
0xa: {  	[smem:$0x3FAA] =	sst s2  }
0xb: {  	[smem:$0x3FAB] =	sst s3  }
0xc: {  	[smem:$0x3FAC] =	sst s4  }
0xd: {  	[smem:$0x3FAD] =	sst s5  }
0xe: {  	[smem:$0x3FAE] =	sst s6  }
0xf: {  	[smem:$0x3FAF] =	sst s7  }
0x10: {  	[smem:$0x3FB0] =	sst s8  }
0x11: {  	[smem:$0x3FB1] =	sst s9;
	s0 =	simm.s32 @!p0 $0x0  }
0x12: {  	s1 =	sld [smem:$0x3F97];
	s0 =	simm.s32 @p0 $0x1  }
0x13: {  	[smem:$0x3FB2] =	sst s0;
	s0 =	simm.s32 @!p1 $0x0  }
0x14: {  	s2 =	sld [smem:$0x3F96];
	s0 =	simm.s32 @p1 $0x1  }
0x15: {  	[smem:$0x3FB3] =	sst s0;
	s0 =	simm.s32 @!p2 $0x0  }
0x16: {  	s3 =	sld [smem:$0x3FDB];
	s0 =	simm.s32 @p2 $0x1  }
0x17: {  	s4 =	simm.s32 $0x1BF5;
	[smem:$0x3FB5] =	sst s0  }
0x18: {  	s0 =	sld [smem:$0x3F98];
	_ =	swait.ge [sflag:s4], $0x0  }
0x19: {  	s7 =	sld [smem:$0x3F99]  }
0x1a: {  	s8 =	sadd.s32 $0xFFFFE003, lr  }
0x1b: {  	s9 =	sadd.s32 $0xFFFFFEF7, lr;
	s5 =	simm.s32 $0xFFFFFFFF;
	p2 =	slt.u32 s8, $0xFFFFF086  }
0x1c: {  	p1 =	slt.u32 s9, $0xF7A;
	s5 =	simm.s32 @!p2 $0x0  }
0x1d: {  	s5 =	simm.s32 @p1 $0x1;
	p0 =	seq.s32 s7, s2  }
0x1e: {  	s7 =	smul.u32 @!p0 $0xF7A, s2;
	p2 =	seq.s32 @!p0 s5, $0x0  }
0x1f: {  	s9 =	smul.u32 $0xF7A, s1;
	s8 =	simm.s32 @!p0 $0x1BF5;
	p2 =	por !p2, p0  }
0x20: {  	[sflag:s8] =	ssyncset.s32 @!p0 $0xFFFFF086;
	s6 =	sadd.s32 @!p0 s3, s7;
	s7 =	simm.s32 @!p0 $0x108  }
0x21: {  	s3 =	sadd.s32 s3, s9;
	s6 =	sadd.s32 @!p0 $0x88, s6;
	s7 =	simm.s32 @p2 $0x1082  }
0x22: {  	[simem:s7], [sflag:s8] =	dma.local @!p0 [hbm:s6], $0xF7A  }
0x23: {  	s9 =	sor.u32 $0xD0000000, s2;
	s6 =	simm.s32 $0x108;
	_ =	swait.ge @!p0 [sflag:s8], $0x0  }
0x24: {  	s3 =	sadd.s32 $0x88, s3;
	s6 =	simm.s32 @!p1 $0x1082;
	[sflag:s4] =	ssyncset.s32 $0xFFFFF086  }
0x25: {  	[simem:s6], [sflag:s4] =	dma.local [hbm:s3], $0xF7A  }
0x26: {  	[smem:$0x3F99] =	sst s1;
	(tag) =	ssettag s2;
	_ =	strace s9  }
0x27: {  	s1 =	sld [smem:$0x3FA9]  }
0x28: {  	s2 =	sld [smem:$0x3FAA]  }
0x29: {  	s4 =	sld [smem:$0x3FAC]  }
0x2a: {  	p0 =	seq.s32 s5, $0x0;
	s5 =	sld [smem:$0x3FAD]  }
0x2b: {  	s6 =	sld [smem:$0x3FAE]  }
0x2c: {  	s7 =	sld [smem:$0x3FAF]  }
0x2d: {  	s3 =	simm.s32 $0x108;
	s8 =	sld [smem:$0x3FB0]  }
0x2e: {  	s3 =	simm.s32 @!p0 $0x1082;
	s9 =	sld [smem:$0x3FB1]  }
0x2f: {  	lr =	sadd.s32 s0, s3;
	s0 =	sld [smem:$0x3FA8]  }
0x30: {  	s3 =	sld [smem:$0x3FAB]  }
0x31: {  	[smem:$0x3FB4] =	sst s10  }
0x32: {  	s10 =	sld [smem:$0x3FB2];
	_ =	sdelay $0x3  }
0x33: {  	p0 =	seq.s32 s10, $0x1;
	s10 =	sld [smem:$0x3FB4];
	_ =	sdelay $0x3  }
0x34: {  	[smem:$0x3FB4] =	sst s10  }
0x35: {  	s10 =	sld [smem:$0x3FB3];
	_ =	sdelay $0x3  }
0x36: {  	p1 =	seq.s32 s10, $0x1;
	s10 =	sld [smem:$0x3FB4];
	_ =	sdelay $0x3  }
0x37: {  	[smem:$0x3FB4] =	sst s10  }
0x38: {  	s10 =	sld [smem:$0x3FB5]  }
0x39: {  	_ = 	snop;
	(pc) =	sbr.ind lr, $3  }
0x3a: {  	_ = 	snop  }
0x3b: {  	_ = 	snop  }
0x3c: {  	p2 =	seq.s32 s10, $0x1;
	s10 =	sld [smem:$0x3FB4]  }
0x3d: {  	_ =	shalt  }
0x3e: {  	_ =	shalt  }
0x3f: {  	_ =	shalt  }
0x40: {  	_ =	shalt  }
0x41: {  	_ =	shalt  }
0x42: {  	_ =	shalt  }
0x43: {  	_ =	shalt  }
0x44: {  	_ =	shalt  }
0x45: {  	_ =	shalt  }
0x46: {  	_ =	shalt  }
0x47: {  	_ =	shalt  }
0x48: {  	_ =	shalt  }
0x49: {  	_ =	shalt  }
0x4a: {  	_ =	shalt  }
0x4b: {  	_ =	shalt  }
0x4c: {  	_ =	shalt  }
0x4d: {  	_ =	shalt  }
0x4e: {  	_ =	shalt  }
0x4f: {  	_ =	shalt  }
0x50: {  	_ =	shalt  }
0x51: {  	_ =	shalt  }
0x52: {  	_ =	shalt  }
0x53: {  	_ =	shalt  }
0x54: {  	_ =	shalt  }
0x55: {  	_ =	shalt  }
0x56: {  	_ =	shalt  }
0x57: {  	_ =	shalt  }
0x58: {  	_ =	shalt  }
0x59: {  	_ =	shalt  }
0x5a: {  	_ =	shalt  }
0x5b: {  	_ =	shalt  }
0x5c: {  	_ =	shalt  }
0x5d: {  	_ =	shalt  }
0x5e: {  	_ =	shalt  }
0x5f: {  	_ =	shalt  }
0x60: {  	_ =	shalt  }
0x61: {  	_ =	shalt  }
0x62: {  	_ =	shalt  }
0x63: {  	_ =	shalt  }
0x64: {  	_ =	shalt  }
0x65: {  	_ =	shalt  }
0x66: {  	_ =	shalt  }
0x67: {  	_ =	shalt  }
0x68: {  	_ =	shalt  }
0x69: {  	_ =	shalt  }
0x6a: {  	_ =	shalt  }
0x6b: {  	_ =	shalt  }
0x6c: {  	_ =	shalt  }
0x6d: {  	_ =	shalt  }
0x6e: {  	_ =	shalt  }
0x6f: {  	_ =	shalt  }
0x70: {  	_ =	shalt  }
0x71: {  	_ =	shalt  }
0x72: {  	_ =	shalt  }
0x73: {  	_ =	shalt  }
0x74: {  	_ =	shalt  }
0x75: {  	_ =	shalt  }
0x76: {  	_ =	shalt  }
0x77: {  	_ =	shalt  }
0x78: {  	_ =	shalt  }
0x79: {  	_ =	shalt  }
0x7a: {  	_ =	shalt  }
0x7b: {  	_ =	shalt  }
0x7c: {  	_ =	shalt  }
0x7d: {  	_ =	shalt  }
0x7e: {  	_ =	shalt  }
0x7f: {  	_ =	shalt  }
0x80: {  	_ =	shalt  }
0x81: {  	_ =	shalt  }
0x82: {  	_ =	shalt  }
0x83: {  	_ =	shalt  }
0x84: {  	_ =	shalt  }
0x85: {  	_ =	shalt  }
0x86: {  	_ =	shalt  }
0x87: {  	_ =	shalt  }
.Lfunc_end0:
.L_simem_size_0:
called_computation_lowered:
.L_overlay_start_0:
0x88: {  	s2 =	sld [smem:$0x3FD9]  }
0x89: {  	s3 =	sld [smem:$0x3FFE];
	_ =	sdelay $0x1  }
0x8a: {  	s1 =	srdreg.scid  }
0x8b: {  	s0 =	sand.u32 $0x1, s1  }
0x8c: {  	s17 =	sshll.u32 s0, $0xA;
	s2 =	sadd.s32 s3, s2  }
0x8d: {  	s2 =	sadd.s32 s2, s17  }
0x8e: {  	[smem:$0x3FC0] =	sst s2  }
0x8f: {  	_ = 	snop  }
0x90: {  	s2 =	sld [smem:$0x3FD0];
	(tm) =	ssettm $0x1  }
0x91: {  	s18 =	sld [smem:$0x3FFB];
	_ =	sdelay $0x3  }
0x92: {  	_ =	strace s18  }
0x93: {  	s3 =	sld [smem:$0x3FFC];
	_ =	sdelay $0x3  }
0x94: {  	_ =	strace s3  }
0x95: {  	s3 =	sld [smem:$0x3FFD];
	_ =	sdelay $0x3  }
0x96: {  	_ =	strace s3  }
0x97: {  	_ =	strace $0x8FFFFFFF  }
0x98: {  	s19 =	sld [smem:$0x3FDB];
	_ =	sdelay $0x1  }
0x99: {  	s4 =	simm.s32 $_scs_section_size  }
0x9a: {  	s5 =	simm.s32 $_size__tile_overlayer_lowered;
	s6 =	simm.s32 $_tile_overlayer_lowered  }
0x9b: {  	s22 =	simm.s32 $0x1BFF;
	s21 =	sshll.u32 s6, $0x1;
	s3 =	sadd.s32 s4, s19  }
0x9c: {  	s7 =	simm.s32 $0x0;
	s20 =	sshll.u32 s5, $0x1;
	s5 =	sadd.s32 s21, s3  }
0x9d: {  	[timem:s7], [sflag:s22] =	dma.local [hbm:s5], s20  }
0x9e: {  	_ =	swait.ge [sflag:s22], s20  }
0x9f: {  	s4 =	ssub.s32 $0x0, s20;
	[sflag:s22] =	ssyncset.done $0x0  }
0xa0: {  	[sflag:s22] =	ssyncadd.s32 s4;
	_ =	sdelay $0x1  }
0xa1: {  	s23 =	simm.s32 $0x1B8B  }
0xa2: {  	_ =	swait.ge [sflag:s23], $0x1  }
0xa3: {  	[sflag:s23] =	ssyncset.done $0x0  }
0xa4: {  	s25 =	simm.s32 $0x1B8E;
	s24 =	sld [smem:$0x3FFE];
	[sflag:s23] =	ssyncadd.s32 $0xFFFFFFFF  }
0xa5: {  	s26 =	simm.s32 $execute0_lowered;
	[smem:$0x3FD2] =	sst s25  }
0xa6: {  	s5 =	sshll.u32 s26, $0x1;
	_ =	strace $0x80000046;
	[dreg:$0x1] =	wrdreg $0xFFFFFFFF  }
0xa7: {  	s28 =	simm.s32 $_size_execute0_lowered;
	s3 =	sadd.s32 s3, s5;
	[dreg:$0x0] =	wrdreg $0x0  }
0xa8: {  	s5 =	sshll.u32 s28, $0x1;
	[dreg:$0x2] =	wrdreg s3  }
0xa9: {  	[dreg:$0x3] =	wrdreg s5  }
0xaa: {  	[dreg:$0x4] =	wrdreg $0xC0  }
0xab: {  	_ =	task [dreg:s7], $0x5FFFF  }
0xac: {  	[dreg:$0x1] =	wrdreg $0xFFFFFFFF  }
0xad: {  	[dreg:$0x0] =	wrdreg $0x60  }
0xae: {  	[dreg:$0x2] =	wrdreg s24  }
0xaf: {  	[dreg:$0x3] =	wrdreg s2  }
0xb0: {  	[dreg:$0x4] =	wrdreg $0x9  }
0xb1: {  	_ =	task.clear_ibuf [dreg:s7], $0x5FFFF;
	_ =	strace $0x90000046  }
0xb2: {  	s29 =	simm.s32 $0x9;
	_ =	strace $0x80000048  }
0xb3: {  	_ =	swait.ge [sflag:s29], $0x1  }
0xb4: {  	[sflag:s29] =	ssyncadd.s32 $0xFFFFFFFF  }
0xb5: {  	_ =	strace $0x90000048  }
0xb6: {  	_ =	sfence  }
0xb7: {  	s30 =	sld [smem:$0x0];
	_ =	sdelay $0x2  }
0xb8: {  	s31 =	sshll.u32 s1, $0xD;
	s1 =	sshrl.u32 s1, $0x2  }
0xb9: {  	s3 =	sand.u32 $0x4000, s31;
	s1 =	sadd.s32 s1, s30  }
0xba: {  	s0 =	sor.u32 s3, s0;
	s1 =	sshll.u32 s1, $0x11  }
0xbb: {  	s0 =	sor.u32 s1, s0  }
0xbc: {  	s0 =	sadd.s32 $0x8F2B, s0  }
0xbd: {  	[sflag:s0] =	ssyncadd.remote.s32 $0x1  }
0xbe: {  	_ =	sfence.sel $0xFFFF  }
0xbf: {  	[dreg:$0x0] =	wrdreg $0xFFFFFFFF;
	(pc) =	sbr.abs _section_cstart, $3  }
0xc0: {  	[dreg:$0x1] =	wrdreg $0xFFFFFFFF  }
0xc1: {  	_ =	task.clear_ibuf [dreg:s7], $0x2FFFF;
	_ =	strace $0x9FFFFFFF  }
0xc2: {  	(tm) =	ssettm $0x7FFFFFFF  }
0xc3: {  	_ =	shalt  }
tec
execute0_lowered:
.L_overlay_start_1:
0x0: {  	(tag) =	ssettag $0x1  }
0x1: {  	s0 =	rddreg [dreg:$0x0]  }
0x2: {  	s1 =	rddreg [dreg:$0x1];
	s2 =	simm.s32 $0x0  }
0x3: {  	s23 =	srdreg.scid;
	s8 =	stileid.u32;
	s10 =	simm.s32 $0x1  }
0x4: {  	s11 =	simm.s32 $0x80;
	s28 =	simm.s32 $0xA80;
	s29 =	simm.s32 $0xB580  }
0x5: {  	s30 =	simm.s32 $0xB00;
	s31 =	simm.s32 $0xBD80;
	s9 =	simm.s32 $0xC80  }
0x6: {  	s12 =	simm.s32 $0xD00;
	s13 =	simm.s32 $0xDD80;
	s14 =	simm.s32 $0x2  }
0x7: {  	s15 =	simm.s32 $0xE580;
	s16 =	simm.s32 $0x3;
	[smem:$0x7FF] =	sst s2  }
0x8: {  	s18 =	simm.s32 $0x0;
	s3 =	sadd.s32 $0x125F400, s0;
	s4 =	sadd.s32 $0x61F400, s0  }
0x9: {  	s2 =	sand.u32 $0x1, s23;
	s5 =	sadd.s32 $0x30F400, s0;
	s6 =	sshll.u32 s8, $0x1  }
0xa: {  	s8 =	smul.u32 $0x3100, s8;
	_ =	strace $0x80000047;
	s24 =	ssub.s32 $0x2, s2  }
0xb: {  	s6 =	sor.u32 s2, s6;
	s2 =	smul.u32 $0x1880, s2;
	s7 =	sshrl.u32 s24, $0x1  }
0xc: {  	s25 =	sshll.u32 s6, $0x2;
	s6 =	smul.u32 $0x1880, s6;
	s0 =	ssub.s32 s24, s7  }
0xd: {  	s1 =	sadd.s32 s1, s25;
	s26 =	sadd.s32 s2, s8;
	s2 =	simm.s32 $0xC580  }
0xe: {  	s7 =	simm.s32 $0xC00;
	s8 =	simm.s32 $0xCD80;
	[dreg:$0x3] =	wrdreg s1  }
0xf: {  	s0 =	smax.u32 s0, $0x1;
	[dreg:$0x5] =	wrdreg s26;
	s26 =	simm.s32 $0xAD80  }
0x10: {  	s1 =	simm.s32 $0xD580;
	[dreg:$0x4] =	wrdreg s0;
	s0 =	simm.s32 $0xB80  }
.LBB2_1:
0x11: {  	[dreg:$0x6] =	wrdreg s18  }
0x12: {  	v0 =	vimm.f32 $0.0e+00;
	s23 =	rddreg [dreg:$0x5];
	v1 =	vimm.f32 $0.0e+00;
	s18 =	simm.s32 $0x0  }
.LBB2_2:
0x13: {  	s17 =	sshll.u32 s18, $0x7  }
0x14: {  	s19 =	sadd.s32 s6, s17  }
0x15: {  	s17 =	smul.u32 $0x1B, s19;
	_ =	sdelay $0x1  }
0x16: {  	s17 =	sshrl.u32 s17, $0x3  }
0x17: {  	s20 =	simm.s32 $0x0;
	s17 =	sadd.s32 s4, s17  }
0x18: {  	[tilespmem:s20], [sflag:$0x1] =	stream.linear.gather [hbm4b:s17+s20], $0xD80, $0x38;
	[tilespmem:$0xEDA0] =	vst v63  }
0x19: {  	_ =	swait.ge [sflag:s10], $0xD80  }
0x1a: {  	[sflag:s10] =	ssyncset.done $0x0  }
0x1b: {  	s22 =	simm.s32 $0xD80;
	[sflag:s10] =	ssyncadd.s32 $0xFFFFF280  }
0x1c: {  	[tilespmem:s22], [sflag:$0x2] =	stream.indirect.gather [hbm4b:s3+s11], $0x10, s20, s11, $0xb8;
	[tilespmem:$0xEDA0] =	vst v63  }
0x1d: {  	s24 =	simm.s32 $0x1580  }
0x1e: {  	[tilespmem:s24], [sflag:$0x2] =	stream.indirect.gather [hbm4b:s3+s11], $0x10, s11, s11, $0xb8;
	[tilespmem:$0xEDA0] =	vst v63  }
0x1f: {  	s25 =	simm.s32 $0x100;
	s21 =	simm.s32 $0x1D80  }
0x20: {  	[tilespmem:s21], [sflag:$0x2] =	stream.indirect.gather [hbm4b:s3+s11], $0x10, s25, s11, $0xb8;
	[tilespmem:$0xEDA0] =	vst v63  }
0x21: {  	s22 =	simm.s32 $0x2580;
	s21 =	simm.s32 $0x180  }
0x22: {  	[tilespmem:s22], [sflag:$0x2] =	stream.indirect.gather [hbm4b:s3+s11], $0x10, s21, s11, $0xb8;
	[tilespmem:$0xEDA0] =	vst v63  }
0x23: {  	s24 =	simm.s32 $0x200;
	s25 =	simm.s32 $0x2D80  }
0x24: {  	[tilespmem:s25], [sflag:$0x2] =	stream.indirect.gather [hbm4b:s3+s11], $0x10, s24, s11, $0xb8;
	[tilespmem:$0xEDA0] =	vst v63  }
0x25: {  	s21 =	simm.s32 $0x280;
	s22 =	simm.s32 $0x3580  }
0x26: {  	[tilespmem:s22], [sflag:$0x2] =	stream.indirect.gather [hbm4b:s3+s11], $0x10, s21, s11, $0xb8;
	[tilespmem:$0xEDA0] =	vst v63  }
0x27: {  	s24 =	simm.s32 $0x300;
	s25 =	simm.s32 $0x3D80  }
0x28: {  	[tilespmem:s25], [sflag:$0x2] =	stream.indirect.gather [hbm4b:s3+s11], $0x10, s24, s11, $0xb8;
	[tilespmem:$0xEDA0] =	vst v63  }
0x29: {  	s21 =	simm.s32 $0x380;
	s22 =	simm.s32 $0x4580  }
0x2a: {  	[tilespmem:s22], [sflag:$0x2] =	stream.indirect.gather [hbm4b:s3+s11], $0x10, s21, s11, $0xb8;
	[tilespmem:$0xEDA0] =	vst v63  }
0x2b: {  	s24 =	simm.s32 $0x400;
	s25 =	simm.s32 $0x4D80  }
0x2c: {  	[tilespmem:s25], [sflag:$0x2] =	stream.indirect.gather [hbm4b:s3+s11], $0x10, s24, s11, $0xb8;
	[tilespmem:$0xEDA0] =	vst v63  }
0x2d: {  	s21 =	simm.s32 $0x480;
	s22 =	simm.s32 $0x5580  }
0x2e: {  	[tilespmem:s22], [sflag:$0x2] =	stream.indirect.gather [hbm4b:s3+s11], $0x10, s21, s11, $0xb8;
	[tilespmem:$0xEDA0] =	vst v63  }
0x2f: {  	s24 =	simm.s32 $0x500;
	s25 =	simm.s32 $0x5D80  }
0x30: {  	[tilespmem:s25], [sflag:$0x2] =	stream.indirect.gather [hbm4b:s3+s11], $0x10, s24, s11, $0xb8;
	[tilespmem:$0xEDA0] =	vst v63  }
0x31: {  	s21 =	simm.s32 $0x580;
	s22 =	simm.s32 $0x6580  }
0x32: {  	[tilespmem:s22], [sflag:$0x2] =	stream.indirect.gather [hbm4b:s3+s11], $0x10, s21, s11, $0xb8;
	[tilespmem:$0xEDA0] =	vst v63  }
0x33: {  	s24 =	simm.s32 $0x600;
	s25 =	simm.s32 $0x6D80  }
0x34: {  	[tilespmem:s25], [sflag:$0x2] =	stream.indirect.gather [hbm4b:s3+s11], $0x10, s24, s11, $0xb8;
	[tilespmem:$0xEDA0] =	vst v63  }
0x35: {  	s21 =	simm.s32 $0x680;
	s22 =	simm.s32 $0x7580  }
0x36: {  	[tilespmem:s22], [sflag:$0x2] =	stream.indirect.gather [hbm4b:s3+s11], $0x10, s21, s11, $0xb8;
	[tilespmem:$0xEDA0] =	vst v63  }
0x37: {  	s24 =	simm.s32 $0x700;
	s25 =	simm.s32 $0x7D80  }
0x38: {  	[tilespmem:s25], [sflag:$0x2] =	stream.indirect.gather [hbm4b:s3+s11], $0x10, s24, s11, $0xb8;
	[tilespmem:$0xEDA0] =	vst v63  }
0x39: {  	s21 =	simm.s32 $0x780;
	s22 =	simm.s32 $0x8580  }
0x3a: {  	[tilespmem:s22], [sflag:$0x2] =	stream.indirect.gather [hbm4b:s3+s11], $0x10, s21, s11, $0xb8;
	[tilespmem:$0xEDA0] =	vst v63  }
0x3b: {  	s24 =	simm.s32 $0x800;
	s25 =	simm.s32 $0x8D80  }
0x3c: {  	[tilespmem:s25], [sflag:$0x2] =	stream.indirect.gather [hbm4b:s3+s11], $0x10, s24, s11, $0xb8;
	[tilespmem:$0xEDA0] =	vst v63  }
0x3d: {  	s21 =	simm.s32 $0x880;
	s22 =	simm.s32 $0x9580  }
0x3e: {  	[tilespmem:s22], [sflag:$0x2] =	stream.indirect.gather [hbm4b:s3+s11], $0x10, s21, s11, $0xb8;
	[tilespmem:$0xEDA0] =	vst v63  }
0x3f: {  	s24 =	simm.s32 $0x900;
	s25 =	simm.s32 $0x9D80  }
0x40: {  	[tilespmem:s25], [sflag:$0x2] =	stream.indirect.gather [hbm4b:s3+s11], $0x10, s24, s11, $0xb8;
	[tilespmem:$0xEDA0] =	vst v63  }
0x41: {  	s22 =	simm.s32 $0x980;
	s24 =	simm.s32 $0xA580  }
0x42: {  	[tilespmem:s24], [sflag:$0x2] =	stream.indirect.gather [hbm4b:s3+s11], $0x10, s22, s11, $0xb8;
	[tilespmem:$0xEDA0] =	vst v63  }
0x43: {  	s25 =	simm.s32 $0xA00  }
0x44: {  	[tilespmem:s26], [sflag:$0x2] =	stream.indirect.gather [hbm4b:s3+s11], $0x10, s25, s11, $0xb8;
	[tilespmem:$0xEDA0] =	vst v63  }
0x45: {  	_ = 	snop  }
0x46: {  	[tilespmem:s29], [sflag:$0x2] =	stream.indirect.gather [hbm4b:s3+s11], $0x10, s28, s11, $0xb8;
	[tilespmem:$0xEDA0] =	vst v63  }
0x47: {  	_ = 	snop  }
0x48: {  	[tilespmem:s31], [sflag:$0x2] =	stream.indirect.gather [hbm4b:s3+s11], $0x10, s30, s11, $0xb8;
	[tilespmem:$0xEDA0] =	vst v63  }
0x49: {  	_ = 	snop  }
0x4a: {  	[tilespmem:s2], [sflag:$0x2] =	stream.indirect.gather [hbm4b:s3+s11], $0x10, s0, s11, $0xb8;
	[tilespmem:$0xEDA0] =	vst v63  }
0x4b: {  	_ = 	snop  }
0x4c: {  	[tilespmem:s8], [sflag:$0x2] =	stream.indirect.gather [hbm4b:s3+s11], $0x10, s7, s11, $0xb8;
	[tilespmem:$0xEDA0] =	vst v63  }
0x4d: {  	_ = 	snop  }
0x4e: {  	[tilespmem:s1], [sflag:$0x2] =	stream.indirect.gather [hbm4b:s3+s11], $0x10, s9, s11, $0xb8;
	[tilespmem:$0xEDA0] =	vst v63  }
0x4f: {  	_ = 	snop  }
0x50: {  	[tilespmem:s13], [sflag:$0x2] =	stream.indirect.gather [hbm4b:s3+s11], $0x10, s12, s11, $0xb8;
	[tilespmem:$0xEDA0] =	vst v63  }
0x51: {  	_ =	swait.ge [sflag:s14], $0x800  }
0x52: {  	[sflag:s14] =	ssyncset.done $0x0  }
0x53: {  	[sflag:s14] =	ssyncadd.s32 $0xFFFFF800  }
0x54: {  	_ =	swait.ge [sflag:s14], $0x800  }
0x55: {  	[sflag:s14] =	ssyncset.done $0x0  }
0x56: {  	[sflag:s14] =	ssyncadd.s32 $0xFFFFF800  }
0x57: {  	_ =	swait.ge [sflag:s14], $0x800  }
0x58: {  	[sflag:s14] =	ssyncset.done $0x0  }
0x59: {  	[sflag:s14] =	ssyncadd.s32 $0xFFFFF800  }
0x5a: {  	_ =	swait.ge [sflag:s14], $0x800  }
0x5b: {  	[sflag:s14] =	ssyncset.done $0x0  }
0x5c: {  	[sflag:s14] =	ssyncadd.s32 $0xFFFFF800  }
0x5d: {  	_ =	swait.ge [sflag:s14], $0x800  }
0x5e: {  	[sflag:s14] =	ssyncset.done $0x0  }
0x5f: {  	[sflag:s14] =	ssyncadd.s32 $0xFFFFF800  }
0x60: {  	_ =	swait.ge [sflag:s14], $0x800  }
0x61: {  	[sflag:s14] =	ssyncset.done $0x0  }
0x62: {  	[sflag:s14] =	ssyncadd.s32 $0xFFFFF800  }
0x63: {  	_ =	swait.ge [sflag:s14], $0x800  }
0x64: {  	[sflag:s14] =	ssyncset.done $0x0  }
0x65: {  	[sflag:s14] =	ssyncadd.s32 $0xFFFFF800  }
0x66: {  	_ =	swait.ge [sflag:s14], $0x800  }
0x67: {  	[sflag:s14] =	ssyncset.done $0x0  }
0x68: {  	[sflag:s14] =	ssyncadd.s32 $0xFFFFF800  }
0x69: {  	_ =	swait.ge [sflag:s14], $0x800  }
0x6a: {  	[sflag:s14] =	ssyncset.done $0x0  }
0x6b: {  	[sflag:s14] =	ssyncadd.s32 $0xFFFFF800  }
0x6c: {  	_ =	swait.ge [sflag:s14], $0x800  }
0x6d: {  	[sflag:s14] =	ssyncset.done $0x0  }
0x6e: {  	[sflag:s14] =	ssyncadd.s32 $0xFFFFF800  }
0x6f: {  	_ =	swait.ge [sflag:s14], $0x800  }
0x70: {  	[sflag:s14] =	ssyncset.done $0x0  }
0x71: {  	[sflag:s14] =	ssyncadd.s32 $0xFFFFF800  }
0x72: {  	_ =	swait.ge [sflag:s14], $0x800  }
0x73: {  	[sflag:s14] =	ssyncset.done $0x0  }
0x74: {  	[sflag:s14] =	ssyncadd.s32 $0xFFFFF800  }
0x75: {  	_ =	swait.ge [sflag:s14], $0x800  }
0x76: {  	[sflag:s14] =	ssyncset.done $0x0  }
0x77: {  	[sflag:s14] =	ssyncadd.s32 $0xFFFFF800  }
0x78: {  	_ =	swait.ge [sflag:s14], $0x800  }
0x79: {  	[sflag:s14] =	ssyncset.done $0x0  }
0x7a: {  	[sflag:s14] =	ssyncadd.s32 $0xFFFFF800  }
0x7b: {  	_ =	swait.ge [sflag:s14], $0x800  }
0x7c: {  	[sflag:s14] =	ssyncset.done $0x0  }
0x7d: {  	[sflag:s14] =	ssyncadd.s32 $0xFFFFF800  }
0x7e: {  	_ =	swait.ge [sflag:s14], $0x800  }
0x7f: {  	[sflag:s14] =	ssyncset.done $0x0  }
0x80: {  	[sflag:s14] =	ssyncadd.s32 $0xFFFFF800  }
0x81: {  	_ =	swait.ge [sflag:s14], $0x800  }
0x82: {  	[sflag:s14] =	ssyncset.done $0x0  }
0x83: {  	[sflag:s14] =	ssyncadd.s32 $0xFFFFF800  }
0x84: {  	_ =	swait.ge [sflag:s14], $0x800  }
0x85: {  	[sflag:s14] =	ssyncset.done $0x0  }
0x86: {  	[sflag:s14] =	ssyncadd.s32 $0xFFFFF800  }
0x87: {  	_ =	swait.ge [sflag:s14], $0x800  }
0x88: {  	[sflag:s14] =	ssyncset.done $0x0  }
0x89: {  	[sflag:s14] =	ssyncadd.s32 $0xFFFFF800  }
0x8a: {  	_ =	swait.ge [sflag:s14], $0x800  }
0x8b: {  	[sflag:s14] =	ssyncset.done $0x0  }
0x8c: {  	[sflag:s14] =	ssyncadd.s32 $0xFFFFF800  }
0x8d: {  	_ =	swait.ge [sflag:s14], $0x800  }
0x8e: {  	[sflag:s14] =	ssyncset.done $0x0  }
0x8f: {  	[sflag:s14] =	ssyncadd.s32 $0xFFFFF800  }
0x90: {  	_ =	swait.ge [sflag:s14], $0x800  }
0x91: {  	[sflag:s14] =	ssyncset.done $0x0  }
0x92: {  	[sflag:s14] =	ssyncadd.s32 $0xFFFFF800  }
0x93: {  	_ =	swait.ge [sflag:s14], $0x800  }
0x94: {  	[sflag:s14] =	ssyncset.done $0x0  }
0x95: {  	[sflag:s14] =	ssyncadd.s32 $0xFFFFF800  }
0x96: {  	_ =	swait.ge [sflag:s14], $0x800  }
0x97: {  	[sflag:s14] =	ssyncset.done $0x0  }
0x98: {  	[sflag:s14] =	ssyncadd.s32 $0xFFFFF800  }
0x99: {  	_ =	swait.ge [sflag:s14], $0x800  }
0x9a: {  	[sflag:s14] =	ssyncset.done $0x0  }
0x9b: {  	[sflag:s14] =	ssyncadd.s32 $0xFFFFF800  }
0x9c: {  	_ =	swait.ge [sflag:s14], $0x800  }
0x9d: {  	[sflag:s14] =	ssyncset.done $0x0  }
0x9e: {  	[sflag:s14] =	ssyncadd.s32 $0xFFFFF800  }
0x9f: {  	_ =	swait.ge [sflag:s14], $0x800  }
0xa0: {  	[sflag:s14] =	ssyncset.done $0x0  }
0xa1: {  	s22 =	simm.s32 $0xE50;
	[sflag:s14] =	ssyncadd.s32 $0xFFFFF800  }
0xa2: {  	v2 =	vld [tilespmem:s22+$0xFFFFFF40]  }
0xa3: {  	v3 =	vld [tilespmem:s22+$0xFFFFFF30];
	_ =	sdelay $0x1  }
0xa4: {  	v4 =	vld [tilespmem:s22+$0xFFFFFF50];
	_ =	sdelay $0x1  }
0xa5: {  	v5 =	vld [tilespmem:s22+$0xFFFFFF60]  }
0xa6: {  	v2 =	vadd.f32 v2, v3  }
0xa7: {  	v3 =	vld [tilespmem:s22+$0xFFFFFF70]  }
0xa8: {  	v2 =	vadd.f32 v4, v2  }
0xa9: {  	v49 =	vld [tilespmem:s22+$0xFFFFFF80]  }
0xaa: {  	v2 =	vadd.f32 v5, v2  }
0xab: {  	v50 =	vld [tilespmem:s22+$0xFFFFFF90]  }
0xac: {  	v2 =	vadd.f32 v3, v2  }
0xad: {  	v3 =	vld [tilespmem:s22+$0xFFFFFFA0]  }
0xae: {  	v2 =	vadd.f32 v49, v2  }
0xaf: {  	v51 =	vld [tilespmem:s22+$0xFFFFFFB0]  }
0xb0: {  	v2 =	vadd.f32 v50, v2  }
0xb1: {  	v52 =	vld [tilespmem:s22+$0xFFFFFFC0]  }
0xb2: {  	v2 =	vadd.f32 v3, v2  }
0xb3: {  	v3 =	vld [tilespmem:s22+$0xFFFFFFD0]  }
0xb4: {  	v2 =	vadd.f32 v51, v2  }
0xb5: {  	v53 =	vld [tilespmem:s22+$0xFFFFFFE0]  }
0xb6: {  	v2 =	vadd.f32 v52, v2  }
0xb7: {  	v54 =	vld [tilespmem:s22+$0xFFFFFFF0]  }
0xb8: {  	v2 =	vadd.f32 v3, v2  }
0xb9: {  	v3 =	vld [tilespmem:s22+$0x0]  }
0xba: {  	v2 =	vadd.f32 v53, v2  }
0xbb: {  	v55 =	vld [tilespmem:s22+$0x10]  }
0xbc: {  	v2 =	vadd.f32 v54, v2  }
0xbd: {  	v56 =	vld [tilespmem:s22+$0x20]  }
0xbe: {  	v2 =	vadd.f32 v3, v2  }
0xbf: {  	v3 =	vld [tilespmem:s22+$0x30]  }
0xc0: {  	v2 =	vadd.f32 v55, v2  }
0xc1: {  	v57 =	vld [tilespmem:s22+$0x40]  }
0xc2: {  	v2 =	vadd.f32 v56, v2  }
0xc3: {  	v58 =	vld [tilespmem:s22+$0x50]  }
0xc4: {  	v2 =	vadd.f32 v3, v2  }
0xc5: {  	v3 =	vld [tilespmem:s22+$0x60]  }
0xc6: {  	v2 =	vadd.f32 v57, v2  }
0xc7: {  	v59 =	vld [tilespmem:s22+$0x70]  }
0xc8: {  	v2 =	vadd.f32 v58, v2  }
0xc9: {  	v60 =	vld [tilespmem:s22+$0x80]  }
0xca: {  	v2 =	vadd.f32 v3, v2  }
0xcb: {  	v3 =	vld [tilespmem:s22+$0x90]  }
0xcc: {  	v2 =	vadd.f32 v59, v2  }
0xcd: {  	v61 =	vld [tilespmem:s22+$0xA0]  }
0xce: {  	v2 =	vadd.f32 v60, v2  }
0xcf: {  	v62 =	vld [tilespmem:s22+$0xB0]  }
0xd0: {  	v2 =	vadd.f32 v3, v2  }
0xd1: {  	v3 =	vld [tilespmem:s22+$0xC0]  }
0xd2: {  	v2 =	vadd.f32 v61, v2  }
0xd3: {  	v63 =	vld [tilespmem:s22+$0xD0]  }
0xd4: {  	v2 =	vadd.f32 v62, v2;
	_ =	sdelay $0x1  }
0xd5: {  	v2 =	vadd.f32 v3, v2  }
0xd6: {  	p1 =	slt.u32 s23, $0x30D40  }
0xd7: {  	s17 =	smov.u32 s23;
	s21 =	simm.s32 $0x40;
	s24 =	simm.s32 $0x80;
	v2 =	vadd.f32 v63, v2  }
.LBB2_3:
0xd8: {  	s25 =	simm.f32 $1.000000000e+00  }
0xd9: {  	p0 =	sne.s32 s24, $0x1FC0;
	s20 =	sshra.s32 s20, $0x2;
	s25 =	simm.s32 @!p1 $0x0  }
0xda: {  	s22 =	sadd.s32 $0x1B0, s22;
	[tilespmem:s20+$0xE580] =	vst v2;
	v3 =	vmul.f32 s25, v2;
	v2 =	vmul.f32 v2, v2;
	s20 =	smov.u32 s21;
	s21 =	smov.u32 s24  }
0xdb: {  	v4 =	vld [tilespmem:s22+$0xFFFFFF40]  }
0xdc: {  	v5 =	vld [tilespmem:s22+$0xFFFFFF30];
	v1 =	vadd.f32 v3, v1;
	v2 =	vmul.f32 s25, v2;
	_ =	sdelay $0x1  }
0xdd: {  	v3 =	vld [tilespmem:s22+$0xFFFFFF50];
	v0 =	vadd.f32 v2, v0;
	_ =	sdelay $0x1  }
0xde: {  	v2 =	vld [tilespmem:s22+$0xFFFFFF60]  }
0xdf: {  	v4 =	vadd.f32 v4, v5  }
0xe0: {  	v5 =	vld [tilespmem:s22+$0xFFFFFF70]  }
0xe1: {  	v3 =	vadd.f32 v3, v4  }
0xe2: {  	v4 =	vld [tilespmem:s22+$0xFFFFFF80]  }
0xe3: {  	v2 =	vadd.f32 v2, v3  }
0xe4: {  	v3 =	vld [tilespmem:s22+$0xFFFFFF90]  }
0xe5: {  	v2 =	vadd.f32 v5, v2  }
0xe6: {  	v5 =	vld [tilespmem:s22+$0xFFFFFFA0]  }
0xe7: {  	v2 =	vadd.f32 v4, v2  }
0xe8: {  	v4 =	vld [tilespmem:s22+$0xFFFFFFB0]  }
0xe9: {  	v2 =	vadd.f32 v3, v2  }
0xea: {  	v3 =	vld [tilespmem:s22+$0xFFFFFFC0]  }
0xeb: {  	v2 =	vadd.f32 v5, v2  }
0xec: {  	v5 =	vld [tilespmem:s22+$0xFFFFFFD0]  }
0xed: {  	v2 =	vadd.f32 v4, v2  }
0xee: {  	v4 =	vld [tilespmem:s22+$0xFFFFFFE0]  }
0xef: {  	v2 =	vadd.f32 v3, v2  }
0xf0: {  	v3 =	vld [tilespmem:s22+$0xFFFFFFF0]  }
0xf1: {  	v2 =	vadd.f32 v5, v2  }
0xf2: {  	v5 =	vld [tilespmem:s22+$0x0]  }
0xf3: {  	v2 =	vadd.f32 v4, v2  }
0xf4: {  	v4 =	vld [tilespmem:s22+$0x10]  }
0xf5: {  	v2 =	vadd.f32 v3, v2  }
0xf6: {  	v3 =	vld [tilespmem:s22+$0x20]  }
0xf7: {  	v2 =	vadd.f32 v5, v2  }
0xf8: {  	v5 =	vld [tilespmem:s22+$0x30]  }
0xf9: {  	v2 =	vadd.f32 v4, v2  }
0xfa: {  	v4 =	vld [tilespmem:s22+$0x40]  }
0xfb: {  	v2 =	vadd.f32 v3, v2  }
0xfc: {  	v3 =	vld [tilespmem:s22+$0x50]  }
0xfd: {  	v2 =	vadd.f32 v5, v2  }
0xfe: {  	v5 =	vld [tilespmem:s22+$0x60]  }
0xff: {  	v2 =	vadd.f32 v4, v2  }
0x100: {  	v4 =	vld [tilespmem:s22+$0x70]  }
0x101: {  	v2 =	vadd.f32 v3, v2  }
0x102: {  	v3 =	vld [tilespmem:s22+$0x80]  }
0x103: {  	v2 =	vadd.f32 v5, v2  }
0x104: {  	v5 =	vld [tilespmem:s22+$0x90]  }
0x105: {  	v2 =	vadd.f32 v4, v2  }
0x106: {  	v4 =	vld [tilespmem:s22+$0xA0]  }
0x107: {  	v2 =	vadd.f32 v3, v2  }
0x108: {  	v3 =	vld [tilespmem:s22+$0xB0]  }
0x109: {  	v2 =	vadd.f32 v5, v2  }
0x10a: {  	v5 =	vld [tilespmem:s22+$0xC0]  }
0x10b: {  	v2 =	vadd.f32 v4, v2  }
0x10c: {  	v4 =	vld [tilespmem:s22+$0xD0]  }
.Ltmp0:
0x10d: {  	v2 =	vadd.f32 v3, v2;
	(pc) =	sbr.rel @p0 .LBB2_3-.Ltmp0, $4  }
0x10e: {  	_ = 	snop  }
0x10f: {  	v2 =	vadd.f32 v5, v2  }
0x110: {  	s17 =	sadd.s32 $0x1, s17  }
0x111: {  	p1 =	slt.u32 s17, $0x30D40;
	s24 =	sadd.s32 $0x40, s24;
	v2 =	vadd.f32 v4, v2  }
0x112: {  	s20 =	sshra.s32 s20, $0x2  }
0x113: {  	s25 =	sadd.s32 $0x1B0, s22;
	[tilespmem:s20+$0xE580] =	vst v2  }
0x114: {  	v3 =	vld [tilespmem:s25+$0xFFFFFF40]  }
0x115: {  	v4 =	vld [tilespmem:s25+$0xFFFFFF30];
	_ =	sdelay $0x1  }
0x116: {  	v5 =	vld [tilespmem:s25+$0xFFFFFF50];
	_ =	sdelay $0x1  }
0x117: {  	v6 =	vld [tilespmem:s25+$0xFFFFFF60]  }
0x118: {  	v3 =	vadd.f32 v3, v4  }
0x119: {  	v40 =	vld [tilespmem:s25+$0xFFFFFF70]  }
0x11a: {  	v3 =	vadd.f32 v5, v3  }
0x11b: {  	v41 =	vld [tilespmem:s25+$0xFFFFFF80]  }
0x11c: {  	v3 =	vadd.f32 v6, v3  }
0x11d: {  	v42 =	vld [tilespmem:s25+$0xFFFFFF90]  }
0x11e: {  	v3 =	vadd.f32 v40, v3  }
0x11f: {  	v43 =	vld [tilespmem:s25+$0xFFFFFFA0]  }
0x120: {  	v3 =	vadd.f32 v41, v3  }
0x121: {  	v44 =	vld [tilespmem:s25+$0xFFFFFFB0]  }
0x122: {  	v3 =	vadd.f32 v42, v3  }
0x123: {  	v45 =	vld [tilespmem:s25+$0xFFFFFFC0]  }
0x124: {  	v3 =	vadd.f32 v43, v3  }
0x125: {  	v46 =	vld [tilespmem:s25+$0xFFFFFFD0]  }
0x126: {  	v3 =	vadd.f32 v44, v3  }
0x127: {  	v47 =	vld [tilespmem:s25+$0xFFFFFFE0]  }
0x128: {  	v3 =	vadd.f32 v45, v3  }
0x129: {  	v48 =	vld [tilespmem:s25+$0xFFFFFFF0]  }
0x12a: {  	v3 =	vadd.f32 v46, v3  }
0x12b: {  	v49 =	vld [tilespmem:s25+$0x0]  }
0x12c: {  	v3 =	vadd.f32 v47, v3  }
0x12d: {  	v50 =	vld [tilespmem:s25+$0x10]  }
0x12e: {  	v3 =	vadd.f32 v48, v3  }
0x12f: {  	v51 =	vld [tilespmem:s25+$0x20]  }
0x130: {  	v3 =	vadd.f32 v49, v3  }
0x131: {  	v52 =	vld [tilespmem:s25+$0x30]  }
0x132: {  	v3 =	vadd.f32 v50, v3  }
0x133: {  	v53 =	vld [tilespmem:s25+$0x40]  }
0x134: {  	v3 =	vadd.f32 v51, v3  }
0x135: {  	v54 =	vld [tilespmem:s25+$0x50]  }
0x136: {  	v3 =	vadd.f32 v52, v3  }
0x137: {  	v55 =	vld [tilespmem:s25+$0x60]  }
0x138: {  	v3 =	vadd.f32 v53, v3  }
0x139: {  	v56 =	vld [tilespmem:s25+$0x70]  }
0x13a: {  	v3 =	vadd.f32 v54, v3  }
0x13b: {  	v57 =	vld [tilespmem:s25+$0x80]  }
0x13c: {  	v3 =	vadd.f32 v55, v3  }
0x13d: {  	v58 =	vld [tilespmem:s25+$0x90]  }
0x13e: {  	v3 =	vadd.f32 v56, v3  }
0x13f: {  	v59 =	vld [tilespmem:s25+$0xA0]  }
0x140: {  	v3 =	vadd.f32 v57, v3  }
0x141: {  	v60 =	vld [tilespmem:s25+$0xB0]  }
0x142: {  	v3 =	vadd.f32 v58, v3  }
0x143: {  	v61 =	vld [tilespmem:s25+$0xC0]  }
0x144: {  	v3 =	vadd.f32 v59, v3  }
0x145: {  	v62 =	vld [tilespmem:s25+$0xD0]  }
0x146: {  	v3 =	vadd.f32 v60, v3;
	_ =	sdelay $0x1  }
0x147: {  	s17 =	sadd.s32 $0x1, s17;
	v3 =	vadd.f32 v61, v3  }
0x148: {  	s22 =	sshra.s32 s21, $0x2;
	s21 =	simm.f32 $1.000000000e+00;
	s20 =	simm.f32 $1.000000000e+00  }
0x149: {  	s18 =	sadd.s32 $0x1, s18;
	v63 =	vmul.f32 v2, v2;
	p0 =	slt.u32 s17, $0x30D40;
	s20 =	simm.s32 @!p1 $0x0;
	v3 =	vadd.f32 v62, v3  }
0x14a: {  	s19 =	sshll.u32 s19, $0x1;
	s21 =	simm.s32 @!p0 $0x0;
	p0 =	sne.s32 s18, $0x31;
	v2 =	vmul.f32 s20, v2  }
.Ltmp1:
0x14b: {  	s24 =	sadd.s32 s5, s19;
	s25 =	simm.s32 $0x0;
	v4 =	vmul.f32 s20, v63;
	[tilespmem:s22+$0xE580] =	vst v3;
	v5 =	vmul.f32 v3, v3;
	(pc) =	sbr.rel @p0 .LBB2_2-.Ltmp1, $4  }
0x14c: {  	v1 =	vadd.f32 v2, v1;
	[hbm4b:s24+s25] =	stream.linear.scatter [tilespmem:s15], [sflag:$0x3], $0x800, $0x38;
	[tilespmem:$0xEDA0] =	vst v63  }
0x14d: {  	v0 =	vadd.f32 v4, v0;
	v2 =	vmul.f32 s21, v3;
	v3 =	vmul.f32 s21, v5;
	_ =	swait.ge [sflag:s16], $0x800  }
0x14e: {  	[sflag:s16] =	ssyncset.done $0x0  }
0x14f: {  	s23 =	sadd.s32 $0x80, s23;
	v1 =	vadd.f32 v2, v1;
	v0 =	vadd.f32 v3, v0;
	[sflag:s16] =	ssyncadd.s32 $0xFFFFF800  }
0x150: {  	_ = 	snop  }
0x151: {  	[tilespmem:$0xED80] =	vst v1  }
0x152: {  	s17 =	simm.s32 $0x0;
	s18 =	rddreg [dreg:$0x3];
	s19 =	simm.s32 $0xED80;
	[tilespmem:$0xED90] =	vst v0  }
0x153: {  	[hbm4b:s18+s17] =	stream.linear.scatter [tilespmem:s19], [sflag:$0x3], $0x20, $0x38;
	[tilespmem:$0xEDA0] =	vst v63  }
0x154: {  	_ =	swait.ge [sflag:s16], $0x20  }
0x155: {  	s24 =	rddreg [dreg:$0x6]  }
0x156: {  	s25 =	rddreg [dreg:$0x4];
	s18 =	sadd.s32 $0x1, s24  }
0x157: {  	p0 =	sne.s32 s18, s25  }
.Ltmp2:
0x158: {  	_ = 	snop;
	(pc) =	sbr.rel @p0 .LBB2_1-.Ltmp2, $3  }
0x159: {  	_ =	sdelay $0x1  }
0x15a: {  	[sflag:s16] =	ssyncset.done $0x0  }
0x15b: {  	[sflag:s16] =	ssyncadd.s32 $0xFFFFFFE0  }
0x15c: {  	_ =	sfence.sel $0x180000  }
0x15d: {  	[bflag:$0x0] =	sbarrier.arrive $0xFFFF  }
0x15e: {  	_ =	strace $0x90000047  }
0x15f: {  	s0 =	stileid.u32;
	[bflag:$0x2] =	sbarrier.arrive $0xFFFF  }
0x160: {  	p0 =	sne.s32 s0, $0x0;
	s0 =	rddreg [dreg:$0x2]  }
0x161: {  	s0 =	sadd.s32 @!p0 $0x100000, s0  }
0x162: {  	[sflag:s0] =	ssyncadd.tile.s32 @!p0 $0x1;
	_ =	shalt  }
.Lfunc_end2:
_tile_overlayer_lowered:
.L_overlay_start_2:
0x163: {  	(tag) =	ssettag $0x2  }
0x164: {  	s0 =	rddreg [dreg:$0x0];
	s2 =	stileid.u32  }
0x165: {  	s1 =	rddreg [dreg:$0x1];
	p0 =	sne.s32 s2, $0x0  }
0x166: {  	s3 =	rddreg [dreg:$0x2];
	[bflag:$0x3] =	sbarrier.arrive $0xFFFF;
	s2 =	simm.s32 @!p0 $0x1C03  }
0x167: {  	[timem:s3], [sflag:s2] =	dma.local @!p0 [hbm:s0], s1  }
0x168: {  	s0 =	simm.s32 @!p0 $0x3  }
0x169: {  	_ =	swait.ge @!p0 [sflag:s0], s1  }
0x16a: {  	s1 =	ssub.s32 @!p0 $0x0, s1;
	[sflag:s0] =	ssyncset.done @!p0 $0x0  }
0x16b: {  	[sflag:s0] =	ssyncadd.s32 @!p0 s1  }
0x16c: {  	[bflag:$0x3] =	sbarrier.arrive $0xFFFF  }
0x16d: {  	_ =	shalt  }

</sc_bundles>
